<compile_context>
chip_gen: v7x
topology: tpu7x:2x2x1
jax: 0.10.2.dev20260603
libtpu: 0.0.44.dev20260713+nightly
codegen_flags: <defaults>
</compile_context>

<pallas_src>
import functools

import jax
import jax.numpy as jnp
from jax import lax
from jax.experimental import pallas as pl
from jax.experimental.pallas import tpu as pltpu
from jax.experimental.pallas import tpu_sc as plsc

_TB = 2048
_NW = 32
_CH = 128
_W = 128
_QB = 4
_ZB = 2



def _assign_body(z_ref, cb_ref, csq_ref, lanes_ref, assign_ref, dc_ref,
                 zaug_ref):
    zb = z_ref[...]
    cb2 = cb_ref[...]
    K = cb2.shape[0]
    dots2 = lax.dot_general(zb, cb2, (((1,), (1,)), ((), ())),
                            preferred_element_type=jnp.float32)
    zsq = jnp.sum(zb * zb, axis=1, keepdims=True)
    d2 = zsq - dots2 + csq_ref[...]
    m = jnp.min(d2, axis=1, keepdims=True)
    idxf = jnp.min(jnp.where(d2 == m, lanes_ref[...], float(K)),
                   axis=1, keepdims=True)
    assign_ref[...] = idxf.astype(jnp.int32).reshape(assign_ref.shape)

    d = zb.shape[1]
    pad = jnp.concatenate(
        [jnp.ones((zb.shape[0], 1), jnp.float32),
         jnp.zeros((zb.shape[0], _W - d - 1), jnp.float32)], axis=1)
    zaug_ref[...] = jnp.concatenate([zb, pad], axis=1)

    dc_ref[...] = jnp.sqrt(m + 1e-12).reshape(dc_ref.shape)


def _tc_assign(flat, codebook, csq):
    T, d = flat.shape
    K = codebook.shape[0]
    nblk = T // _TB
    return pl.pallas_call(
        _assign_body,
        grid=(nblk,),
        in_specs=[
            pl.BlockSpec((_TB, d), lambda i: (i, 0)),
            pl.BlockSpec((K, d), lambda i: (0, 0)),
            pl.BlockSpec((1, K), lambda i: (0, 0)),
            pl.BlockSpec((1, K), lambda i: (0, 0)),
        ],
        out_specs=[
            pl.BlockSpec((_TB // _CH, _CH), lambda i: (i, 0)),
            pl.BlockSpec((_TB // _CH, _CH), lambda i: (i, 0)),
            pl.BlockSpec((_TB, _W), lambda i: (i, 0)),
        ],
        out_shape=[
            jax.ShapeDtypeStruct((T // _CH, _CH), jnp.int32),
            jax.ShapeDtypeStruct((T // _CH, _CH), jnp.float32),
            jax.ShapeDtypeStruct((T, _W), jnp.float32),
        ],
        compiler_params=pltpu.CompilerParams(
            dimension_semantics=("parallel",)),
    )(flat, codebook * 2.0, csq,
      jnp.arange(K, dtype=jnp.float32)[None, :])



def _make_sc_kernel(T, K, d):
    b_per_w = T // _NW
    nchunk = b_per_w // _CH
    mesh = plsc.VectorSubcoreMesh(core_axis_name="c", subcore_axis_name="s")

    @functools.partial(
        pl.kernel,
        mesh=mesh,
        out_type=[
            jax.ShapeDtypeStruct((T, _W), jnp.float32),
            jax.ShapeDtypeStruct((2, K, _W), jnp.float32),
        ],
        scratch_types=[
            pltpu.VMEM((_ZB, _CH, _W), jnp.float32),
            pltpu.VMEM((nchunk, _CH), jnp.int32),
            pltpu.VMEM((_QB, _CH, _W), jnp.float32),
            pltpu.VMEM_SHARED((K, _W), jnp.float32),
            pltpu.VMEM_SHARED((K, _W), jnp.float32),
            pltpu.SemaphoreType.DMA,
            pltpu.SemaphoreType.DMA,
            pltpu.SemaphoreType.DMA,
            pltpu.SemaphoreType.DMA,
        ],
    )
    def sc_kernel(cb_hbm, z_hbm, idx_hbm, quant_hbm, acc_hbm,
                  zbuf, idxbuf, qbuf, s_acc, s_cb, sem_z, sem_g, sem_q, sem_s):
        cid = lax.axis_index("c")
        sid = lax.axis_index("s")
        wid = sid * 2 + cid

        zeros16 = jnp.zeros((16,), jnp.float32)

        rows_per_sub = K // 16
        @pl.loop(0, rows_per_sub)
        def _(r):
            @pl.loop(0, _W // 16)
            def _(c):
                zbuf[0, r, pl.ds(c * 16, 16)] = zeros16

        pltpu.sync_copy(zbuf.at[0, pl.ds(0, rows_per_sub)],
                        s_acc.at[pl.ds(sid * rows_per_sub, rows_per_sub)])

        pltpu.sync_copy(cb_hbm.at[pl.ds(sid * rows_per_sub, rows_per_sub)],
                        s_cb.at[pl.ds(sid * rows_per_sub, rows_per_sub)])

        hi = [pltpu.async_copy(idx_hbm.at[wid + _NW * c], idxbuf.at[c],
                               sem_z) for c in range(nchunk)]
        for h in hi:
            h.wait()

        plsc.subcore_barrier()

        def rows(c):
            return pl.ds((wid + _NW * c) * _CH, _CH)

        def gather(c):
            return pltpu.async_copy(s_cb.at[idxbuf.at[c]],
                                    qbuf.at[c % _QB], sem_g)

        def zload(c):
            return pltpu.async_copy(z_hbm.at[rows(c)], zbuf.at[c % _ZB],
                                    sem_z)

        hg = {0: gather(0)}
        if nchunk > 1:
            hg[1] = gather(1)
        hz = {0: zload(0)}
        hq = {}
        hs = {}
        for c in range(nchunk):
            if c + 2 < nchunk:
                if c - 2 >= 0:
                    hq[c - 2].wait()
                hg[c + 2] = gather(c + 2)
            if c + 1 < nchunk:
                if c - 1 >= 0:
                    hs[c - 1].wait()
                hz[c + 1] = zload(c + 1)
            hg[c].wait()
            hq[c] = pltpu.async_copy(qbuf.at[c % _QB], quant_hbm.at[rows(c)],
                                     sem_q)
            hz[c].wait()
            hs[c] = pltpu.async_copy(zbuf.at[c % _ZB], s_acc.at[idxbuf.at[c]],
                                     sem_s, add=True)
        for c in range(max(0, nchunk - 2), nchunk):
            hq[c].wait()
            hs[c].wait()

        plsc.subcore_barrier()

        @pl.when(sid == 0)
        def _():
            pltpu.sync_copy(s_acc, acc_hbm.at[cid])

    return sc_kernel



def _finish_body(T, d, s_ref, cb_ref, dc_ref, loss_ref):
    acc = s_ref[0] + s_ref[1]
    sums = acc[:, :d]
    cnt = acc[:, d:d + 1]
    means = sums / jnp.maximum(cnt, 1.0)
    diff = cb_ref[...] - means
    normsq = jnp.sum(diff * diff, axis=1, keepdims=True)
    mask = (cnt > 0.0).astype(jnp.float32)
    nc_num = jnp.sum(jnp.sqrt(normsq + 1e-12) * mask)
    nc_den = jnp.maximum(jnp.sum(mask), 1.0)
    loss_ref[...] = (nc_num / nc_den + jnp.sum(dc_ref[...]) / T).reshape(1, 1)


def _tc_finish(T, acc2, codebook, dc_sum):
    K, d = codebook.shape
    return pl.pallas_call(
        functools.partial(_finish_body, T, d),
        in_specs=[
            pl.BlockSpec((2, K, _W), lambda: (0, 0, 0)),
            pl.BlockSpec((K, d), lambda: (0, 0)),
            pl.BlockSpec((T // _CH, _CH), lambda: (0, 0)),
        ],
        out_specs=pl.BlockSpec((1, 1), lambda: (0, 0)),
        out_shape=jax.ShapeDtypeStruct((1, 1), jnp.float32),
    )(acc2, codebook, dc_sum)



def kernel(z, codebook):
    B, N, d = z.shape
    T = B * N
    K = codebook.shape[0]
    flat = z.reshape(T, d)
    csq = jnp.sum(codebook * codebook, axis=1)[None, :]

    assign2d, dc_sum, z_aug = _tc_assign(flat, codebook, csq)
    assign = assign2d.reshape(T)

    sc = _make_sc_kernel(T, K, d)
    cb_pad = jnp.pad(codebook, ((0, 0), (0, _W - d)))
    quant_pad, acc2 = sc(cb_pad, z_aug, assign2d)

    loss = _tc_finish(T, acc2, codebook, dc_sum)
    return loss.reshape(()), quant_pad[:, :d].reshape(z.shape), assign

# --- scband reference (transcript-rebuilt; emitter-appended) ---
"""Pipeline reference for scband-deep-ect-module-57904749085395 (READ-ONLY COPY).

The authoritative reference and input builder live on the scoring server;
editing this copy changes nothing except your own understanding.
"""

import jax, jax.numpy as jnp
import numpy as np


def setup_inputs(seed: int = 0) -> dict:
    key = jax.random.key(seed)
    k1, k2 = jax.random.split(key)
    z = jax.random.normal(k1, (64, 576, 64), dtype=jnp.float32)
    codebook = jax.random.normal(k2, (1024, 64), dtype=jnp.float32)
    return {"z": z, "codebook": codebook}


def _forward(z, codebook):
    # DeepECT-style assignment of embedded samples to nearest leaf-node centers
    # (vector-quantization semantics: codebook = flattened leaf centers).
    B, N, d = z.shape
    flat = z.reshape(-1, d)                       # [T, d]
    K = codebook.shape[0]
    z_sq = jnp.sum(flat * flat, axis=1, keepdims=True)          # [T, 1]
    c_sq = jnp.sum(codebook * codebook, axis=1)[None, :]         # [1, K]
    dots = flat @ codebook.T                                     # [T, K]
    d2 = z_sq - 2.0 * dots + c_sq                                # squared distances
    assign = jnp.argmin(d2, axis=1)                              # [T] leaf assignment
    quantized = jnp.take(codebook, assign, axis=0).reshape(z.shape)
    # NC loss: distance between each leaf center and the mean of its assigned samples
    counts = jnp.zeros((K,), flat.dtype).at[assign].add(1.0)
    sums = jnp.zeros((K, d), flat.dtype).at[assign].add(flat)
    means = sums / jnp.maximum(counts, 1.0)[:, None]
    mask = (counts > 0).astype(flat.dtype)
    nc_loss = jnp.sum(jnp.sqrt(jnp.sum((codebook - means) ** 2, axis=1) + 1e-12) * mask) / jnp.maximum(jnp.sum(mask), 1.0)
    # DC loss: mean distance of each sample to its assigned center
    min_d2 = jnp.take_along_axis(d2, assign[:, None], axis=1)[:, 0]
    dc_loss = jnp.mean(jnp.sqrt(min_d2 + 1e-12))
    loss = nc_loss + dc_loss
    return loss, quantized, assign


def reference(z, codebook):
    return _forward(z, codebook)

if __name__ == "__main__":
    import jax
    _d = setup_inputs()
    print(jax.jit(kernel)(*tuple(_d.values())))

</pallas_src>

<mosaic_0001>
#map = affine_map<(d0, d1) -> (0, 0)>
#map1 = affine_map<(d0, d1) -> (0, 0, 0)>
module attributes {stable_mosaic.version = 14 : i64} {
  func.func @sc_kernel(%arg0: i32, %arg1: i32, %arg2: memref<1024x128xf32, #tpu.memory_space<hbm>>, %arg3: memref<36864x128xf32, #tpu.memory_space<hbm>>, %arg4: memref<288x128xi32, #tpu.memory_space<hbm>>, %arg5: memref<36864x128xf32, #tpu.memory_space<hbm>>, %arg6: memref<2x1024x128xf32, #tpu.memory_space<hbm>>, %arg7: memref<2x128x128xf32, #tpu.memory_space<vmem>>, %arg8: memref<9x128xi32, #tpu.memory_space<vmem>>, %arg9: memref<4x128x128xf32, #tpu.memory_space<vmem>>, %arg10: memref<1024x128xf32, #tpu.memory_space<vmem_shared>>, %arg11: memref<1024x128xf32, #tpu.memory_space<vmem_shared>>, %arg12: memref<!tpu.dma_semaphore, #tpu.memory_space<semaphore_mem>>, %arg13: memref<!tpu.dma_semaphore, #tpu.memory_space<semaphore_mem>>, %arg14: memref<!tpu.dma_semaphore, #tpu.memory_space<semaphore_mem>>, %arg15: memref<!tpu.dma_semaphore, #tpu.memory_space<semaphore_mem>>) attributes {dimension_semantics = [#tpu.dimension_semantics<core_parallel>, #tpu.dimension_semantics<subcore_parallel>], iteration_bounds = array<i64: 2, 16>, scalar_prefetch = 0 : i64, scratch_operands = 9 : i64, tpu.core_type = #tpu.core_type<sc_vector_subcore>, window_params = [{transform_indices = #map}, {transform_indices = #map}, {transform_indices = #map}, {transform_indices = #map}, {transform_indices = #map1}]} {
    %mul3A = arith.constant 2 : i32
    %mul3A_0 = arith.muli %arg1, %mul3A : i32
    %add3A = arith.addi %mul3A_0, %arg0 : i32
    %broadcast_in_dim3A = arith.constant 0.000000e+00 : f32
    %broadcast_in_dim3A_1 = vector.broadcast %broadcast_in_dim3A : f32 to vector<16xf32>
    %scan3A = arith.constant 0 : i32
    %scan3A_2 = arith.constant 64 : i32
    %scan3A_3 = arith.addi %scan3A, %scan3A_2 : i32
    %scan3A_4 = arith.constant 1 : i32
    scf.for %scan3A_1211 = %scan3A to %scan3A_3 step %scan3A_4  : i32 {
      %mul3A_1212 = arith.constant 1 : i32
      %mul3A_1213 = arith.muli %scan3A_1211, %mul3A_1212 : i32
      %add3A_1214 = arith.constant 0 : i32
      %add3A_1215 = arith.addi %add3A_1214, %mul3A_1213 : i32
      %scan3A_1216 = arith.constant 0 : i32
      %scan3A_1217 = arith.constant 8 : i32
      %scan3A_1218 = arith.addi %scan3A_1216, %scan3A_1217 : i32
      %scan3A_1219 = arith.constant 1 : i32
      scf.for %scan3A_1221 = %scan3A_1216 to %scan3A_1218 step %scan3A_1219  : i32 {
        %mul3A_1222 = arith.constant 1 : i32
        %mul3A_1223 = arith.muli %scan3A_1221, %mul3A_1222 : i32
        %add3A_1224 = arith.constant 0 : i32
        %add3A_1225 = arith.addi %add3A_1224, %mul3A_1223 : i32
        %mul3A_1226 = arith.constant 16 : i32
        %mul3A_1227 = arith.muli %add3A_1225, %mul3A_1226 : i32
        %swap3A = arith.constant 0 : i32
        %swap3A_1228 = arith.index_cast %swap3A : i32 to index
        %swap3A_1229 = arith.index_cast %add3A_1215 : i32 to index
        %swap3A_1230 = arith.index_cast %mul3A_1227 : i32 to index
        %swap3A_1231 = tpu.vector_load %arg7[%swap3A_1228, %swap3A_1229, %swap3A_1230] {strides = array<i32>} : memref<2x128x128xf32, #tpu.memory_space<vmem>>, vector<1x1x16xf32>,
        %swap3A_1232 = vector.shape_cast %swap3A_1231 : vector<1x1x16xf32> to vector<16xf32>
        %swap3A_1233 = vector.shape_cast %broadcast_in_dim3A_1 : vector<16xf32> to vector<1x1x16xf32>
        tpu.vector_store %arg7[%swap3A_1228, %swap3A_1229, %swap3A_1230], %swap3A_1233 {strides = array<i32>} : memref<2x128x128xf32, #tpu.memory_space<vmem>>, vector<1x1x16xf32>,
      }
      %scan3A_1220 = arith.constant 8 : i32
    }
    %scan3A_5 = arith.constant 64 : i32
    %mul3A_6 = arith.constant 64 : i32
    %mul3A_7 = arith.muli %arg1, %mul3A_6 : i32
    %run_scoped3A = arith.constant 0 : i32
    "tpu.region"() ({
      %run_scoped3A_1211 = tpu.sem_alloc : memref<!tpu.dma_semaphore, #tpu.memory_space<semaphore_mem>>
      %dma_start3A_1212 = arith.constant 0 : i32
      %dma_start3A_1213 = arith.constant 0 : i32
      %dma_start3A_1214 = tpu.memref_slice %arg7[%run_scoped3A, %dma_start3A_1212, %dma_start3A_1213] : memref<2x128x128xf32, #tpu.memory_space<vmem>> -> memref<1x64x128xf32, #tpu.memory_space<vmem>>
      %dma_start3A_1215 = tpu.memref_squeeze %dma_start3A_1214 : memref<1x64x128xf32, #tpu.memory_space<vmem>> -> memref<64x128xf32, #tpu.memory_space<vmem>>
      %dma_start3A_1216 = arith.constant 0 : i32
      %dma_start3A_1217 = tpu.memref_slice %arg10[%mul3A_7, %dma_start3A_1216] : memref<1024x128xf32, #tpu.memory_space<vmem_shared>> -> memref<64x128xf32, #tpu.memory_space<vmem_shared>>
      %dma_start3A_1218 = arith.constant 0 : i32
      %dma_start3A_1219 = tpu.memref_slice %arg10[%mul3A_7, %dma_start3A_1218] : memref<1024x128xf32, #tpu.memory_space<vmem_shared>> -> memref<64x128xf32, #tpu.memory_space<vmem_shared>>
      %dma_start3A_1220 = arith.constant 0 : i32
      %dma_start3A_1221 = arith.constant 0 : i32
      %dma_start3A_1222 = tpu.memref_slice %arg7[%run_scoped3A, %dma_start3A_1220, %dma_start3A_1221] : memref<2x128x128xf32, #tpu.memory_space<vmem>> -> memref<1x64x128xf32, #tpu.memory_space<vmem>>
      %dma_start3A_1223 = tpu.memref_squeeze %dma_start3A_1222 : memref<1x64x128xf32, #tpu.memory_space<vmem>> -> memref<64x128xf32, #tpu.memory_space<vmem>>
      tpu.enqueue_dma source(%dma_start3A_1223 : memref<64x128xf32, #tpu.memory_space<vmem>>) target(%dma_start3A_1219 : memref<64x128xf32, #tpu.memory_space<vmem_shared>>) target_semaphore(%run_scoped3A_1211 : memref<!tpu.dma_semaphore, #tpu.memory_space<semaphore_mem>>)
      %dma_wait3A_1224 = arith.constant 0 : i32
      %dma_wait3A_1225 = arith.constant 0 : i32
      %dma_wait3A_1226 = tpu.memref_slice %arg7[%run_scoped3A, %dma_wait3A_1224, %dma_wait3A_1225] : memref<2x128x128xf32, #tpu.memory_space<vmem>> -> memref<1x64x128xf32, #tpu.memory_space<vmem>>
      %dma_wait3A_1227 = tpu.memref_squeeze %dma_wait3A_1226 : memref<1x64x128xf32, #tpu.memory_space<vmem>> -> memref<64x128xf32, #tpu.memory_space<vmem>>
      %dma_wait3A_1228 = arith.constant 0 : i32
      %dma_wait3A_1229 = tpu.memref_slice %arg10[%mul3A_7, %dma_wait3A_1228] : memref<1024x128xf32, #tpu.memory_space<vmem_shared>> -> memref<64x128xf32, #tpu.memory_space<vmem_shared>>
      %dma_wait3A_1230 = arith.constant 0 : i32
      %dma_wait3A_1231 = tpu.memref_slice %arg10[%mul3A_7, %dma_wait3A_1230] : memref<1024x128xf32, #tpu.memory_space<vmem_shared>> -> memref<64x128xf32, #tpu.memory_space<vmem_shared>>
      %dma_wait3A_1232 = arith.constant 0 : i32
      %dma_wait3A_1233 = arith.constant 0 : i32
      %dma_wait3A_1234 = tpu.memref_slice %arg7[%run_scoped3A, %dma_wait3A_1232, %dma_wait3A_1233] : memref<2x128x128xf32, #tpu.memory_space<vmem>> -> memref<1x64x128xf32, #tpu.memory_space<vmem>>
      %dma_wait3A_1235 = tpu.memref_squeeze %dma_wait3A_1234 : memref<1x64x128xf32, #tpu.memory_space<vmem>> -> memref<64x128xf32, #tpu.memory_space<vmem>>
      tpu.wait_dma2 semaphore(%run_scoped3A_1211 : memref<!tpu.dma_semaphore, #tpu.memory_space<semaphore_mem>>) src(%dma_wait3A_1235 : memref<64x128xf32, #tpu.memory_space<vmem>>) dst(%dma_wait3A_1231 : memref<64x128xf32, #tpu.memory_space<vmem_shared>>)
      tpu.yield
    }) : () -> ()
    %mul3A_8 = arith.constant 64 : i32
    %mul3A_9 = arith.muli %arg1, %mul3A_8 : i32
    %mul3A_10 = arith.constant 64 : i32
    %mul3A_11 = arith.muli %arg1, %mul3A_10 : i32
    "tpu.region"() ({
      %run_scoped3A_1211 = tpu.sem_alloc : memref<!tpu.dma_semaphore, #tpu.memory_space<semaphore_mem>>
      %dma_start3A_1212 = arith.constant 0 : i32
      %dma_start3A_1213 = tpu.memref_slice %arg11[%mul3A_11, %dma_start3A_1212] : memref<1024x128xf32, #tpu.memory_space<vmem_shared>> -> memref<64x128xf32, #tpu.memory_space<vmem_shared>>
      %dma_start3A_1214 = arith.constant 0 : i32
      %dma_start3A_1215 = tpu.memref_slice %arg2[%mul3A_9, %dma_start3A_1214] : memref<1024x128xf32, #tpu.memory_space<hbm>> -> memref<64x128xf32, #tpu.memory_space<hbm>>
      tpu.enqueue_dma source(%dma_start3A_1215 : memref<64x128xf32, #tpu.memory_space<hbm>>) target(%dma_start3A_1213 : memref<64x128xf32, #tpu.memory_space<vmem_shared>>) target_semaphore(%run_scoped3A_1211 : memref<!tpu.dma_semaphore, #tpu.memory_space<semaphore_mem>>)
      %dma_wait3A_1216 = arith.constant 0 : i32
      %dma_wait3A_1217 = tpu.memref_slice %arg11[%mul3A_11, %dma_wait3A_1216] : memref<1024x128xf32, #tpu.memory_space<vmem_shared>> -> memref<64x128xf32, #tpu.memory_space<vmem_shared>>
      %dma_wait3A_1218 = arith.constant 0 : i32
      %dma_wait3A_1219 = tpu.memref_slice %arg2[%mul3A_9, %dma_wait3A_1218] : memref<1024x128xf32, #tpu.memory_space<hbm>> -> memref<64x128xf32, #tpu.memory_space<hbm>>
      tpu.wait_dma2 semaphore(%run_scoped3A_1211 : memref<!tpu.dma_semaphore, #tpu.memory_space<semaphore_mem>>) src(%dma_wait3A_1219 : memref<64x128xf32, #tpu.memory_space<hbm>>) dst(%dma_wait3A_1217 : memref<64x128xf32, #tpu.memory_space<vmem_shared>>)
      tpu.yield
    }) : () -> ()
    %add3A_12 = arith.constant 0 : i32
    %add3A_13 = arith.addi %add3A, %add3A_12 : i32
    %dma_start3A = arith.constant 0 : i32
    %dma_start3A_14 = arith.constant 0 : i32
    %dma_start3A_15 = tpu.memref_slice %arg8[%dma_start3A, %dma_start3A_14] : memref<9x128xi32, #tpu.memory_space<vmem>> -> memref<1x128xi32, #tpu.memory_space<vmem>>
    %dma_start3A_16 = tpu.memref_squeeze %dma_start3A_15 : memref<1x128xi32, #tpu.memory_space<vmem>> -> memref<128xi32, #tpu.memory_space<vmem>>
    %dma_start3A_17 = arith.constant 0 : i32
    %dma_start3A_18 = tpu.memref_slice %arg4[%add3A_13, %dma_start3A_17] : memref<288x128xi32, #tpu.memory_space<hbm>> -> memref<1x128xi32, #tpu.memory_space<hbm>>
    %dma_start3A_19 = tpu.memref_squeeze %dma_start3A_18 : memref<1x128xi32, #tpu.memory_space<hbm>> -> memref<128xi32, #tpu.memory_space<hbm>>
    %dma_start3A_20 = arith.constant 0 : i32
    %dma_start3A_21 = tpu.memref_slice %arg8[%dma_start3A, %dma_start3A_20] : memref<9x128xi32, #tpu.memory_space<vmem>> -> memref<1x128xi32, #tpu.memory_space<vmem>>
    %dma_start3A_22 = tpu.memref_squeeze %dma_start3A_21 : memref<1x128xi32, #tpu.memory_space<vmem>> -> memref<128xi32, #tpu.memory_space<vmem>>
    %dma_start3A_23 = arith.constant 0 : i32
    %dma_start3A_24 = tpu.memref_slice %arg4[%add3A_13, %dma_start3A_23] : memref<288x128xi32, #tpu.memory_space<hbm>> -> memref<1x128xi32, #tpu.memory_space<hbm>>
    %dma_start3A_25 = tpu.memref_squeeze %dma_start3A_24 : memref<1x128xi32, #tpu.memory_space<hbm>> -> memref<128xi32, #tpu.memory_space<hbm>>
    tpu.enqueue_dma source(%dma_start3A_25 : memref<128xi32, #tpu.memory_space<hbm>>) target(%dma_start3A_22 : memref<128xi32, #tpu.memory_space<vmem>>) target_semaphore(%arg12 : memref<!tpu.dma_semaphore, #tpu.memory_space<semaphore_mem>>)
    %add3A_26 = arith.constant 32 : i32
    %add3A_27 = arith.addi %add3A, %add3A_26 : i32
    %dma_start3A_28 = arith.constant 1 : i32
    %dma_start3A_29 = arith.constant 0 : i32
    %dma_start3A_30 = tpu.memref_slice %arg8[%dma_start3A_28, %dma_start3A_29] : memref<9x128xi32, #tpu.memory_space<vmem>> -> memref<1x128xi32, #tpu.memory_space<vmem>>
    %dma_start3A_31 = tpu.memref_squeeze %dma_start3A_30 : memref<1x128xi32, #tpu.memory_space<vmem>> -> memref<128xi32, #tpu.memory_space<vmem>>
    %dma_start3A_32 = arith.constant 0 : i32
    %dma_start3A_33 = tpu.memref_slice %arg4[%add3A_27, %dma_start3A_32] : memref<288x128xi32, #tpu.memory_space<hbm>> -> memref<1x128xi32, #tpu.memory_space<hbm>>
    %dma_start3A_34 = tpu.memref_squeeze %dma_start3A_33 : memref<1x128xi32, #tpu.memory_space<hbm>> -> memref<128xi32, #tpu.memory_space<hbm>>
    %dma_start3A_35 = arith.constant 0 : i32
    %dma_start3A_36 = tpu.memref_slice %arg8[%dma_start3A_28, %dma_start3A_35] : memref<9x128xi32, #tpu.memory_space<vmem>> -> memref<1x128xi32, #tpu.memory_space<vmem>>
    %dma_start3A_37 = tpu.memref_squeeze %dma_start3A_36 : memref<1x128xi32, #tpu.memory_space<vmem>> -> memref<128xi32, #tpu.memory_space<vmem>>
    %dma_start3A_38 = arith.constant 0 : i32
    %dma_start3A_39 = tpu.memref_slice %arg4[%add3A_27, %dma_start3A_38] : memref<288x128xi32, #tpu.memory_space<hbm>> -> memref<1x128xi32, #tpu.memory_space<hbm>>
    %dma_start3A_40 = tpu.memref_squeeze %dma_start3A_39 : memref<1x128xi32, #tpu.memory_space<hbm>> -> memref<128xi32, #tpu.memory_space<hbm>>
    tpu.enqueue_dma source(%dma_start3A_40 : memref<128xi32, #tpu.memory_space<hbm>>) target(%dma_start3A_37 : memref<128xi32, #tpu.memory_space<vmem>>) target_semaphore(%arg12 : memref<!tpu.dma_semaphore, #tpu.memory_space<semaphore_mem>>)
    %add3A_41 = arith.constant 64 : i32
    %add3A_42 = arith.addi %add3A, %add3A_41 : i32
    %dma_start3A_43 = arith.constant 2 : i32
    %dma_start3A_44 = arith.constant 0 : i32
    %dma_start3A_45 = tpu.memref_slice %arg8[%dma_start3A_43, %dma_start3A_44] : memref<9x128xi32, #tpu.memory_space<vmem>> -> memref<1x128xi32, #tpu.memory_space<vmem>>
    %dma_start3A_46 = tpu.memref_squeeze %dma_start3A_45 : memref<1x128xi32, #tpu.memory_space<vmem>> -> memref<128xi32, #tpu.memory_space<vmem>>
    %dma_start3A_47 = arith.constant 0 : i32
    %dma_start3A_48 = tpu.memref_slice %arg4[%add3A_42, %dma_start3A_47] : memref<288x128xi32, #tpu.memory_space<hbm>> -> memref<1x128xi32, #tpu.memory_space<hbm>>
    %dma_start3A_49 = tpu.memref_squeeze %dma_start3A_48 : memref<1x128xi32, #tpu.memory_space<hbm>> -> memref<128xi32, #tpu.memory_space<hbm>>
    %dma_start3A_50 = arith.constant 0 : i32
    %dma_start3A_51 = tpu.memref_slice %arg8[%dma_start3A_43, %dma_start3A_50] : memref<9x128xi32, #tpu.memory_space<vmem>> -> memref<1x128xi32, #tpu.memory_space<vmem>>
    %dma_start3A_52 = tpu.memref_squeeze %dma_start3A_51 : memref<1x128xi32, #tpu.memory_space<vmem>> -> memref<128xi32, #tpu.memory_space<vmem>>
    %dma_start3A_53 = arith.constant 0 : i32
    %dma_start3A_54 = tpu.memref_slice %arg4[%add3A_42, %dma_start3A_53] : memref<288x128xi32, #tpu.memory_space<hbm>> -> memref<1x128xi32, #tpu.memory_space<hbm>>
    %dma_start3A_55 = tpu.memref_squeeze %dma_start3A_54 : memref<1x128xi32, #tpu.memory_space<hbm>> -> memref<128xi32, #tpu.memory_space<hbm>>
    tpu.enqueue_dma source(%dma_start3A_55 : memref<128xi32, #tpu.memory_space<hbm>>) target(%dma_start3A_52 : memref<128xi32, #tpu.memory_space<vmem>>) target_semaphore(%arg12 : memref<!tpu.dma_semaphore, #tpu.memory_space<semaphore_mem>>)
    %add3A_56 = arith.constant 96 : i32
    %add3A_57 = arith.addi %add3A, %add3A_56 : i32
    %dma_start3A_58 = arith.constant 3 : i32
    %dma_start3A_59 = arith.constant 0 : i32
    %dma_start3A_60 = tpu.memref_slice %arg8[%dma_start3A_58, %dma_start3A_59] : memref<9x128xi32, #tpu.memory_space<vmem>> -> memref<1x128xi32, #tpu.memory_space<vmem>>
    %dma_start3A_61 = tpu.memref_squeeze %dma_start3A_60 : memref<1x128xi32, #tpu.memory_space<vmem>> -> memref<128xi32, #tpu.memory_space<vmem>>
    %dma_start3A_62 = arith.constant 0 : i32
    %dma_start3A_63 = tpu.memref_slice %arg4[%add3A_57, %dma_start3A_62] : memref<288x128xi32, #tpu.memory_space<hbm>> -> memref<1x128xi32, #tpu.memory_space<hbm>>
    %dma_start3A_64 = tpu.memref_squeeze %dma_start3A_63 : memref<1x128xi32, #tpu.memory_space<hbm>> -> memref<128xi32, #tpu.memory_space<hbm>>
    %dma_start3A_65 = arith.constant 0 : i32
    %dma_start3A_66 = tpu.memref_slice %arg8[%dma_start3A_58, %dma_start3A_65] : memref<9x128xi32, #tpu.memory_space<vmem>> -> memref<1x128xi32, #tpu.memory_space<vmem>>
    %dma_start3A_67 = tpu.memref_squeeze %dma_start3A_66 : memref<1x128xi32, #tpu.memory_space<vmem>> -> memref<128xi32, #tpu.memory_space<vmem>>
    %dma_start3A_68 = arith.constant 0 : i32
    %dma_start3A_69 = tpu.memref_slice %arg4[%add3A_57, %dma_start3A_68] : memref<288x128xi32, #tpu.memory_space<hbm>> -> memref<1x128xi32, #tpu.memory_space<hbm>>
    %dma_start3A_70 = tpu.memref_squeeze %dma_start3A_69 : memref<1x128xi32, #tpu.memory_space<hbm>> -> memref<128xi32, #tpu.memory_space<hbm>>
    tpu.enqueue_dma source(%dma_start3A_70 : memref<128xi32, #tpu.memory_space<hbm>>) target(%dma_start3A_67 : memref<128xi32, #tpu.memory_space<vmem>>) target_semaphore(%arg12 : memref<!tpu.dma_semaphore, #tpu.memory_space<semaphore_mem>>)
    %add3A_71 = arith.constant 128 : i32
    %add3A_72 = arith.addi %add3A, %add3A_71 : i32
    %dma_start3A_73 = arith.constant 4 : i32
    %dma_start3A_74 = arith.constant 0 : i32
    %dma_start3A_75 = tpu.memref_slice %arg8[%dma_start3A_73, %dma_start3A_74] : memref<9x128xi32, #tpu.memory_space<vmem>> -> memref<1x128xi32, #tpu.memory_space<vmem>>
    %dma_start3A_76 = tpu.memref_squeeze %dma_start3A_75 : memref<1x128xi32, #tpu.memory_space<vmem>> -> memref<128xi32, #tpu.memory_space<vmem>>
    %dma_start3A_77 = arith.constant 0 : i32
    %dma_start3A_78 = tpu.memref_slice %arg4[%add3A_72, %dma_start3A_77] : memref<288x128xi32, #tpu.memory_space<hbm>> -> memref<1x128xi32, #tpu.memory_space<hbm>>
    %dma_start3A_79 = tpu.memref_squeeze %dma_start3A_78 : memref<1x128xi32, #tpu.memory_space<hbm>> -> memref<128xi32, #tpu.memory_space<hbm>>
    %dma_start3A_80 = arith.constant 0 : i32
    %dma_start3A_81 = tpu.memref_slice %arg8[%dma_start3A_73, %dma_start3A_80] : memref<9x128xi32, #tpu.memory_space<vmem>> -> memref<1x128xi32, #tpu.memory_space<vmem>>
    %dma_start3A_82 = tpu.memref_squeeze %dma_start3A_81 : memref<1x128xi32, #tpu.memory_space<vmem>> -> memref<128xi32, #tpu.memory_space<vmem>>
    %dma_start3A_83 = arith.constant 0 : i32
    %dma_start3A_84 = tpu.memref_slice %arg4[%add3A_72, %dma_start3A_83] : memref<288x128xi32, #tpu.memory_space<hbm>> -> memref<1x128xi32, #tpu.memory_space<hbm>>
    %dma_start3A_85 = tpu.memref_squeeze %dma_start3A_84 : memref<1x128xi32, #tpu.memory_space<hbm>> -> memref<128xi32, #tpu.memory_space<hbm>>
    tpu.enqueue_dma source(%dma_start3A_85 : memref<128xi32, #tpu.memory_space<hbm>>) target(%dma_start3A_82 : memref<128xi32, #tpu.memory_space<vmem>>) target_semaphore(%arg12 : memref<!tpu.dma_semaphore, #tpu.memory_space<semaphore_mem>>)
    %add3A_86 = arith.constant 160 : i32
    %add3A_87 = arith.addi %add3A, %add3A_86 : i32
    %dma_start3A_88 = arith.constant 5 : i32
    %dma_start3A_89 = arith.constant 0 : i32
    %dma_start3A_90 = tpu.memref_slice %arg8[%dma_start3A_88, %dma_start3A_89] : memref<9x128xi32, #tpu.memory_space<vmem>> -> memref<1x128xi32, #tpu.memory_space<vmem>>
    %dma_start3A_91 = tpu.memref_squeeze %dma_start3A_90 : memref<1x128xi32, #tpu.memory_space<vmem>> -> memref<128xi32, #tpu.memory_space<vmem>>
    %dma_start3A_92 = arith.constant 0 : i32
    %dma_start3A_93 = tpu.memref_slice %arg4[%add3A_87, %dma_start3A_92] : memref<288x128xi32, #tpu.memory_space<hbm>> -> memref<1x128xi32, #tpu.memory_space<hbm>>
    %dma_start3A_94 = tpu.memref_squeeze %dma_start3A_93 : memref<1x128xi32, #tpu.memory_space<hbm>> -> memref<128xi32, #tpu.memory_space<hbm>>
    %dma_start3A_95 = arith.constant 0 : i32
    %dma_start3A_96 = tpu.memref_slice %arg8[%dma_start3A_88, %dma_start3A_95] : memref<9x128xi32, #tpu.memory_space<vmem>> -> memref<1x128xi32, #tpu.memory_space<vmem>>
    %dma_start3A_97 = tpu.memref_squeeze %dma_start3A_96 : memref<1x128xi32, #tpu.memory_space<vmem>> -> memref<128xi32, #tpu.memory_space<vmem>>
    %dma_start3A_98 = arith.constant 0 : i32
    %dma_start3A_99 = tpu.memref_slice %arg4[%add3A_87, %dma_start3A_98] : memref<288x128xi32, #tpu.memory_space<hbm>> -> memref<1x128xi32, #tpu.memory_space<hbm>>
    %dma_start3A_100 = tpu.memref_squeeze %dma_start3A_99 : memref<1x128xi32, #tpu.memory_space<hbm>> -> memref<128xi32, #tpu.memory_space<hbm>>
    tpu.enqueue_dma source(%dma_start3A_100 : memref<128xi32, #tpu.memory_space<hbm>>) target(%dma_start3A_97 : memref<128xi32, #tpu.memory_space<vmem>>) target_semaphore(%arg12 : memref<!tpu.dma_semaphore, #tpu.memory_space<semaphore_mem>>)
    %add3A_101 = arith.constant 192 : i32
    %add3A_102 = arith.addi %add3A, %add3A_101 : i32
    %dma_start3A_103 = arith.constant 6 : i32
    %dma_start3A_104 = arith.constant 0 : i32
    %dma_start3A_105 = tpu.memref_slice %arg8[%dma_start3A_103, %dma_start3A_104] : memref<9x128xi32, #tpu.memory_space<vmem>> -> memref<1x128xi32, #tpu.memory_space<vmem>>
    %dma_start3A_106 = tpu.memref_squeeze %dma_start3A_105 : memref<1x128xi32, #tpu.memory_space<vmem>> -> memref<128xi32, #tpu.memory_space<vmem>>
    %dma_start3A_107 = arith.constant 0 : i32
    %dma_start3A_108 = tpu.memref_slice %arg4[%add3A_102, %dma_start3A_107] : memref<288x128xi32, #tpu.memory_space<hbm>> -> memref<1x128xi32, #tpu.memory_space<hbm>>
    %dma_start3A_109 = tpu.memref_squeeze %dma_start3A_108 : memref<1x128xi32, #tpu.memory_space<hbm>> -> memref<128xi32, #tpu.memory_space<hbm>>
    %dma_start3A_110 = arith.constant 0 : i32
    %dma_start3A_111 = tpu.memref_slice %arg8[%dma_start3A_103, %dma_start3A_110] : memref<9x128xi32, #tpu.memory_space<vmem>> -> memref<1x128xi32, #tpu.memory_space<vmem>>
    %dma_start3A_112 = tpu.memref_squeeze %dma_start3A_111 : memref<1x128xi32, #tpu.memory_space<vmem>> -> memref<128xi32, #tpu.memory_space<vmem>>
    %dma_start3A_113 = arith.constant 0 : i32
    %dma_start3A_114 = tpu.memref_slice %arg4[%add3A_102, %dma_start3A_113] : memref<288x128xi32, #tpu.memory_space<hbm>> -> memref<1x128xi32, #tpu.memory_space<hbm>>
    %dma_start3A_115 = tpu.memref_squeeze %dma_start3A_114 : memref<1x128xi32, #tpu.memory_space<hbm>> -> memref<128xi32, #tpu.memory_space<hbm>>
    tpu.enqueue_dma source(%dma_start3A_115 : memref<128xi32, #tpu.memory_space<hbm>>) target(%dma_start3A_112 : memref<128xi32, #tpu.memory_space<vmem>>) target_semaphore(%arg12 : memref<!tpu.dma_semaphore, #tpu.memory_space<semaphore_mem>>)
    %add3A_116 = arith.constant 224 : i32
    %add3A_117 = arith.addi %add3A, %add3A_116 : i32
    %dma_start3A_118 = arith.constant 7 : i32
    %dma_start3A_119 = arith.constant 0 : i32
    %dma_start3A_120 = tpu.memref_slice %arg8[%dma_start3A_118, %dma_start3A_119] : memref<9x128xi32, #tpu.memory_space<vmem>> -> memref<1x128xi32, #tpu.memory_space<vmem>>
    %dma_start3A_121 = tpu.memref_squeeze %dma_start3A_120 : memref<1x128xi32, #tpu.memory_space<vmem>> -> memref<128xi32, #tpu.memory_space<vmem>>
    %dma_start3A_122 = arith.constant 0 : i32
    %dma_start3A_123 = tpu.memref_slice %arg4[%add3A_117, %dma_start3A_122] : memref<288x128xi32, #tpu.memory_space<hbm>> -> memref<1x128xi32, #tpu.memory_space<hbm>>
    %dma_start3A_124 = tpu.memref_squeeze %dma_start3A_123 : memref<1x128xi32, #tpu.memory_space<hbm>> -> memref<128xi32, #tpu.memory_space<hbm>>
    %dma_start3A_125 = arith.constant 0 : i32
    %dma_start3A_126 = tpu.memref_slice %arg8[%dma_start3A_118, %dma_start3A_125] : memref<9x128xi32, #tpu.memory_space<vmem>> -> memref<1x128xi32, #tpu.memory_space<vmem>>
    %dma_start3A_127 = tpu.memref_squeeze %dma_start3A_126 : memref<1x128xi32, #tpu.memory_space<vmem>> -> memref<128xi32, #tpu.memory_space<vmem>>
    %dma_start3A_128 = arith.constant 0 : i32
    %dma_start3A_129 = tpu.memref_slice %arg4[%add3A_117, %dma_start3A_128] : memref<288x128xi32, #tpu.memory_space<hbm>> -> memref<1x128xi32, #tpu.memory_space<hbm>>
    %dma_start3A_130 = tpu.memref_squeeze %dma_start3A_129 : memref<1x128xi32, #tpu.memory_space<hbm>> -> memref<128xi32, #tpu.memory_space<hbm>>
    tpu.enqueue_dma source(%dma_start3A_130 : memref<128xi32, #tpu.memory_space<hbm>>) target(%dma_start3A_127 : memref<128xi32, #tpu.memory_space<vmem>>) target_semaphore(%arg12 : memref<!tpu.dma_semaphore, #tpu.memory_space<semaphore_mem>>)
    %add3A_131 = arith.constant 256 : i32
    %add3A_132 = arith.addi %add3A, %add3A_131 : i32
    %dma_start3A_133 = arith.constant 8 : i32
    %dma_start3A_134 = arith.constant 0 : i32
    %dma_start3A_135 = tpu.memref_slice %arg8[%dma_start3A_133, %dma_start3A_134] : memref<9x128xi32, #tpu.memory_space<vmem>> -> memref<1x128xi32, #tpu.memory_space<vmem>>
    %dma_start3A_136 = tpu.memref_squeeze %dma_start3A_135 : memref<1x128xi32, #tpu.memory_space<vmem>> -> memref<128xi32, #tpu.memory_space<vmem>>
    %dma_start3A_137 = arith.constant 0 : i32
    %dma_start3A_138 = tpu.memref_slice %arg4[%add3A_132, %dma_start3A_137] : memref<288x128xi32, #tpu.memory_space<hbm>> -> memref<1x128xi32, #tpu.memory_space<hbm>>
    %dma_start3A_139 = tpu.memref_squeeze %dma_start3A_138 : memref<1x128xi32, #tpu.memory_space<hbm>> -> memref<128xi32, #tpu.memory_space<hbm>>
    %dma_start3A_140 = arith.constant 0 : i32
    %dma_start3A_141 = tpu.memref_slice %arg8[%dma_start3A_133, %dma_start3A_140] : memref<9x128xi32, #tpu.memory_space<vmem>> -> memref<1x128xi32, #tpu.memory_space<vmem>>
    %dma_start3A_142 = tpu.memref_squeeze %dma_start3A_141 : memref<1x128xi32, #tpu.memory_space<vmem>> -> memref<128xi32, #tpu.memory_space<vmem>>
    %dma_start3A_143 = arith.constant 0 : i32
    %dma_start3A_144 = tpu.memref_slice %arg4[%add3A_132, %dma_start3A_143] : memref<288x128xi32, #tpu.memory_space<hbm>> -> memref<1x128xi32, #tpu.memory_space<hbm>>
    %dma_start3A_145 = tpu.memref_squeeze %dma_start3A_144 : memref<1x128xi32, #tpu.memory_space<hbm>> -> memref<128xi32, #tpu.memory_space<hbm>>
    tpu.enqueue_dma source(%dma_start3A_145 : memref<128xi32, #tpu.memory_space<hbm>>) target(%dma_start3A_142 : memref<128xi32, #tpu.memory_space<vmem>>) target_semaphore(%arg12 : memref<!tpu.dma_semaphore, #tpu.memory_space<semaphore_mem>>)
    %dma_wait3A = arith.constant 0 : i32
    %dma_wait3A_146 = arith.constant 0 : i32
    %dma_wait3A_147 = tpu.memref_slice %arg8[%dma_wait3A, %dma_wait3A_146] : memref<9x128xi32, #tpu.memory_space<vmem>> -> memref<1x128xi32, #tpu.memory_space<vmem>>
    %dma_wait3A_148 = tpu.memref_squeeze %dma_wait3A_147 : memref<1x128xi32, #tpu.memory_space<vmem>> -> memref<128xi32, #tpu.memory_space<vmem>>
    %dma_wait3A_149 = arith.constant 0 : i32
    %dma_wait3A_150 = tpu.memref_slice %arg4[%add3A_13, %dma_wait3A_149] : memref<288x128xi32, #tpu.memory_space<hbm>> -> memref<1x128xi32, #tpu.memory_space<hbm>>
    %dma_wait3A_151 = tpu.memref_squeeze %dma_wait3A_150 : memref<1x128xi32, #tpu.memory_space<hbm>> -> memref<128xi32, #tpu.memory_space<hbm>>
    %dma_wait3A_152 = arith.constant 0 : i32
    %dma_wait3A_153 = tpu.memref_slice %arg8[%dma_wait3A, %dma_wait3A_152] : memref<9x128xi32, #tpu.memory_space<vmem>> -> memref<1x128xi32, #tpu.memory_space<vmem>>
    %dma_wait3A_154 = tpu.memref_squeeze %dma_wait3A_153 : memref<1x128xi32, #tpu.memory_space<vmem>> -> memref<128xi32, #tpu.memory_space<vmem>>
    %dma_wait3A_155 = arith.constant 0 : i32
    %dma_wait3A_156 = tpu.memref_slice %arg4[%add3A_13, %dma_wait3A_155] : memref<288x128xi32, #tpu.memory_space<hbm>> -> memref<1x128xi32, #tpu.memory_space<hbm>>
    %dma_wait3A_157 = tpu.memref_squeeze %dma_wait3A_156 : memref<1x128xi32, #tpu.memory_space<hbm>> -> memref<128xi32, #tpu.memory_space<hbm>>
    tpu.wait_dma2 semaphore(%arg12 : memref<!tpu.dma_semaphore, #tpu.memory_space<semaphore_mem>>) src(%dma_wait3A_157 : memref<128xi32, #tpu.memory_space<hbm>>) dst(%dma_wait3A_154 : memref<128xi32, #tpu.memory_space<vmem>>)
    %dma_wait3A_158 = arith.constant 1 : i32
    %dma_wait3A_159 = arith.constant 0 : i32
    %dma_wait3A_160 = tpu.memref_slice %arg8[%dma_wait3A_158, %dma_wait3A_159] : memref<9x128xi32, #tpu.memory_space<vmem>> -> memref<1x128xi32, #tpu.memory_space<vmem>>
    %dma_wait3A_161 = tpu.memref_squeeze %dma_wait3A_160 : memref<1x128xi32, #tpu.memory_space<vmem>> -> memref<128xi32, #tpu.memory_space<vmem>>
    %dma_wait3A_162 = arith.constant 0 : i32
    %dma_wait3A_163 = tpu.memref_slice %arg4[%add3A_27, %dma_wait3A_162] : memref<288x128xi32, #tpu.memory_space<hbm>> -> memref<1x128xi32, #tpu.memory_space<hbm>>
    %dma_wait3A_164 = tpu.memref_squeeze %dma_wait3A_163 : memref<1x128xi32, #tpu.memory_space<hbm>> -> memref<128xi32, #tpu.memory_space<hbm>>
    %dma_wait3A_165 = arith.constant 0 : i32
    %dma_wait3A_166 = tpu.memref_slice %arg8[%dma_wait3A_158, %dma_wait3A_165] : memref<9x128xi32, #tpu.memory_space<vmem>> -> memref<1x128xi32, #tpu.memory_space<vmem>>
    %dma_wait3A_167 = tpu.memref_squeeze %dma_wait3A_166 : memref<1x128xi32, #tpu.memory_space<vmem>> -> memref<128xi32, #tpu.memory_space<vmem>>
    %dma_wait3A_168 = arith.constant 0 : i32
    %dma_wait3A_169 = tpu.memref_slice %arg4[%add3A_27, %dma_wait3A_168] : memref<288x128xi32, #tpu.memory_space<hbm>> -> memref<1x128xi32, #tpu.memory_space<hbm>>
    %dma_wait3A_170 = tpu.memref_squeeze %dma_wait3A_169 : memref<1x128xi32, #tpu.memory_space<hbm>> -> memref<128xi32, #tpu.memory_space<hbm>>
    tpu.wait_dma2 semaphore(%arg12 : memref<!tpu.dma_semaphore, #tpu.memory_space<semaphore_mem>>) src(%dma_wait3A_170 : memref<128xi32, #tpu.memory_space<hbm>>) dst(%dma_wait3A_167 : memref<128xi32, #tpu.memory_space<vmem>>)
    %dma_wait3A_171 = arith.constant 2 : i32
    %dma_wait3A_172 = arith.constant 0 : i32
    %dma_wait3A_173 = tpu.memref_slice %arg8[%dma_wait3A_171, %dma_wait3A_172] : memref<9x128xi32, #tpu.memory_space<vmem>> -> memref<1x128xi32, #tpu.memory_space<vmem>>
    %dma_wait3A_174 = tpu.memref_squeeze %dma_wait3A_173 : memref<1x128xi32, #tpu.memory_space<vmem>> -> memref<128xi32, #tpu.memory_space<vmem>>
    %dma_wait3A_175 = arith.constant 0 : i32
    %dma_wait3A_176 = tpu.memref_slice %arg4[%add3A_42, %dma_wait3A_175] : memref<288x128xi32, #tpu.memory_space<hbm>> -> memref<1x128xi32, #tpu.memory_space<hbm>>
    %dma_wait3A_177 = tpu.memref_squeeze %dma_wait3A_176 : memref<1x128xi32, #tpu.memory_space<hbm>> -> memref<128xi32, #tpu.memory_space<hbm>>
    %dma_wait3A_178 = arith.constant 0 : i32
    %dma_wait3A_179 = tpu.memref_slice %arg8[%dma_wait3A_171, %dma_wait3A_178] : memref<9x128xi32, #tpu.memory_space<vmem>> -> memref<1x128xi32, #tpu.memory_space<vmem>>
    %dma_wait3A_180 = tpu.memref_squeeze %dma_wait3A_179 : memref<1x128xi32, #tpu.memory_space<vmem>> -> memref<128xi32, #tpu.memory_space<vmem>>
    %dma_wait3A_181 = arith.constant 0 : i32
    %dma_wait3A_182 = tpu.memref_slice %arg4[%add3A_42, %dma_wait3A_181] : memref<288x128xi32, #tpu.memory_space<hbm>> -> memref<1x128xi32, #tpu.memory_space<hbm>>
    %dma_wait3A_183 = tpu.memref_squeeze %dma_wait3A_182 : memref<1x128xi32, #tpu.memory_space<hbm>> -> memref<128xi32, #tpu.memory_space<hbm>>
    tpu.wait_dma2 semaphore(%arg12 : memref<!tpu.dma_semaphore, #tpu.memory_space<semaphore_mem>>) src(%dma_wait3A_183 : memref<128xi32, #tpu.memory_space<hbm>>) dst(%dma_wait3A_180 : memref<128xi32, #tpu.memory_space<vmem>>)
    %dma_wait3A_184 = arith.constant 3 : i32
    %dma_wait3A_185 = arith.constant 0 : i32
    %dma_wait3A_186 = tpu.memref_slice %arg8[%dma_wait3A_184, %dma_wait3A_185] : memref<9x128xi32, #tpu.memory_space<vmem>> -> memref<1x128xi32, #tpu.memory_space<vmem>>
    %dma_wait3A_187 = tpu.memref_squeeze %dma_wait3A_186 : memref<1x128xi32, #tpu.memory_space<vmem>> -> memref<128xi32, #tpu.memory_space<vmem>>
    %dma_wait3A_188 = arith.constant 0 : i32
    %dma_wait3A_189 = tpu.memref_slice %arg4[%add3A_57, %dma_wait3A_188] : memref<288x128xi32, #tpu.memory_space<hbm>> -> memref<1x128xi32, #tpu.memory_space<hbm>>
    %dma_wait3A_190 = tpu.memref_squeeze %dma_wait3A_189 : memref<1x128xi32, #tpu.memory_space<hbm>> -> memref<128xi32, #tpu.memory_space<hbm>>
    %dma_wait3A_191 = arith.constant 0 : i32
    %dma_wait3A_192 = tpu.memref_slice %arg8[%dma_wait3A_184, %dma_wait3A_191] : memref<9x128xi32, #tpu.memory_space<vmem>> -> memref<1x128xi32, #tpu.memory_space<vmem>>
    %dma_wait3A_193 = tpu.memref_squeeze %dma_wait3A_192 : memref<1x128xi32, #tpu.memory_space<vmem>> -> memref<128xi32, #tpu.memory_space<vmem>>
    %dma_wait3A_194 = arith.constant 0 : i32
    %dma_wait3A_195 = tpu.memref_slice %arg4[%add3A_57, %dma_wait3A_194] : memref<288x128xi32, #tpu.memory_space<hbm>> -> memref<1x128xi32, #tpu.memory_space<hbm>>
    %dma_wait3A_196 = tpu.memref_squeeze %dma_wait3A_195 : memref<1x128xi32, #tpu.memory_space<hbm>> -> memref<128xi32, #tpu.memory_space<hbm>>
    tpu.wait_dma2 semaphore(%arg12 : memref<!tpu.dma_semaphore, #tpu.memory_space<semaphore_mem>>) src(%dma_wait3A_196 : memref<128xi32, #tpu.memory_space<hbm>>) dst(%dma_wait3A_193 : memref<128xi32, #tpu.memory_space<vmem>>)
    %dma_wait3A_197 = arith.constant 4 : i32
    %dma_wait3A_198 = arith.constant 0 : i32
    %dma_wait3A_199 = tpu.memref_slice %arg8[%dma_wait3A_197, %dma_wait3A_198] : memref<9x128xi32, #tpu.memory_space<vmem>> -> memref<1x128xi32, #tpu.memory_space<vmem>>
    %dma_wait3A_200 = tpu.memref_squeeze %dma_wait3A_199 : memref<1x128xi32, #tpu.memory_space<vmem>> -> memref<128xi32, #tpu.memory_space<vmem>>
    %dma_wait3A_201 = arith.constant 0 : i32
    %dma_wait3A_202 = tpu.memref_slice %arg4[%add3A_72, %dma_wait3A_201] : memref<288x128xi32, #tpu.memory_space<hbm>> -> memref<1x128xi32, #tpu.memory_space<hbm>>
    %dma_wait3A_203 = tpu.memref_squeeze %dma_wait3A_202 : memref<1x128xi32, #tpu.memory_space<hbm>> -> memref<128xi32, #tpu.memory_space<hbm>>
    %dma_wait3A_204 = arith.constant 0 : i32
    %dma_wait3A_205 = tpu.memref_slice %arg8[%dma_wait3A_197, %dma_wait3A_204] : memref<9x128xi32, #tpu.memory_space<vmem>> -> memref<1x128xi32, #tpu.memory_space<vmem>>
    %dma_wait3A_206 = tpu.memref_squeeze %dma_wait3A_205 : memref<1x128xi32, #tpu.memory_space<vmem>> -> memref<128xi32, #tpu.memory_space<vmem>>
    %dma_wait3A_207 = arith.constant 0 : i32
    %dma_wait3A_208 = tpu.memref_slice %arg4[%add3A_72, %dma_wait3A_207] : memref<288x128xi32, #tpu.memory_space<hbm>> -> memref<1x128xi32, #tpu.memory_space<hbm>>
    %dma_wait3A_209 = tpu.memref_squeeze %dma_wait3A_208 : memref<1x128xi32, #tpu.memory_space<hbm>> -> memref<128xi32, #tpu.memory_space<hbm>>
    tpu.wait_dma2 semaphore(%arg12 : memref<!tpu.dma_semaphore, #tpu.memory_space<semaphore_mem>>) src(%dma_wait3A_209 : memref<128xi32, #tpu.memory_space<hbm>>) dst(%dma_wait3A_206 : memref<128xi32, #tpu.memory_space<vmem>>)
    %dma_wait3A_210 = arith.constant 5 : i32
    %dma_wait3A_211 = arith.constant 0 : i32
    %dma_wait3A_212 = tpu.memref_slice %arg8[%dma_wait3A_210, %dma_wait3A_211] : memref<9x128xi32, #tpu.memory_space<vmem>> -> memref<1x128xi32, #tpu.memory_space<vmem>>
    %dma_wait3A_213 = tpu.memref_squeeze %dma_wait3A_212 : memref<1x128xi32, #tpu.memory_space<vmem>> -> memref<128xi32, #tpu.memory_space<vmem>>
    %dma_wait3A_214 = arith.constant 0 : i32
    %dma_wait3A_215 = tpu.memref_slice %arg4[%add3A_87, %dma_wait3A_214] : memref<288x128xi32, #tpu.memory_space<hbm>> -> memref<1x128xi32, #tpu.memory_space<hbm>>
    %dma_wait3A_216 = tpu.memref_squeeze %dma_wait3A_215 : memref<1x128xi32, #tpu.memory_space<hbm>> -> memref<128xi32, #tpu.memory_space<hbm>>
    %dma_wait3A_217 = arith.constant 0 : i32
    %dma_wait3A_218 = tpu.memref_slice %arg8[%dma_wait3A_210, %dma_wait3A_217] : memref<9x128xi32, #tpu.memory_space<vmem>> -> memref<1x128xi32, #tpu.memory_space<vmem>>
    %dma_wait3A_219 = tpu.memref_squeeze %dma_wait3A_218 : memref<1x128xi32, #tpu.memory_space<vmem>> -> memref<128xi32, #tpu.memory_space<vmem>>
    %dma_wait3A_220 = arith.constant 0 : i32
    %dma_wait3A_221 = tpu.memref_slice %arg4[%add3A_87, %dma_wait3A_220] : memref<288x128xi32, #tpu.memory_space<hbm>> -> memref<1x128xi32, #tpu.memory_space<hbm>>
    %dma_wait3A_222 = tpu.memref_squeeze %dma_wait3A_221 : memref<1x128xi32, #tpu.memory_space<hbm>> -> memref<128xi32, #tpu.memory_space<hbm>>
    tpu.wait_dma2 semaphore(%arg12 : memref<!tpu.dma_semaphore, #tpu.memory_space<semaphore_mem>>) src(%dma_wait3A_222 : memref<128xi32, #tpu.memory_space<hbm>>) dst(%dma_wait3A_219 : memref<128xi32, #tpu.memory_space<vmem>>)
    %dma_wait3A_223 = arith.constant 6 : i32
    %dma_wait3A_224 = arith.constant 0 : i32
    %dma_wait3A_225 = tpu.memref_slice %arg8[%dma_wait3A_223, %dma_wait3A_224] : memref<9x128xi32, #tpu.memory_space<vmem>> -> memref<1x128xi32, #tpu.memory_space<vmem>>
    %dma_wait3A_226 = tpu.memref_squeeze %dma_wait3A_225 : memref<1x128xi32, #tpu.memory_space<vmem>> -> memref<128xi32, #tpu.memory_space<vmem>>
    %dma_wait3A_227 = arith.constant 0 : i32
    %dma_wait3A_228 = tpu.memref_slice %arg4[%add3A_102, %dma_wait3A_227] : memref<288x128xi32, #tpu.memory_space<hbm>> -> memref<1x128xi32, #tpu.memory_space<hbm>>
    %dma_wait3A_229 = tpu.memref_squeeze %dma_wait3A_228 : memref<1x128xi32, #tpu.memory_space<hbm>> -> memref<128xi32, #tpu.memory_space<hbm>>
    %dma_wait3A_230 = arith.constant 0 : i32
    %dma_wait3A_231 = tpu.memref_slice %arg8[%dma_wait3A_223, %dma_wait3A_230] : memref<9x128xi32, #tpu.memory_space<vmem>> -> memref<1x128xi32, #tpu.memory_space<vmem>>
    %dma_wait3A_232 = tpu.memref_squeeze %dma_wait3A_231 : memref<1x128xi32, #tpu.memory_space<vmem>> -> memref<128xi32, #tpu.memory_space<vmem>>
    %dma_wait3A_233 = arith.constant 0 : i32
    %dma_wait3A_234 = tpu.memref_slice %arg4[%add3A_102, %dma_wait3A_233] : memref<288x128xi32, #tpu.memory_space<hbm>> -> memref<1x128xi32, #tpu.memory_space<hbm>>
    %dma_wait3A_235 = tpu.memref_squeeze %dma_wait3A_234 : memref<1x128xi32, #tpu.memory_space<hbm>> -> memref<128xi32, #tpu.memory_space<hbm>>
    tpu.wait_dma2 semaphore(%arg12 : memref<!tpu.dma_semaphore, #tpu.memory_space<semaphore_mem>>) src(%dma_wait3A_235 : memref<128xi32, #tpu.memory_space<hbm>>) dst(%dma_wait3A_232 : memref<128xi32, #tpu.memory_space<vmem>>)
    %dma_wait3A_236 = arith.constant 7 : i32
    %dma_wait3A_237 = arith.constant 0 : i32
    %dma_wait3A_238 = tpu.memref_slice %arg8[%dma_wait3A_236, %dma_wait3A_237] : memref<9x128xi32, #tpu.memory_space<vmem>> -> memref<1x128xi32, #tpu.memory_space<vmem>>
    %dma_wait3A_239 = tpu.memref_squeeze %dma_wait3A_238 : memref<1x128xi32, #tpu.memory_space<vmem>> -> memref<128xi32, #tpu.memory_space<vmem>>
    %dma_wait3A_240 = arith.constant 0 : i32
    %dma_wait3A_241 = tpu.memref_slice %arg4[%add3A_117, %dma_wait3A_240] : memref<288x128xi32, #tpu.memory_space<hbm>> -> memref<1x128xi32, #tpu.memory_space<hbm>>
    %dma_wait3A_242 = tpu.memref_squeeze %dma_wait3A_241 : memref<1x128xi32, #tpu.memory_space<hbm>> -> memref<128xi32, #tpu.memory_space<hbm>>
    %dma_wait3A_243 = arith.constant 0 : i32
    %dma_wait3A_244 = tpu.memref_slice %arg8[%dma_wait3A_236, %dma_wait3A_243] : memref<9x128xi32, #tpu.memory_space<vmem>> -> memref<1x128xi32, #tpu.memory_space<vmem>>
    %dma_wait3A_245 = tpu.memref_squeeze %dma_wait3A_244 : memref<1x128xi32, #tpu.memory_space<vmem>> -> memref<128xi32, #tpu.memory_space<vmem>>
    %dma_wait3A_246 = arith.constant 0 : i32
    %dma_wait3A_247 = tpu.memref_slice %arg4[%add3A_117, %dma_wait3A_246] : memref<288x128xi32, #tpu.memory_space<hbm>> -> memref<1x128xi32, #tpu.memory_space<hbm>>
    %dma_wait3A_248 = tpu.memref_squeeze %dma_wait3A_247 : memref<1x128xi32, #tpu.memory_space<hbm>> -> memref<128xi32, #tpu.memory_space<hbm>>
    tpu.wait_dma2 semaphore(%arg12 : memref<!tpu.dma_semaphore, #tpu.memory_space<semaphore_mem>>) src(%dma_wait3A_248 : memref<128xi32, #tpu.memory_space<hbm>>) dst(%dma_wait3A_245 : memref<128xi32, #tpu.memory_space<vmem>>)
    %dma_wait3A_249 = arith.constant 8 : i32
    %dma_wait3A_250 = arith.constant 0 : i32
    %dma_wait3A_251 = tpu.memref_slice %arg8[%dma_wait3A_249, %dma_wait3A_250] : memref<9x128xi32, #tpu.memory_space<vmem>> -> memref<1x128xi32, #tpu.memory_space<vmem>>
    %dma_wait3A_252 = tpu.memref_squeeze %dma_wait3A_251 : memref<1x128xi32, #tpu.memory_space<vmem>> -> memref<128xi32, #tpu.memory_space<vmem>>
    %dma_wait3A_253 = arith.constant 0 : i32
    %dma_wait3A_254 = tpu.memref_slice %arg4[%add3A_132, %dma_wait3A_253] : memref<288x128xi32, #tpu.memory_space<hbm>> -> memref<1x128xi32, #tpu.memory_space<hbm>>
    %dma_wait3A_255 = tpu.memref_squeeze %dma_wait3A_254 : memref<1x128xi32, #tpu.memory_space<hbm>> -> memref<128xi32, #tpu.memory_space<hbm>>
    %dma_wait3A_256 = arith.constant 0 : i32
    %dma_wait3A_257 = tpu.memref_slice %arg8[%dma_wait3A_249, %dma_wait3A_256] : memref<9x128xi32, #tpu.memory_space<vmem>> -> memref<1x128xi32, #tpu.memory_space<vmem>>
    %dma_wait3A_258 = tpu.memref_squeeze %dma_wait3A_257 : memref<1x128xi32, #tpu.memory_space<vmem>> -> memref<128xi32, #tpu.memory_space<vmem>>
    %dma_wait3A_259 = arith.constant 0 : i32
    %dma_wait3A_260 = tpu.memref_slice %arg4[%add3A_132, %dma_wait3A_259] : memref<288x128xi32, #tpu.memory_space<hbm>> -> memref<1x128xi32, #tpu.memory_space<hbm>>
    %dma_wait3A_261 = tpu.memref_squeeze %dma_wait3A_260 : memref<1x128xi32, #tpu.memory_space<hbm>> -> memref<128xi32, #tpu.memory_space<hbm>>
    tpu.wait_dma2 semaphore(%arg12 : memref<!tpu.dma_semaphore, #tpu.memory_space<semaphore_mem>>) src(%dma_wait3A_261 : memref<128xi32, #tpu.memory_space<hbm>>) dst(%dma_wait3A_258 : memref<128xi32, #tpu.memory_space<vmem>>)
    %barrier3A = arith.constant 0 : index
    tpu.barrier barrier_id(%barrier3A)
    %dma_start3A_262 = arith.constant 0 : i32
    %dma_start3A_263 = arith.constant 0 : i32
    %dma_start3A_264 = arith.constant 0 : i32
    %dma_start3A_265 = arith.constant 0 : i32
    %dma_start3A_266 = tpu.memref_slice %arg9[%dma_start3A_263, %dma_start3A_264, %dma_start3A_265] : memref<4x128x128xf32, #tpu.memory_space<vmem>> -> memref<1x128x128xf32, #tpu.memory_space<vmem>>
    %dma_start3A_267 = tpu.memref_squeeze %dma_start3A_266 : memref<1x128x128xf32, #tpu.memory_space<vmem>> -> memref<128x128xf32, #tpu.memory_space<vmem>>
    %dma_start3A_268 = arith.constant 0 : i32
    %dma_start3A_269 = tpu.memref_slice %arg8[%dma_start3A_262, %dma_start3A_268] : memref<9x128xi32, #tpu.memory_space<vmem>> -> memref<1x128xi32, #tpu.memory_space<vmem>>
    %dma_start3A_270 = tpu.memref_squeeze %dma_start3A_269 : memref<1x128xi32, #tpu.memory_space<vmem>> -> memref<128xi32, #tpu.memory_space<vmem>>
    %dma_start3A_271 = arith.constant 0 : i32
    %dma_start3A_272 = arith.constant 0 : i32
    %dma_start3A_273 = tpu.memref_slice %arg11[%dma_start3A_271, %dma_start3A_272] : memref<1024x128xf32, #tpu.memory_space<vmem_shared>> -> memref<1024x128xf32, #tpu.memory_space<vmem_shared>>
    tpu.enqueue_indirect_dma source(%dma_start3A_273 : memref<1024x128xf32, #tpu.memory_space<vmem_shared>>) target(%dma_start3A_267 : memref<128x128xf32, #tpu.memory_space<vmem>>) offsets(%dma_start3A_270 : memref<128xi32, #tpu.memory_space<vmem>>) semaphore(%arg13 : memref<!tpu.dma_semaphore, #tpu.memory_space<semaphore_mem>>)
    %dma_start3A_274 = arith.constant 1 : i32
    %dma_start3A_275 = arith.constant 1 : i32
    %dma_start3A_276 = arith.constant 0 : i32
    %dma_start3A_277 = arith.constant 0 : i32
    %dma_start3A_278 = tpu.memref_slice %arg9[%dma_start3A_275, %dma_start3A_276, %dma_start3A_277] : memref<4x128x128xf32, #tpu.memory_space<vmem>> -> memref<1x128x128xf32, #tpu.memory_space<vmem>>
    %dma_start3A_279 = tpu.memref_squeeze %dma_start3A_278 : memref<1x128x128xf32, #tpu.memory_space<vmem>> -> memref<128x128xf32, #tpu.memory_space<vmem>>
    %dma_start3A_280 = arith.constant 0 : i32
    %dma_start3A_281 = tpu.memref_slice %arg8[%dma_start3A_274, %dma_start3A_280] : memref<9x128xi32, #tpu.memory_space<vmem>> -> memref<1x128xi32, #tpu.memory_space<vmem>>
    %dma_start3A_282 = tpu.memref_squeeze %dma_start3A_281 : memref<1x128xi32, #tpu.memory_space<vmem>> -> memref<128xi32, #tpu.memory_space<vmem>>
    %dma_start3A_283 = arith.constant 0 : i32
    %dma_start3A_284 = arith.constant 0 : i32
    %dma_start3A_285 = tpu.memref_slice %arg11[%dma_start3A_283, %dma_start3A_284] : memref<1024x128xf32, #tpu.memory_space<vmem_shared>> -> memref<1024x128xf32, #tpu.memory_space<vmem_shared>>
    tpu.enqueue_indirect_dma source(%dma_start3A_285 : memref<1024x128xf32, #tpu.memory_space<vmem_shared>>) target(%dma_start3A_279 : memref<128x128xf32, #tpu.memory_space<vmem>>) offsets(%dma_start3A_282 : memref<128xi32, #tpu.memory_space<vmem>>) semaphore(%arg13 : memref<!tpu.dma_semaphore, #tpu.memory_space<semaphore_mem>>)
    %add3A_286 = arith.constant 0 : i32
    %add3A_287 = arith.addi %add3A, %add3A_286 : i32
    %mul3A_288 = arith.constant 128 : i32
    %mul3A_289 = arith.muli %add3A_287, %mul3A_288 : i32
    %dma_start3A_290 = arith.constant 0 : i32
    %dma_start3A_291 = arith.constant 0 : i32
    %dma_start3A_292 = arith.constant 0 : i32
    %dma_start3A_293 = tpu.memref_slice %arg7[%dma_start3A_290, %dma_start3A_291, %dma_start3A_292] : memref<2x128x128xf32, #tpu.memory_space<vmem>> -> memref<1x128x128xf32, #tpu.memory_space<vmem>>
    %dma_start3A_294 = tpu.memref_squeeze %dma_start3A_293 : memref<1x128x128xf32, #tpu.memory_space<vmem>> -> memref<128x128xf32, #tpu.memory_space<vmem>>
    %dma_start3A_295 = arith.constant 0 : i32
    %dma_start3A_296 = tpu.memref_slice %arg3[%mul3A_289, %dma_start3A_295] : memref<36864x128xf32, #tpu.memory_space<hbm>> -> memref<128x128xf32, #tpu.memory_space<hbm>>
    %dma_start3A_297 = arith.constant 0 : i32
    %dma_start3A_298 = arith.constant 0 : i32
    %dma_start3A_299 = tpu.memref_slice %arg7[%dma_start3A_290, %dma_start3A_297, %dma_start3A_298] : memref<2x128x128xf32, #tpu.memory_space<vmem>> -> memref<1x128x128xf32, #tpu.memory_space<vmem>>
    %dma_start3A_300 = tpu.memref_squeeze %dma_start3A_299 : memref<1x128x128xf32, #tpu.memory_space<vmem>> -> memref<128x128xf32, #tpu.memory_space<vmem>>
    %dma_start3A_301 = arith.constant 0 : i32
    %dma_start3A_302 = tpu.memref_slice %arg3[%mul3A_289, %dma_start3A_301] : memref<36864x128xf32, #tpu.memory_space<hbm>> -> memref<128x128xf32, #tpu.memory_space<hbm>>
    tpu.enqueue_dma source(%dma_start3A_302 : memref<128x128xf32, #tpu.memory_space<hbm>>) target(%dma_start3A_300 : memref<128x128xf32, #tpu.memory_space<vmem>>) target_semaphore(%arg12 : memref<!tpu.dma_semaphore, #tpu.memory_space<semaphore_mem>>)
    %dma_start3A_303 = arith.constant 2 : i32
    %dma_start3A_304 = arith.constant 2 : i32
    %dma_start3A_305 = arith.constant 0 : i32
    %dma_start3A_306 = arith.constant 0 : i32
    %dma_start3A_307 = tpu.memref_slice %arg9[%dma_start3A_304, %dma_start3A_305, %dma_start3A_306] : memref<4x128x128xf32, #tpu.memory_space<vmem>> -> memref<1x128x128xf32, #tpu.memory_space<vmem>>
    %dma_start3A_308 = tpu.memref_squeeze %dma_start3A_307 : memref<1x128x128xf32, #tpu.memory_space<vmem>> -> memref<128x128xf32, #tpu.memory_space<vmem>>
    %dma_start3A_309 = arith.constant 0 : i32
    %dma_start3A_310 = tpu.memref_slice %arg8[%dma_start3A_303, %dma_start3A_309] : memref<9x128xi32, #tpu.memory_space<vmem>> -> memref<1x128xi32, #tpu.memory_space<vmem>>
    %dma_start3A_311 = tpu.memref_squeeze %dma_start3A_310 : memref<1x128xi32, #tpu.memory_space<vmem>> -> memref<128xi32, #tpu.memory_space<vmem>>
    %dma_start3A_312 = arith.constant 0 : i32
    %dma_start3A_313 = arith.constant 0 : i32
    %dma_start3A_314 = tpu.memref_slice %arg11[%dma_start3A_312, %dma_start3A_313] : memref<1024x128xf32, #tpu.memory_space<vmem_shared>> -> memref<1024x128xf32, #tpu.memory_space<vmem_shared>>
    tpu.enqueue_indirect_dma source(%dma_start3A_314 : memref<1024x128xf32, #tpu.memory_space<vmem_shared>>) target(%dma_start3A_308 : memref<128x128xf32, #tpu.memory_space<vmem>>) offsets(%dma_start3A_311 : memref<128xi32, #tpu.memory_space<vmem>>) semaphore(%arg13 : memref<!tpu.dma_semaphore, #tpu.memory_space<semaphore_mem>>)
    %add3A_315 = arith.constant 32 : i32
    %add3A_316 = arith.addi %add3A, %add3A_315 : i32
    %mul3A_317 = arith.constant 128 : i32
    %mul3A_318 = arith.muli %add3A_316, %mul3A_317 : i32
    %dma_start3A_319 = arith.constant 1 : i32
    %dma_start3A_320 = arith.constant 0 : i32
    %dma_start3A_321 = arith.constant 0 : i32
    %dma_start3A_322 = tpu.memref_slice %arg7[%dma_start3A_319, %dma_start3A_320, %dma_start3A_321] : memref<2x128x128xf32, #tpu.memory_space<vmem>> -> memref<1x128x128xf32, #tpu.memory_space<vmem>>
    %dma_start3A_323 = tpu.memref_squeeze %dma_start3A_322 : memref<1x128x128xf32, #tpu.memory_space<vmem>> -> memref<128x128xf32, #tpu.memory_space<vmem>>
    %dma_start3A_324 = arith.constant 0 : i32
    %dma_start3A_325 = tpu.memref_slice %arg3[%mul3A_318, %dma_start3A_324] : memref<36864x128xf32, #tpu.memory_space<hbm>> -> memref<128x128xf32, #tpu.memory_space<hbm>>
    %dma_start3A_326 = arith.constant 0 : i32
    %dma_start3A_327 = arith.constant 0 : i32
    %dma_start3A_328 = tpu.memref_slice %arg7[%dma_start3A_319, %dma_start3A_326, %dma_start3A_327] : memref<2x128x128xf32, #tpu.memory_space<vmem>> -> memref<1x128x128xf32, #tpu.memory_space<vmem>>
    %dma_start3A_329 = tpu.memref_squeeze %dma_start3A_328 : memref<1x128x128xf32, #tpu.memory_space<vmem>> -> memref<128x128xf32, #tpu.memory_space<vmem>>
    %dma_start3A_330 = arith.constant 0 : i32
    %dma_start3A_331 = tpu.memref_slice %arg3[%mul3A_318, %dma_start3A_330] : memref<36864x128xf32, #tpu.memory_space<hbm>> -> memref<128x128xf32, #tpu.memory_space<hbm>>
    tpu.enqueue_dma source(%dma_start3A_331 : memref<128x128xf32, #tpu.memory_space<hbm>>) target(%dma_start3A_329 : memref<128x128xf32, #tpu.memory_space<vmem>>) target_semaphore(%arg12 : memref<!tpu.dma_semaphore, #tpu.memory_space<semaphore_mem>>)
    %dma_wait3A_332 = arith.constant 0 : i32
    %dma_wait3A_333 = arith.constant 0 : i32
    %dma_wait3A_334 = arith.constant 0 : i32
    %dma_wait3A_335 = arith.constant 0 : i32
    %dma_wait3A_336 = tpu.memref_slice %arg9[%dma_wait3A_333, %dma_wait3A_334, %dma_wait3A_335] : memref<4x128x128xf32, #tpu.memory_space<vmem>> -> memref<1x128x128xf32, #tpu.memory_space<vmem>>
    %dma_wait3A_337 = tpu.memref_squeeze %dma_wait3A_336 : memref<1x128x128xf32, #tpu.memory_space<vmem>> -> memref<128x128xf32, #tpu.memory_space<vmem>>
    %dma_wait3A_338 = arith.constant 0 : i32
    %dma_wait3A_339 = tpu.memref_slice %arg8[%dma_wait3A_332, %dma_wait3A_338] : memref<9x128xi32, #tpu.memory_space<vmem>> -> memref<1x128xi32, #tpu.memory_space<vmem>>
    %dma_wait3A_340 = tpu.memref_squeeze %dma_wait3A_339 : memref<1x128xi32, #tpu.memory_space<vmem>> -> memref<128xi32, #tpu.memory_space<vmem>>
    %dma_wait3A_341 = arith.constant 0 : i32
    %dma_wait3A_342 = arith.constant 0 : i32
    %dma_wait3A_343 = tpu.memref_slice %arg11[%dma_wait3A_341, %dma_wait3A_342] : memref<1024x128xf32, #tpu.memory_space<vmem_shared>> -> memref<1024x128xf32, #tpu.memory_space<vmem_shared>>
    tpu.wait_indirect_dma semaphore(%arg13 : memref<!tpu.dma_semaphore, #tpu.memory_space<semaphore_mem>>) src(%dma_wait3A_343 : memref<1024x128xf32, #tpu.memory_space<vmem_shared>>) dst(%dma_wait3A_337 : memref<128x128xf32, #tpu.memory_space<vmem>>)
    %add3A_344 = arith.constant 0 : i32
    %add3A_345 = arith.addi %add3A, %add3A_344 : i32
    %mul3A_346 = arith.constant 128 : i32
    %mul3A_347 = arith.muli %add3A_345, %mul3A_346 : i32
    %dma_start3A_348 = arith.constant 0 : i32
    %dma_start3A_349 = arith.constant 0 : i32
    %dma_start3A_350 = arith.constant 0 : i32
    %dma_start3A_351 = tpu.memref_slice %arg9[%dma_start3A_348, %dma_start3A_349, %dma_start3A_350] : memref<4x128x128xf32, #tpu.memory_space<vmem>> -> memref<1x128x128xf32, #tpu.memory_space<vmem>>
    %dma_start3A_352 = tpu.memref_squeeze %dma_start3A_351 : memref<1x128x128xf32, #tpu.memory_space<vmem>> -> memref<128x128xf32, #tpu.memory_space<vmem>>
    %dma_start3A_353 = arith.constant 0 : i32
    %dma_start3A_354 = tpu.memref_slice %arg5[%mul3A_347, %dma_start3A_353] : memref<36864x128xf32, #tpu.memory_space<hbm>> -> memref<128x128xf32, #tpu.memory_space<hbm>>
    %dma_start3A_355 = arith.constant 0 : i32
    %dma_start3A_356 = tpu.memref_slice %arg5[%mul3A_347, %dma_start3A_355] : memref<36864x128xf32, #tpu.memory_space<hbm>> -> memref<128x128xf32, #tpu.memory_space<hbm>>
    %dma_start3A_357 = arith.constant 0 : i32
    %dma_start3A_358 = arith.constant 0 : i32
    %dma_start3A_359 = tpu.memref_slice %arg9[%dma_start3A_348, %dma_start3A_357, %dma_start3A_358] : memref<4x128x128xf32, #tpu.memory_space<vmem>> -> memref<1x128x128xf32, #tpu.memory_space<vmem>>
    %dma_start3A_360 = tpu.memref_squeeze %dma_start3A_359 : memref<1x128x128xf32, #tpu.memory_space<vmem>> -> memref<128x128xf32, #tpu.memory_space<vmem>>
    tpu.enqueue_dma source(%dma_start3A_360 : memref<128x128xf32, #tpu.memory_space<vmem>>) target(%dma_start3A_356 : memref<128x128xf32, #tpu.memory_space<hbm>>) target_semaphore(%arg14 : memref<!tpu.dma_semaphore, #tpu.memory_space<semaphore_mem>>)
    %dma_wait3A_361 = arith.constant 0 : i32
    %dma_wait3A_362 = arith.constant 0 : i32
    %dma_wait3A_363 = arith.constant 0 : i32
    %dma_wait3A_364 = tpu.memref_slice %arg7[%dma_wait3A_361, %dma_wait3A_362, %dma_wait3A_363] : memref<2x128x128xf32, #tpu.memory_space<vmem>> -> memref<1x128x128xf32, #tpu.memory_space<vmem>>
    %dma_wait3A_365 = tpu.memref_squeeze %dma_wait3A_364 : memref<1x128x128xf32, #tpu.memory_space<vmem>> -> memref<128x128xf32, #tpu.memory_space<vmem>>
    %dma_wait3A_366 = arith.constant 0 : i32
    %dma_wait3A_367 = tpu.memref_slice %arg3[%mul3A_289, %dma_wait3A_366] : memref<36864x128xf32, #tpu.memory_space<hbm>> -> memref<128x128xf32, #tpu.memory_space<hbm>>
    %dma_wait3A_368 = arith.constant 0 : i32
    %dma_wait3A_369 = arith.constant 0 : i32
    %dma_wait3A_370 = tpu.memref_slice %arg7[%dma_wait3A_361, %dma_wait3A_368, %dma_wait3A_369] : memref<2x128x128xf32, #tpu.memory_space<vmem>> -> memref<1x128x128xf32, #tpu.memory_space<vmem>>
    %dma_wait3A_371 = tpu.memref_squeeze %dma_wait3A_370 : memref<1x128x128xf32, #tpu.memory_space<vmem>> -> memref<128x128xf32, #tpu.memory_space<vmem>>
    %dma_wait3A_372 = arith.constant 0 : i32
    %dma_wait3A_373 = tpu.memref_slice %arg3[%mul3A_289, %dma_wait3A_372] : memref<36864x128xf32, #tpu.memory_space<hbm>> -> memref<128x128xf32, #tpu.memory_space<hbm>>
    tpu.wait_dma2 semaphore(%arg12 : memref<!tpu.dma_semaphore, #tpu.memory_space<semaphore_mem>>) src(%dma_wait3A_373 : memref<128x128xf32, #tpu.memory_space<hbm>>) dst(%dma_wait3A_371 : memref<128x128xf32, #tpu.memory_space<vmem>>)
    %dma_start3A_374 = arith.constant 0 : i32
    %dma_start3A_375 = arith.constant 0 : i32
    %dma_start3A_376 = arith.constant 0 : i32
    %dma_start3A_377 = arith.constant 0 : i32
    %dma_start3A_378 = tpu.memref_slice %arg7[%dma_start3A_374, %dma_start3A_376, %dma_start3A_377] : memref<2x128x128xf32, #tpu.memory_space<vmem>> -> memref<1x128x128xf32, #tpu.memory_space<vmem>>
    %dma_start3A_379 = tpu.memref_squeeze %dma_start3A_378 : memref<1x128x128xf32, #tpu.memory_space<vmem>> -> memref<128x128xf32, #tpu.memory_space<vmem>>
    %dma_start3A_380 = arith.constant 0 : i32
    %dma_start3A_381 = tpu.memref_slice %arg8[%dma_start3A_375, %dma_start3A_380] : memref<9x128xi32, #tpu.memory_space<vmem>> -> memref<1x128xi32, #tpu.memory_space<vmem>>
    %dma_start3A_382 = tpu.memref_squeeze %dma_start3A_381 : memref<1x128xi32, #tpu.memory_space<vmem>> -> memref<128xi32, #tpu.memory_space<vmem>>
    %dma_start3A_383 = arith.constant 0 : i32
    %dma_start3A_384 = arith.constant 0 : i32
    %dma_start3A_385 = tpu.memref_slice %arg10[%dma_start3A_383, %dma_start3A_384] : memref<1024x128xf32, #tpu.memory_space<vmem_shared>> -> memref<1024x128xf32, #tpu.memory_space<vmem_shared>>
    tpu.enqueue_indirect_dma source(%dma_start3A_379 : memref<128x128xf32, #tpu.memory_space<vmem>>) target(%dma_start3A_385 : memref<1024x128xf32, #tpu.memory_space<vmem_shared>>) offsets(%dma_start3A_382 : memref<128xi32, #tpu.memory_space<vmem>>) semaphore(%arg15 : memref<!tpu.dma_semaphore, #tpu.memory_space<semaphore_mem>>) {add = true}
    %dma_start3A_386 = arith.constant 3 : i32
    %dma_start3A_387 = arith.constant 3 : i32
    %dma_start3A_388 = arith.constant 0 : i32
    %dma_start3A_389 = arith.constant 0 : i32
    %dma_start3A_390 = tpu.memref_slice %arg9[%dma_start3A_387, %dma_start3A_388, %dma_start3A_389] : memref<4x128x128xf32, #tpu.memory_space<vmem>> -> memref<1x128x128xf32, #tpu.memory_space<vmem>>
    %dma_start3A_391 = tpu.memref_squeeze %dma_start3A_390 : memref<1x128x128xf32, #tpu.memory_space<vmem>> -> memref<128x128xf32, #tpu.memory_space<vmem>>
    %dma_start3A_392 = arith.constant 0 : i32
    %dma_start3A_393 = tpu.memref_slice %arg8[%dma_start3A_386, %dma_start3A_392] : memref<9x128xi32, #tpu.memory_space<vmem>> -> memref<1x128xi32, #tpu.memory_space<vmem>>
    %dma_start3A_394 = tpu.memref_squeeze %dma_start3A_393 : memref<1x128xi32, #tpu.memory_space<vmem>> -> memref<128xi32, #tpu.memory_space<vmem>>
    %dma_start3A_395 = arith.constant 0 : i32
    %dma_start3A_396 = arith.constant 0 : i32
    %dma_start3A_397 = tpu.memref_slice %arg11[%dma_start3A_395, %dma_start3A_396] : memref<1024x128xf32, #tpu.memory_space<vmem_shared>> -> memref<1024x128xf32, #tpu.memory_space<vmem_shared>>
    tpu.enqueue_indirect_dma source(%dma_start3A_397 : memref<1024x128xf32, #tpu.memory_space<vmem_shared>>) target(%dma_start3A_391 : memref<128x128xf32, #tpu.memory_space<vmem>>) offsets(%dma_start3A_394 : memref<128xi32, #tpu.memory_space<vmem>>) semaphore(%arg13 : memref<!tpu.dma_semaphore, #tpu.memory_space<semaphore_mem>>)
    %dma_wait3A_398 = arith.constant 0 : i32
    %dma_wait3A_399 = arith.constant 0 : i32
    %dma_wait3A_400 = arith.constant 0 : i32
    %dma_wait3A_401 = arith.constant 0 : i32
    %dma_wait3A_402 = tpu.memref_slice %arg7[%dma_wait3A_398, %dma_wait3A_400, %dma_wait3A_401] : memref<2x128x128xf32, #tpu.memory_space<vmem>> -> memref<1x128x128xf32, #tpu.memory_space<vmem>>
    %dma_wait3A_403 = tpu.memref_squeeze %dma_wait3A_402 : memref<1x128x128xf32, #tpu.memory_space<vmem>> -> memref<128x128xf32, #tpu.memory_space<vmem>>
    %dma_wait3A_404 = arith.constant 0 : i32
    %dma_wait3A_405 = tpu.memref_slice %arg8[%dma_wait3A_399, %dma_wait3A_404] : memref<9x128xi32, #tpu.memory_space<vmem>> -> memref<1x128xi32, #tpu.memory_space<vmem>>
    %dma_wait3A_406 = tpu.memref_squeeze %dma_wait3A_405 : memref<1x128xi32, #tpu.memory_space<vmem>> -> memref<128xi32, #tpu.memory_space<vmem>>
    %dma_wait3A_407 = arith.constant 0 : i32
    %dma_wait3A_408 = arith.constant 0 : i32
    %dma_wait3A_409 = tpu.memref_slice %arg10[%dma_wait3A_407, %dma_wait3A_408] : memref<1024x128xf32, #tpu.memory_space<vmem_shared>> -> memref<1024x128xf32, #tpu.memory_space<vmem_shared>>
    tpu.wait_indirect_dma semaphore(%arg15 : memref<!tpu.dma_semaphore, #tpu.memory_space<semaphore_mem>>) src(%dma_wait3A_403 : memref<128x128xf32, #tpu.memory_space<vmem>>) dst(%dma_wait3A_409 : memref<1024x128xf32, #tpu.memory_space<vmem_shared>>)
    %add3A_410 = arith.constant 64 : i32
    %add3A_411 = arith.addi %add3A, %add3A_410 : i32
    %mul3A_412 = arith.constant 128 : i32
    %mul3A_413 = arith.muli %add3A_411, %mul3A_412 : i32
    %dma_start3A_414 = arith.constant 0 : i32
    %dma_start3A_415 = arith.constant 0 : i32
    %dma_start3A_416 = arith.constant 0 : i32
    %dma_start3A_417 = tpu.memref_slice %arg7[%dma_start3A_414, %dma_start3A_415, %dma_start3A_416] : memref<2x128x128xf32, #tpu.memory_space<vmem>> -> memref<1x128x128xf32, #tpu.memory_space<vmem>>
    %dma_start3A_418 = tpu.memref_squeeze %dma_start3A_417 : memref<1x128x128xf32, #tpu.memory_space<vmem>> -> memref<128x128xf32, #tpu.memory_space<vmem>>
    %dma_start3A_419 = arith.constant 0 : i32
    %dma_start3A_420 = tpu.memref_slice %arg3[%mul3A_413, %dma_start3A_419] : memref<36864x128xf32, #tpu.memory_space<hbm>> -> memref<128x128xf32, #tpu.memory_space<hbm>>
    %dma_start3A_421 = arith.constant 0 : i32
    %dma_start3A_422 = arith.constant 0 : i32
    %dma_start3A_423 = tpu.memref_slice %arg7[%dma_start3A_414, %dma_start3A_421, %dma_start3A_422] : memref<2x128x128xf32, #tpu.memory_space<vmem>> -> memref<1x128x128xf32, #tpu.memory_space<vmem>>
    %dma_start3A_424 = tpu.memref_squeeze %dma_start3A_423 : memref<1x128x128xf32, #tpu.memory_space<vmem>> -> memref<128x128xf32, #tpu.memory_space<vmem>>
    %dma_start3A_425 = arith.constant 0 : i32
    %dma_start3A_426 = tpu.memref_slice %arg3[%mul3A_413, %dma_start3A_425] : memref<36864x128xf32, #tpu.memory_space<hbm>> -> memref<128x128xf32, #tpu.memory_space<hbm>>
    tpu.enqueue_dma source(%dma_start3A_426 : memref<128x128xf32, #tpu.memory_space<hbm>>) target(%dma_start3A_424 : memref<128x128xf32, #tpu.memory_space<vmem>>) target_semaphore(%arg12 : memref<!tpu.dma_semaphore, #tpu.memory_space<semaphore_mem>>)
    %dma_wait3A_427 = arith.constant 1 : i32
    %dma_wait3A_428 = arith.constant 1 : i32
    %dma_wait3A_429 = arith.constant 0 : i32
    %dma_wait3A_430 = arith.constant 0 : i32
    %dma_wait3A_431 = tpu.memref_slice %arg9[%dma_wait3A_428, %dma_wait3A_429, %dma_wait3A_430] : memref<4x128x128xf32, #tpu.memory_space<vmem>> -> memref<1x128x128xf32, #tpu.memory_space<vmem>>
    %dma_wait3A_432 = tpu.memref_squeeze %dma_wait3A_431 : memref<1x128x128xf32, #tpu.memory_space<vmem>> -> memref<128x128xf32, #tpu.memory_space<vmem>>
    %dma_wait3A_433 = arith.constant 0 : i32
    %dma_wait3A_434 = tpu.memref_slice %arg8[%dma_wait3A_427, %dma_wait3A_433] : memref<9x128xi32, #tpu.memory_space<vmem>> -> memref<1x128xi32, #tpu.memory_space<vmem>>
    %dma_wait3A_435 = tpu.memref_squeeze %dma_wait3A_434 : memref<1x128xi32, #tpu.memory_space<vmem>> -> memref<128xi32, #tpu.memory_space<vmem>>
    %dma_wait3A_436 = arith.constant 0 : i32
    %dma_wait3A_437 = arith.constant 0 : i32
    %dma_wait3A_438 = tpu.memref_slice %arg11[%dma_wait3A_436, %dma_wait3A_437] : memref<1024x128xf32, #tpu.memory_space<vmem_shared>> -> memref<1024x128xf32, #tpu.memory_space<vmem_shared>>
    tpu.wait_indirect_dma semaphore(%arg13 : memref<!tpu.dma_semaphore, #tpu.memory_space<semaphore_mem>>) src(%dma_wait3A_438 : memref<1024x128xf32, #tpu.memory_space<vmem_shared>>) dst(%dma_wait3A_432 : memref<128x128xf32, #tpu.memory_space<vmem>>)
    %add3A_439 = arith.constant 32 : i32
    %add3A_440 = arith.addi %add3A, %add3A_439 : i32
    %mul3A_441 = arith.constant 128 : i32
    %mul3A_442 = arith.muli %add3A_440, %mul3A_441 : i32
    %dma_start3A_443 = arith.constant 1 : i32
    %dma_start3A_444 = arith.constant 0 : i32
    %dma_start3A_445 = arith.constant 0 : i32
    %dma_start3A_446 = tpu.memref_slice %arg9[%dma_start3A_443, %dma_start3A_444, %dma_start3A_445] : memref<4x128x128xf32, #tpu.memory_space<vmem>> -> memref<1x128x128xf32, #tpu.memory_space<vmem>>
    %dma_start3A_447 = tpu.memref_squeeze %dma_start3A_446 : memref<1x128x128xf32, #tpu.memory_space<vmem>> -> memref<128x128xf32, #tpu.memory_space<vmem>>
    %dma_start3A_448 = arith.constant 0 : i32
    %dma_start3A_449 = tpu.memref_slice %arg5[%mul3A_442, %dma_start3A_448] : memref<36864x128xf32, #tpu.memory_space<hbm>> -> memref<128x128xf32, #tpu.memory_space<hbm>>
    %dma_start3A_450 = arith.constant 0 : i32
    %dma_start3A_451 = tpu.memref_slice %arg5[%mul3A_442, %dma_start3A_450] : memref<36864x128xf32, #tpu.memory_space<hbm>> -> memref<128x128xf32, #tpu.memory_space<hbm>>
    %dma_start3A_452 = arith.constant 0 : i32
    %dma_start3A_453 = arith.constant 0 : i32
    %dma_start3A_454 = tpu.memref_slice %arg9[%dma_start3A_443, %dma_start3A_452, %dma_start3A_453] : memref<4x128x128xf32, #tpu.memory_space<vmem>> -> memref<1x128x128xf32, #tpu.memory_space<vmem>>
    %dma_start3A_455 = tpu.memref_squeeze %dma_start3A_454 : memref<1x128x128xf32, #tpu.memory_space<vmem>> -> memref<128x128xf32, #tpu.memory_space<vmem>>
    tpu.enqueue_dma source(%dma_start3A_455 : memref<128x128xf32, #tpu.memory_space<vmem>>) target(%dma_start3A_451 : memref<128x128xf32, #tpu.memory_space<hbm>>) target_semaphore(%arg14 : memref<!tpu.dma_semaphore, #tpu.memory_space<semaphore_mem>>)
    %dma_wait3A_456 = arith.constant 1 : i32
    %dma_wait3A_457 = arith.constant 0 : i32
    %dma_wait3A_458 = arith.constant 0 : i32
    %dma_wait3A_459 = tpu.memref_slice %arg7[%dma_wait3A_456, %dma_wait3A_457, %dma_wait3A_458] : memref<2x128x128xf32, #tpu.memory_space<vmem>> -> memref<1x128x128xf32, #tpu.memory_space<vmem>>
    %dma_wait3A_460 = tpu.memref_squeeze %dma_wait3A_459 : memref<1x128x128xf32, #tpu.memory_space<vmem>> -> memref<128x128xf32, #tpu.memory_space<vmem>>
    %dma_wait3A_461 = arith.constant 0 : i32
    %dma_wait3A_462 = tpu.memref_slice %arg3[%mul3A_318, %dma_wait3A_461] : memref<36864x128xf32, #tpu.memory_space<hbm>> -> memref<128x128xf32, #tpu.memory_space<hbm>>
    %dma_wait3A_463 = arith.constant 0 : i32
    %dma_wait3A_464 = arith.constant 0 : i32
    %dma_wait3A_465 = tpu.memref_slice %arg7[%dma_wait3A_456, %dma_wait3A_463, %dma_wait3A_464] : memref<2x128x128xf32, #tpu.memory_space<vmem>> -> memref<1x128x128xf32, #tpu.memory_space<vmem>>
    %dma_wait3A_466 = tpu.memref_squeeze %dma_wait3A_465 : memref<1x128x128xf32, #tpu.memory_space<vmem>> -> memref<128x128xf32, #tpu.memory_space<vmem>>
    %dma_wait3A_467 = arith.constant 0 : i32
    %dma_wait3A_468 = tpu.memref_slice %arg3[%mul3A_318, %dma_wait3A_467] : memref<36864x128xf32, #tpu.memory_space<hbm>> -> memref<128x128xf32, #tpu.memory_space<hbm>>
    tpu.wait_dma2 semaphore(%arg12 : memref<!tpu.dma_semaphore, #tpu.memory_space<semaphore_mem>>) src(%dma_wait3A_468 : memref<128x128xf32, #tpu.memory_space<hbm>>) dst(%dma_wait3A_466 : memref<128x128xf32, #tpu.memory_space<vmem>>)
    %dma_start3A_469 = arith.constant 1 : i32
    %dma_start3A_470 = arith.constant 1 : i32
    %dma_start3A_471 = arith.constant 0 : i32
    %dma_start3A_472 = arith.constant 0 : i32
    %dma_start3A_473 = tpu.memref_slice %arg7[%dma_start3A_469, %dma_start3A_471, %dma_start3A_472] : memref<2x128x128xf32, #tpu.memory_space<vmem>> -> memref<1x128x128xf32, #tpu.memory_space<vmem>>
    %dma_start3A_474 = tpu.memref_squeeze %dma_start3A_473 : memref<1x128x128xf32, #tpu.memory_space<vmem>> -> memref<128x128xf32, #tpu.memory_space<vmem>>
    %dma_start3A_475 = arith.constant 0 : i32
    %dma_start3A_476 = tpu.memref_slice %arg8[%dma_start3A_470, %dma_start3A_475] : memref<9x128xi32, #tpu.memory_space<vmem>> -> memref<1x128xi32, #tpu.memory_space<vmem>>
    %dma_start3A_477 = tpu.memref_squeeze %dma_start3A_476 : memref<1x128xi32, #tpu.memory_space<vmem>> -> memref<128xi32, #tpu.memory_space<vmem>>
    %dma_start3A_478 = arith.constant 0 : i32
    %dma_start3A_479 = arith.constant 0 : i32
    %dma_start3A_480 = tpu.memref_slice %arg10[%dma_start3A_478, %dma_start3A_479] : memref<1024x128xf32, #tpu.memory_space<vmem_shared>> -> memref<1024x128xf32, #tpu.memory_space<vmem_shared>>
    tpu.enqueue_indirect_dma source(%dma_start3A_474 : memref<128x128xf32, #tpu.memory_space<vmem>>) target(%dma_start3A_480 : memref<1024x128xf32, #tpu.memory_space<vmem_shared>>) offsets(%dma_start3A_477 : memref<128xi32, #tpu.memory_space<vmem>>) semaphore(%arg15 : memref<!tpu.dma_semaphore, #tpu.memory_space<semaphore_mem>>) {add = true}
    %dma_wait3A_481 = arith.constant 0 : i32
    %dma_wait3A_482 = arith.constant 0 : i32
    %dma_wait3A_483 = arith.constant 0 : i32
    %dma_wait3A_484 = tpu.memref_slice %arg9[%dma_wait3A_481, %dma_wait3A_482, %dma_wait3A_483] : memref<4x128x128xf32, #tpu.memory_space<vmem>> -> memref<1x128x128xf32, #tpu.memory_space<vmem>>
    %dma_wait3A_485 = tpu.memref_squeeze %dma_wait3A_484 : memref<1x128x128xf32, #tpu.memory_space<vmem>> -> memref<128x128xf32, #tpu.memory_space<vmem>>
    %dma_wait3A_486 = arith.constant 0 : i32
    %dma_wait3A_487 = tpu.memref_slice %arg5[%mul3A_347, %dma_wait3A_486] : memref<36864x128xf32, #tpu.memory_space<hbm>> -> memref<128x128xf32, #tpu.memory_space<hbm>>
    %dma_wait3A_488 = arith.constant 0 : i32
    %dma_wait3A_489 = tpu.memref_slice %arg5[%mul3A_347, %dma_wait3A_488] : memref<36864x128xf32, #tpu.memory_space<hbm>> -> memref<128x128xf32, #tpu.memory_space<hbm>>
    %dma_wait3A_490 = arith.constant 0 : i32
    %dma_wait3A_491 = arith.constant 0 : i32
    %dma_wait3A_492 = tpu.memref_slice %arg9[%dma_wait3A_481, %dma_wait3A_490, %dma_wait3A_491] : memref<4x128x128xf32, #tpu.memory_space<vmem>> -> memref<1x128x128xf32, #tpu.memory_space<vmem>>
    %dma_wait3A_493 = tpu.memref_squeeze %dma_wait3A_492 : memref<1x128x128xf32, #tpu.memory_space<vmem>> -> memref<128x128xf32, #tpu.memory_space<vmem>>
    tpu.wait_dma2 semaphore(%arg14 : memref<!tpu.dma_semaphore, #tpu.memory_space<semaphore_mem>>) src(%dma_wait3A_493 : memref<128x128xf32, #tpu.memory_space<vmem>>) dst(%dma_wait3A_489 : memref<128x128xf32, #tpu.memory_space<hbm>>)
    %dma_start3A_494 = arith.constant 4 : i32
    %dma_start3A_495 = arith.constant 0 : i32
    %dma_start3A_496 = arith.constant 0 : i32
    %dma_start3A_497 = arith.constant 0 : i32
    %dma_start3A_498 = tpu.memref_slice %arg9[%dma_start3A_495, %dma_start3A_496, %dma_start3A_497] : memref<4x128x128xf32, #tpu.memory_space<vmem>> -> memref<1x128x128xf32, #tpu.memory_space<vmem>>
    %dma_start3A_499 = tpu.memref_squeeze %dma_start3A_498 : memref<1x128x128xf32, #tpu.memory_space<vmem>> -> memref<128x128xf32, #tpu.memory_space<vmem>>
    %dma_start3A_500 = arith.constant 0 : i32
    %dma_start3A_501 = tpu.memref_slice %arg8[%dma_start3A_494, %dma_start3A_500] : memref<9x128xi32, #tpu.memory_space<vmem>> -> memref<1x128xi32, #tpu.memory_space<vmem>>
    %dma_start3A_502 = tpu.memref_squeeze %dma_start3A_501 : memref<1x128xi32, #tpu.memory_space<vmem>> -> memref<128xi32, #tpu.memory_space<vmem>>
    %dma_start3A_503 = arith.constant 0 : i32
    %dma_start3A_504 = arith.constant 0 : i32
    %dma_start3A_505 = tpu.memref_slice %arg11[%dma_start3A_503, %dma_start3A_504] : memref<1024x128xf32, #tpu.memory_space<vmem_shared>> -> memref<1024x128xf32, #tpu.memory_space<vmem_shared>>
    tpu.enqueue_indirect_dma source(%dma_start3A_505 : memref<1024x128xf32, #tpu.memory_space<vmem_shared>>) target(%dma_start3A_499 : memref<128x128xf32, #tpu.memory_space<vmem>>) offsets(%dma_start3A_502 : memref<128xi32, #tpu.memory_space<vmem>>) semaphore(%arg13 : memref<!tpu.dma_semaphore, #tpu.memory_space<semaphore_mem>>)
    %dma_wait3A_506 = arith.constant 1 : i32
    %dma_wait3A_507 = arith.constant 1 : i32
    %dma_wait3A_508 = arith.constant 0 : i32
    %dma_wait3A_509 = arith.constant 0 : i32
    %dma_wait3A_510 = tpu.memref_slice %arg7[%dma_wait3A_506, %dma_wait3A_508, %dma_wait3A_509] : memref<2x128x128xf32, #tpu.memory_space<vmem>> -> memref<1x128x128xf32, #tpu.memory_space<vmem>>
    %dma_wait3A_511 = tpu.memref_squeeze %dma_wait3A_510 : memref<1x128x128xf32, #tpu.memory_space<vmem>> -> memref<128x128xf32, #tpu.memory_space<vmem>>
    %dma_wait3A_512 = arith.constant 0 : i32
    %dma_wait3A_513 = tpu.memref_slice %arg8[%dma_wait3A_507, %dma_wait3A_512] : memref<9x128xi32, #tpu.memory_space<vmem>> -> memref<1x128xi32, #tpu.memory_space<vmem>>
    %dma_wait3A_514 = tpu.memref_squeeze %dma_wait3A_513 : memref<1x128xi32, #tpu.memory_space<vmem>> -> memref<128xi32, #tpu.memory_space<vmem>>
    %dma_wait3A_515 = arith.constant 0 : i32
    %dma_wait3A_516 = arith.constant 0 : i32
    %dma_wait3A_517 = tpu.memref_slice %arg10[%dma_wait3A_515, %dma_wait3A_516] : memref<1024x128xf32, #tpu.memory_space<vmem_shared>> -> memref<1024x128xf32, #tpu.memory_space<vmem_shared>>
    tpu.wait_indirect_dma semaphore(%arg15 : memref<!tpu.dma_semaphore, #tpu.memory_space<semaphore_mem>>) src(%dma_wait3A_511 : memref<128x128xf32, #tpu.memory_space<vmem>>) dst(%dma_wait3A_517 : memref<1024x128xf32, #tpu.memory_space<vmem_shared>>)
    %add3A_518 = arith.constant 96 : i32
    %add3A_519 = arith.addi %add3A, %add3A_518 : i32
    %mul3A_520 = arith.constant 128 : i32
    %mul3A_521 = arith.muli %add3A_519, %mul3A_520 : i32
    %dma_start3A_522 = arith.constant 1 : i32
    %dma_start3A_523 = arith.constant 0 : i32
    %dma_start3A_524 = arith.constant 0 : i32
    %dma_start3A_525 = tpu.memref_slice %arg7[%dma_start3A_522, %dma_start3A_523, %dma_start3A_524] : memref<2x128x128xf32, #tpu.memory_space<vmem>> -> memref<1x128x128xf32, #tpu.memory_space<vmem>>
    %dma_start3A_526 = tpu.memref_squeeze %dma_start3A_525 : memref<1x128x128xf32, #tpu.memory_space<vmem>> -> memref<128x128xf32, #tpu.memory_space<vmem>>
    %dma_start3A_527 = arith.constant 0 : i32
    %dma_start3A_528 = tpu.memref_slice %arg3[%mul3A_521, %dma_start3A_527] : memref<36864x128xf32, #tpu.memory_space<hbm>> -> memref<128x128xf32, #tpu.memory_space<hbm>>
    %dma_start3A_529 = arith.constant 0 : i32
    %dma_start3A_530 = arith.constant 0 : i32
    %dma_start3A_531 = tpu.memref_slice %arg7[%dma_start3A_522, %dma_start3A_529, %dma_start3A_530] : memref<2x128x128xf32, #tpu.memory_space<vmem>> -> memref<1x128x128xf32, #tpu.memory_space<vmem>>
    %dma_start3A_532 = tpu.memref_squeeze %dma_start3A_531 : memref<1x128x128xf32, #tpu.memory_space<vmem>> -> memref<128x128xf32, #tpu.memory_space<vmem>>
    %dma_start3A_533 = arith.constant 0 : i32
    %dma_start3A_534 = tpu.memref_slice %arg3[%mul3A_521, %dma_start3A_533] : memref<36864x128xf32, #tpu.memory_space<hbm>> -> memref<128x128xf32, #tpu.memory_space<hbm>>
    tpu.enqueue_dma source(%dma_start3A_534 : memref<128x128xf32, #tpu.memory_space<hbm>>) target(%dma_start3A_532 : memref<128x128xf32, #tpu.memory_space<vmem>>) target_semaphore(%arg12 : memref<!tpu.dma_semaphore, #tpu.memory_space<semaphore_mem>>)
    %dma_wait3A_535 = arith.constant 2 : i32
    %dma_wait3A_536 = arith.constant 2 : i32
    %dma_wait3A_537 = arith.constant 0 : i32
    %dma_wait3A_538 = arith.constant 0 : i32
    %dma_wait3A_539 = tpu.memref_slice %arg9[%dma_wait3A_536, %dma_wait3A_537, %dma_wait3A_538] : memref<4x128x128xf32, #tpu.memory_space<vmem>> -> memref<1x128x128xf32, #tpu.memory_space<vmem>>
    %dma_wait3A_540 = tpu.memref_squeeze %dma_wait3A_539 : memref<1x128x128xf32, #tpu.memory_space<vmem>> -> memref<128x128xf32, #tpu.memory_space<vmem>>
    %dma_wait3A_541 = arith.constant 0 : i32
    %dma_wait3A_542 = tpu.memref_slice %arg8[%dma_wait3A_535, %dma_wait3A_541] : memref<9x128xi32, #tpu.memory_space<vmem>> -> memref<1x128xi32, #tpu.memory_space<vmem>>
    %dma_wait3A_543 = tpu.memref_squeeze %dma_wait3A_542 : memref<1x128xi32, #tpu.memory_space<vmem>> -> memref<128xi32, #tpu.memory_space<vmem>>
    %dma_wait3A_544 = arith.constant 0 : i32
    %dma_wait3A_545 = arith.constant 0 : i32
    %dma_wait3A_546 = tpu.memref_slice %arg11[%dma_wait3A_544, %dma_wait3A_545] : memref<1024x128xf32, #tpu.memory_space<vmem_shared>> -> memref<1024x128xf32, #tpu.memory_space<vmem_shared>>
    tpu.wait_indirect_dma semaphore(%arg13 : memref<!tpu.dma_semaphore, #tpu.memory_space<semaphore_mem>>) src(%dma_wait3A_546 : memref<1024x128xf32, #tpu.memory_space<vmem_shared>>) dst(%dma_wait3A_540 : memref<128x128xf32, #tpu.memory_space<vmem>>)
    %add3A_547 = arith.constant 64 : i32
    %add3A_548 = arith.addi %add3A, %add3A_547 : i32
    %mul3A_549 = arith.constant 128 : i32
    %mul3A_550 = arith.muli %add3A_548, %mul3A_549 : i32
    %dma_start3A_551 = arith.constant 2 : i32
    %dma_start3A_552 = arith.constant 0 : i32
    %dma_start3A_553 = arith.constant 0 : i32
    %dma_start3A_554 = tpu.memref_slice %arg9[%dma_start3A_551, %dma_start3A_552, %dma_start3A_553] : memref<4x128x128xf32, #tpu.memory_space<vmem>> -> memref<1x128x128xf32, #tpu.memory_space<vmem>>
    %dma_start3A_555 = tpu.memref_squeeze %dma_start3A_554 : memref<1x128x128xf32, #tpu.memory_space<vmem>> -> memref<128x128xf32, #tpu.memory_space<vmem>>
    %dma_start3A_556 = arith.constant 0 : i32
    %dma_start3A_557 = tpu.memref_slice %arg5[%mul3A_550, %dma_start3A_556] : memref<36864x128xf32, #tpu.memory_space<hbm>> -> memref<128x128xf32, #tpu.memory_space<hbm>>
    %dma_start3A_558 = arith.constant 0 : i32
    %dma_start3A_559 = tpu.memref_slice %arg5[%mul3A_550, %dma_start3A_558] : memref<36864x128xf32, #tpu.memory_space<hbm>> -> memref<128x128xf32, #tpu.memory_space<hbm>>
    %dma_start3A_560 = arith.constant 0 : i32
    %dma_start3A_561 = arith.constant 0 : i32
    %dma_start3A_562 = tpu.memref_slice %arg9[%dma_start3A_551, %dma_start3A_560, %dma_start3A_561] : memref<4x128x128xf32, #tpu.memory_space<vmem>> -> memref<1x128x128xf32, #tpu.memory_space<vmem>>
    %dma_start3A_563 = tpu.memref_squeeze %dma_start3A_562 : memref<1x128x128xf32, #tpu.memory_space<vmem>> -> memref<128x128xf32, #tpu.memory_space<vmem>>
    tpu.enqueue_dma source(%dma_start3A_563 : memref<128x128xf32, #tpu.memory_space<vmem>>) target(%dma_start3A_559 : memref<128x128xf32, #tpu.memory_space<hbm>>) target_semaphore(%arg14 : memref<!tpu.dma_semaphore, #tpu.memory_space<semaphore_mem>>)
    %dma_wait3A_564 = arith.constant 0 : i32
    %dma_wait3A_565 = arith.constant 0 : i32
    %dma_wait3A_566 = arith.constant 0 : i32
    %dma_wait3A_567 = tpu.memref_slice %arg7[%dma_wait3A_564, %dma_wait3A_565, %dma_wait3A_566] : memref<2x128x128xf32, #tpu.memory_space<vmem>> -> memref<1x128x128xf32, #tpu.memory_space<vmem>>
    %dma_wait3A_568 = tpu.memref_squeeze %dma_wait3A_567 : memref<1x128x128xf32, #tpu.memory_space<vmem>> -> memref<128x128xf32, #tpu.memory_space<vmem>>
    %dma_wait3A_569 = arith.constant 0 : i32
    %dma_wait3A_570 = tpu.memref_slice %arg3[%mul3A_413, %dma_wait3A_569] : memref<36864x128xf32, #tpu.memory_space<hbm>> -> memref<128x128xf32, #tpu.memory_space<hbm>>
    %dma_wait3A_571 = arith.constant 0 : i32
    %dma_wait3A_572 = arith.constant 0 : i32
    %dma_wait3A_573 = tpu.memref_slice %arg7[%dma_wait3A_564, %dma_wait3A_571, %dma_wait3A_572] : memref<2x128x128xf32, #tpu.memory_space<vmem>> -> memref<1x128x128xf32, #tpu.memory_space<vmem>>
    %dma_wait3A_574 = tpu.memref_squeeze %dma_wait3A_573 : memref<1x128x128xf32, #tpu.memory_space<vmem>> -> memref<128x128xf32, #tpu.memory_space<vmem>>
    %dma_wait3A_575 = arith.constant 0 : i32
    %dma_wait3A_576 = tpu.memref_slice %arg3[%mul3A_413, %dma_wait3A_575] : memref<36864x128xf32, #tpu.memory_space<hbm>> -> memref<128x128xf32, #tpu.memory_space<hbm>>
    tpu.wait_dma2 semaphore(%arg12 : memref<!tpu.dma_semaphore, #tpu.memory_space<semaphore_mem>>) src(%dma_wait3A_576 : memref<128x128xf32, #tpu.memory_space<hbm>>) dst(%dma_wait3A_574 : memref<128x128xf32, #tpu.memory_space<vmem>>)
    %dma_start3A_577 = arith.constant 0 : i32
    %dma_start3A_578 = arith.constant 2 : i32
    %dma_start3A_579 = arith.constant 0 : i32
    %dma_start3A_580 = arith.constant 0 : i32
    %dma_start3A_581 = tpu.memref_slice %arg7[%dma_start3A_577, %dma_start3A_579, %dma_start3A_580] : memref<2x128x128xf32, #tpu.memory_space<vmem>> -> memref<1x128x128xf32, #tpu.memory_space<vmem>>
    %dma_start3A_582 = tpu.memref_squeeze %dma_start3A_581 : memref<1x128x128xf32, #tpu.memory_space<vmem>> -> memref<128x128xf32, #tpu.memory_space<vmem>>
    %dma_start3A_583 = arith.constant 0 : i32
    %dma_start3A_584 = tpu.memref_slice %arg8[%dma_start3A_578, %dma_start3A_583] : memref<9x128xi32, #tpu.memory_space<vmem>> -> memref<1x128xi32, #tpu.memory_space<vmem>>
    %dma_start3A_585 = tpu.memref_squeeze %dma_start3A_584 : memref<1x128xi32, #tpu.memory_space<vmem>> -> memref<128xi32, #tpu.memory_space<vmem>>
    %dma_start3A_586 = arith.constant 0 : i32
    %dma_start3A_587 = arith.constant 0 : i32
    %dma_start3A_588 = tpu.memref_slice %arg10[%dma_start3A_586, %dma_start3A_587] : memref<1024x128xf32, #tpu.memory_space<vmem_shared>> -> memref<1024x128xf32, #tpu.memory_space<vmem_shared>>
    tpu.enqueue_indirect_dma source(%dma_start3A_582 : memref<128x128xf32, #tpu.memory_space<vmem>>) target(%dma_start3A_588 : memref<1024x128xf32, #tpu.memory_space<vmem_shared>>) offsets(%dma_start3A_585 : memref<128xi32, #tpu.memory_space<vmem>>) semaphore(%arg15 : memref<!tpu.dma_semaphore, #tpu.memory_space<semaphore_mem>>) {add = true}
    %dma_wait3A_589 = arith.constant 1 : i32
    %dma_wait3A_590 = arith.constant 0 : i32
    %dma_wait3A_591 = arith.constant 0 : i32
    %dma_wait3A_592 = tpu.memref_slice %arg9[%dma_wait3A_589, %dma_wait3A_590, %dma_wait3A_591] : memref<4x128x128xf32, #tpu.memory_space<vmem>> -> memref<1x128x128xf32, #tpu.memory_space<vmem>>
    %dma_wait3A_593 = tpu.memref_squeeze %dma_wait3A_592 : memref<1x128x128xf32, #tpu.memory_space<vmem>> -> memref<128x128xf32, #tpu.memory_space<vmem>>
    %dma_wait3A_594 = arith.constant 0 : i32
    %dma_wait3A_595 = tpu.memref_slice %arg5[%mul3A_442, %dma_wait3A_594] : memref<36864x128xf32, #tpu.memory_space<hbm>> -> memref<128x128xf32, #tpu.memory_space<hbm>>
    %dma_wait3A_596 = arith.constant 0 : i32
    %dma_wait3A_597 = tpu.memref_slice %arg5[%mul3A_442, %dma_wait3A_596] : memref<36864x128xf32, #tpu.memory_space<hbm>> -> memref<128x128xf32, #tpu.memory_space<hbm>>
    %dma_wait3A_598 = arith.constant 0 : i32
    %dma_wait3A_599 = arith.constant 0 : i32
    %dma_wait3A_600 = tpu.memref_slice %arg9[%dma_wait3A_589, %dma_wait3A_598, %dma_wait3A_599] : memref<4x128x128xf32, #tpu.memory_space<vmem>> -> memref<1x128x128xf32, #tpu.memory_space<vmem>>
    %dma_wait3A_601 = tpu.memref_squeeze %dma_wait3A_600 : memref<1x128x128xf32, #tpu.memory_space<vmem>> -> memref<128x128xf32, #tpu.memory_space<vmem>>
    tpu.wait_dma2 semaphore(%arg14 : memref<!tpu.dma_semaphore, #tpu.memory_space<semaphore_mem>>) src(%dma_wait3A_601 : memref<128x128xf32, #tpu.memory_space<vmem>>) dst(%dma_wait3A_597 : memref<128x128xf32, #tpu.memory_space<hbm>>)
    %dma_start3A_602 = arith.constant 5 : i32
    %dma_start3A_603 = arith.constant 1 : i32
    %dma_start3A_604 = arith.constant 0 : i32
    %dma_start3A_605 = arith.constant 0 : i32
    %dma_start3A_606 = tpu.memref_slice %arg9[%dma_start3A_603, %dma_start3A_604, %dma_start3A_605] : memref<4x128x128xf32, #tpu.memory_space<vmem>> -> memref<1x128x128xf32, #tpu.memory_space<vmem>>
    %dma_start3A_607 = tpu.memref_squeeze %dma_start3A_606 : memref<1x128x128xf32, #tpu.memory_space<vmem>> -> memref<128x128xf32, #tpu.memory_space<vmem>>
    %dma_start3A_608 = arith.constant 0 : i32
    %dma_start3A_609 = tpu.memref_slice %arg8[%dma_start3A_602, %dma_start3A_608] : memref<9x128xi32, #tpu.memory_space<vmem>> -> memref<1x128xi32, #tpu.memory_space<vmem>>
    %dma_start3A_610 = tpu.memref_squeeze %dma_start3A_609 : memref<1x128xi32, #tpu.memory_space<vmem>> -> memref<128xi32, #tpu.memory_space<vmem>>
    %dma_start3A_611 = arith.constant 0 : i32
    %dma_start3A_612 = arith.constant 0 : i32
    %dma_start3A_613 = tpu.memref_slice %arg11[%dma_start3A_611, %dma_start3A_612] : memref<1024x128xf32, #tpu.memory_space<vmem_shared>> -> memref<1024x128xf32, #tpu.memory_space<vmem_shared>>
    tpu.enqueue_indirect_dma source(%dma_start3A_613 : memref<1024x128xf32, #tpu.memory_space<vmem_shared>>) target(%dma_start3A_607 : memref<128x128xf32, #tpu.memory_space<vmem>>) offsets(%dma_start3A_610 : memref<128xi32, #tpu.memory_space<vmem>>) semaphore(%arg13 : memref<!tpu.dma_semaphore, #tpu.memory_space<semaphore_mem>>)
    %dma_wait3A_614 = arith.constant 0 : i32
    %dma_wait3A_615 = arith.constant 2 : i32
    %dma_wait3A_616 = arith.constant 0 : i32
    %dma_wait3A_617 = arith.constant 0 : i32
    %dma_wait3A_618 = tpu.memref_slice %arg7[%dma_wait3A_614, %dma_wait3A_616, %dma_wait3A_617] : memref<2x128x128xf32, #tpu.memory_space<vmem>> -> memref<1x128x128xf32, #tpu.memory_space<vmem>>
    %dma_wait3A_619 = tpu.memref_squeeze %dma_wait3A_618 : memref<1x128x128xf32, #tpu.memory_space<vmem>> -> memref<128x128xf32, #tpu.memory_space<vmem>>
    %dma_wait3A_620 = arith.constant 0 : i32
    %dma_wait3A_621 = tpu.memref_slice %arg8[%dma_wait3A_615, %dma_wait3A_620] : memref<9x128xi32, #tpu.memory_space<vmem>> -> memref<1x128xi32, #tpu.memory_space<vmem>>
    %dma_wait3A_622 = tpu.memref_squeeze %dma_wait3A_621 : memref<1x128xi32, #tpu.memory_space<vmem>> -> memref<128xi32, #tpu.memory_space<vmem>>
    %dma_wait3A_623 = arith.constant 0 : i32
    %dma_wait3A_624 = arith.constant 0 : i32
    %dma_wait3A_625 = tpu.memref_slice %arg10[%dma_wait3A_623, %dma_wait3A_624] : memref<1024x128xf32, #tpu.memory_space<vmem_shared>> -> memref<1024x128xf32, #tpu.memory_space<vmem_shared>>
    tpu.wait_indirect_dma semaphore(%arg15 : memref<!tpu.dma_semaphore, #tpu.memory_space<semaphore_mem>>) src(%dma_wait3A_619 : memref<128x128xf32, #tpu.memory_space<vmem>>) dst(%dma_wait3A_625 : memref<1024x128xf32, #tpu.memory_space<vmem_shared>>)
    %add3A_626 = arith.constant 128 : i32
    %add3A_627 = arith.addi %add3A, %add3A_626 : i32
    %mul3A_628 = arith.constant 128 : i32
    %mul3A_629 = arith.muli %add3A_627, %mul3A_628 : i32
    %dma_start3A_630 = arith.constant 0 : i32
    %dma_start3A_631 = arith.constant 0 : i32
    %dma_start3A_632 = arith.constant 0 : i32
    %dma_start3A_633 = tpu.memref_slice %arg7[%dma_start3A_630, %dma_start3A_631, %dma_start3A_632] : memref<2x128x128xf32, #tpu.memory_space<vmem>> -> memref<1x128x128xf32, #tpu.memory_space<vmem>>
    %dma_start3A_634 = tpu.memref_squeeze %dma_start3A_633 : memref<1x128x128xf32, #tpu.memory_space<vmem>> -> memref<128x128xf32, #tpu.memory_space<vmem>>
    %dma_start3A_635 = arith.constant 0 : i32
    %dma_start3A_636 = tpu.memref_slice %arg3[%mul3A_629, %dma_start3A_635] : memref<36864x128xf32, #tpu.memory_space<hbm>> -> memref<128x128xf32, #tpu.memory_space<hbm>>
    %dma_start3A_637 = arith.constant 0 : i32
    %dma_start3A_638 = arith.constant 0 : i32
    %dma_start3A_639 = tpu.memref_slice %arg7[%dma_start3A_630, %dma_start3A_637, %dma_start3A_638] : memref<2x128x128xf32, #tpu.memory_space<vmem>> -> memref<1x128x128xf32, #tpu.memory_space<vmem>>
    %dma_start3A_640 = tpu.memref_squeeze %dma_start3A_639 : memref<1x128x128xf32, #tpu.memory_space<vmem>> -> memref<128x128xf32, #tpu.memory_space<vmem>>
    %dma_start3A_641 = arith.constant 0 : i32
    %dma_start3A_642 = tpu.memref_slice %arg3[%mul3A_629, %dma_start3A_641] : memref<36864x128xf32, #tpu.memory_space<hbm>> -> memref<128x128xf32, #tpu.memory_space<hbm>>
    tpu.enqueue_dma source(%dma_start3A_642 : memref<128x128xf32, #tpu.memory_space<hbm>>) target(%dma_start3A_640 : memref<128x128xf32, #tpu.memory_space<vmem>>) target_semaphore(%arg12 : memref<!tpu.dma_semaphore, #tpu.memory_space<semaphore_mem>>)
    %dma_wait3A_643 = arith.constant 3 : i32
    %dma_wait3A_644 = arith.constant 3 : i32
    %dma_wait3A_645 = arith.constant 0 : i32
    %dma_wait3A_646 = arith.constant 0 : i32
    %dma_wait3A_647 = tpu.memref_slice %arg9[%dma_wait3A_644, %dma_wait3A_645, %dma_wait3A_646] : memref<4x128x128xf32, #tpu.memory_space<vmem>> -> memref<1x128x128xf32, #tpu.memory_space<vmem>>
    %dma_wait3A_648 = tpu.memref_squeeze %dma_wait3A_647 : memref<1x128x128xf32, #tpu.memory_space<vmem>> -> memref<128x128xf32, #tpu.memory_space<vmem>>
    %dma_wait3A_649 = arith.constant 0 : i32
    %dma_wait3A_650 = tpu.memref_slice %arg8[%dma_wait3A_643, %dma_wait3A_649] : memref<9x128xi32, #tpu.memory_space<vmem>> -> memref<1x128xi32, #tpu.memory_space<vmem>>
    %dma_wait3A_651 = tpu.memref_squeeze %dma_wait3A_650 : memref<1x128xi32, #tpu.memory_space<vmem>> -> memref<128xi32, #tpu.memory_space<vmem>>
    %dma_wait3A_652 = arith.constant 0 : i32
    %dma_wait3A_653 = arith.constant 0 : i32
    %dma_wait3A_654 = tpu.memref_slice %arg11[%dma_wait3A_652, %dma_wait3A_653] : memref<1024x128xf32, #tpu.memory_space<vmem_shared>> -> memref<1024x128xf32, #tpu.memory_space<vmem_shared>>
    tpu.wait_indirect_dma semaphore(%arg13 : memref<!tpu.dma_semaphore, #tpu.memory_space<semaphore_mem>>) src(%dma_wait3A_654 : memref<1024x128xf32, #tpu.memory_space<vmem_shared>>) dst(%dma_wait3A_648 : memref<128x128xf32, #tpu.memory_space<vmem>>)
    %add3A_655 = arith.constant 96 : i32
    %add3A_656 = arith.addi %add3A, %add3A_655 : i32
    %mul3A_657 = arith.constant 128 : i32
    %mul3A_658 = arith.muli %add3A_656, %mul3A_657 : i32
    %dma_start3A_659 = arith.constant 3 : i32
    %dma_start3A_660 = arith.constant 0 : i32
    %dma_start3A_661 = arith.constant 0 : i32
    %dma_start3A_662 = tpu.memref_slice %arg9[%dma_start3A_659, %dma_start3A_660, %dma_start3A_661] : memref<4x128x128xf32, #tpu.memory_space<vmem>> -> memref<1x128x128xf32, #tpu.memory_space<vmem>>
    %dma_start3A_663 = tpu.memref_squeeze %dma_start3A_662 : memref<1x128x128xf32, #tpu.memory_space<vmem>> -> memref<128x128xf32, #tpu.memory_space<vmem>>
    %dma_start3A_664 = arith.constant 0 : i32
    %dma_start3A_665 = tpu.memref_slice %arg5[%mul3A_658, %dma_start3A_664] : memref<36864x128xf32, #tpu.memory_space<hbm>> -> memref<128x128xf32, #tpu.memory_space<hbm>>
    %dma_start3A_666 = arith.constant 0 : i32
    %dma_start3A_667 = tpu.memref_slice %arg5[%mul3A_658, %dma_start3A_666] : memref<36864x128xf32, #tpu.memory_space<hbm>> -> memref<128x128xf32, #tpu.memory_space<hbm>>
    %dma_start3A_668 = arith.constant 0 : i32
    %dma_start3A_669 = arith.constant 0 : i32
    %dma_start3A_670 = tpu.memref_slice %arg9[%dma_start3A_659, %dma_start3A_668, %dma_start3A_669] : memref<4x128x128xf32, #tpu.memory_space<vmem>> -> memref<1x128x128xf32, #tpu.memory_space<vmem>>
    %dma_start3A_671 = tpu.memref_squeeze %dma_start3A_670 : memref<1x128x128xf32, #tpu.memory_space<vmem>> -> memref<128x128xf32, #tpu.memory_space<vmem>>
    tpu.enqueue_dma source(%dma_start3A_671 : memref<128x128xf32, #tpu.memory_space<vmem>>) target(%dma_start3A_667 : memref<128x128xf32, #tpu.memory_space<hbm>>) target_semaphore(%arg14 : memref<!tpu.dma_semaphore, #tpu.memory_space<semaphore_mem>>)
    %dma_wait3A_672 = arith.constant 1 : i32
    %dma_wait3A_673 = arith.constant 0 : i32
    %dma_wait3A_674 = arith.constant 0 : i32
    %dma_wait3A_675 = tpu.memref_slice %arg7[%dma_wait3A_672, %dma_wait3A_673, %dma_wait3A_674] : memref<2x128x128xf32, #tpu.memory_space<vmem>> -> memref<1x128x128xf32, #tpu.memory_space<vmem>>
    %dma_wait3A_676 = tpu.memref_squeeze %dma_wait3A_675 : memref<1x128x128xf32, #tpu.memory_space<vmem>> -> memref<128x128xf32, #tpu.memory_space<vmem>>
    %dma_wait3A_677 = arith.constant 0 : i32
    %dma_wait3A_678 = tpu.memref_slice %arg3[%mul3A_521, %dma_wait3A_677] : memref<36864x128xf32, #tpu.memory_space<hbm>> -> memref<128x128xf32, #tpu.memory_space<hbm>>
    %dma_wait3A_679 = arith.constant 0 : i32
    %dma_wait3A_680 = arith.constant 0 : i32
    %dma_wait3A_681 = tpu.memref_slice %arg7[%dma_wait3A_672, %dma_wait3A_679, %dma_wait3A_680] : memref<2x128x128xf32, #tpu.memory_space<vmem>> -> memref<1x128x128xf32, #tpu.memory_space<vmem>>
    %dma_wait3A_682 = tpu.memref_squeeze %dma_wait3A_681 : memref<1x128x128xf32, #tpu.memory_space<vmem>> -> memref<128x128xf32, #tpu.memory_space<vmem>>
    %dma_wait3A_683 = arith.constant 0 : i32
    %dma_wait3A_684 = tpu.memref_slice %arg3[%mul3A_521, %dma_wait3A_683] : memref<36864x128xf32, #tpu.memory_space<hbm>> -> memref<128x128xf32, #tpu.memory_space<hbm>>
    tpu.wait_dma2 semaphore(%arg12 : memref<!tpu.dma_semaphore, #tpu.memory_space<semaphore_mem>>) src(%dma_wait3A_684 : memref<128x128xf32, #tpu.memory_space<hbm>>) dst(%dma_wait3A_682 : memref<128x128xf32, #tpu.memory_space<vmem>>)
    %dma_start3A_685 = arith.constant 1 : i32
    %dma_start3A_686 = arith.constant 3 : i32
    %dma_start3A_687 = arith.constant 0 : i32
    %dma_start3A_688 = arith.constant 0 : i32
    %dma_start3A_689 = tpu.memref_slice %arg7[%dma_start3A_685, %dma_start3A_687, %dma_start3A_688] : memref<2x128x128xf32, #tpu.memory_space<vmem>> -> memref<1x128x128xf32, #tpu.memory_space<vmem>>
    %dma_start3A_690 = tpu.memref_squeeze %dma_start3A_689 : memref<1x128x128xf32, #tpu.memory_space<vmem>> -> memref<128x128xf32, #tpu.memory_space<vmem>>
    %dma_start3A_691 = arith.constant 0 : i32
    %dma_start3A_692 = tpu.memref_slice %arg8[%dma_start3A_686, %dma_start3A_691] : memref<9x128xi32, #tpu.memory_space<vmem>> -> memref<1x128xi32, #tpu.memory_space<vmem>>
    %dma_start3A_693 = tpu.memref_squeeze %dma_start3A_692 : memref<1x128xi32, #tpu.memory_space<vmem>> -> memref<128xi32, #tpu.memory_space<vmem>>
    %dma_start3A_694 = arith.constant 0 : i32
    %dma_start3A_695 = arith.constant 0 : i32
    %dma_start3A_696 = tpu.memref_slice %arg10[%dma_start3A_694, %dma_start3A_695] : memref<1024x128xf32, #tpu.memory_space<vmem_shared>> -> memref<1024x128xf32, #tpu.memory_space<vmem_shared>>
    tpu.enqueue_indirect_dma source(%dma_start3A_690 : memref<128x128xf32, #tpu.memory_space<vmem>>) target(%dma_start3A_696 : memref<1024x128xf32, #tpu.memory_space<vmem_shared>>) offsets(%dma_start3A_693 : memref<128xi32, #tpu.memory_space<vmem>>) semaphore(%arg15 : memref<!tpu.dma_semaphore, #tpu.memory_space<semaphore_mem>>) {add = true}
    %dma_wait3A_697 = arith.constant 2 : i32
    %dma_wait3A_698 = arith.constant 0 : i32
    %dma_wait3A_699 = arith.constant 0 : i32
    %dma_wait3A_700 = tpu.memref_slice %arg9[%dma_wait3A_697, %dma_wait3A_698, %dma_wait3A_699] : memref<4x128x128xf32, #tpu.memory_space<vmem>> -> memref<1x128x128xf32, #tpu.memory_space<vmem>>
    %dma_wait3A_701 = tpu.memref_squeeze %dma_wait3A_700 : memref<1x128x128xf32, #tpu.memory_space<vmem>> -> memref<128x128xf32, #tpu.memory_space<vmem>>
    %dma_wait3A_702 = arith.constant 0 : i32
    %dma_wait3A_703 = tpu.memref_slice %arg5[%mul3A_550, %dma_wait3A_702] : memref<36864x128xf32, #tpu.memory_space<hbm>> -> memref<128x128xf32, #tpu.memory_space<hbm>>
    %dma_wait3A_704 = arith.constant 0 : i32
    %dma_wait3A_705 = tpu.memref_slice %arg5[%mul3A_550, %dma_wait3A_704] : memref<36864x128xf32, #tpu.memory_space<hbm>> -> memref<128x128xf32, #tpu.memory_space<hbm>>
    %dma_wait3A_706 = arith.constant 0 : i32
    %dma_wait3A_707 = arith.constant 0 : i32
    %dma_wait3A_708 = tpu.memref_slice %arg9[%dma_wait3A_697, %dma_wait3A_706, %dma_wait3A_707] : memref<4x128x128xf32, #tpu.memory_space<vmem>> -> memref<1x128x128xf32, #tpu.memory_space<vmem>>
    %dma_wait3A_709 = tpu.memref_squeeze %dma_wait3A_708 : memref<1x128x128xf32, #tpu.memory_space<vmem>> -> memref<128x128xf32, #tpu.memory_space<vmem>>
    tpu.wait_dma2 semaphore(%arg14 : memref<!tpu.dma_semaphore, #tpu.memory_space<semaphore_mem>>) src(%dma_wait3A_709 : memref<128x128xf32, #tpu.memory_space<vmem>>) dst(%dma_wait3A_705 : memref<128x128xf32, #tpu.memory_space<hbm>>)
    %dma_start3A_710 = arith.constant 6 : i32
    %dma_start3A_711 = arith.constant 2 : i32
    %dma_start3A_712 = arith.constant 0 : i32
    %dma_start3A_713 = arith.constant 0 : i32
    %dma_start3A_714 = tpu.memref_slice %arg9[%dma_start3A_711, %dma_start3A_712, %dma_start3A_713] : memref<4x128x128xf32, #tpu.memory_space<vmem>> -> memref<1x128x128xf32, #tpu.memory_space<vmem>>
    %dma_start3A_715 = tpu.memref_squeeze %dma_start3A_714 : memref<1x128x128xf32, #tpu.memory_space<vmem>> -> memref<128x128xf32, #tpu.memory_space<vmem>>
    %dma_start3A_716 = arith.constant 0 : i32
    %dma_start3A_717 = tpu.memref_slice %arg8[%dma_start3A_710, %dma_start3A_716] : memref<9x128xi32, #tpu.memory_space<vmem>> -> memref<1x128xi32, #tpu.memory_space<vmem>>
    %dma_start3A_718 = tpu.memref_squeeze %dma_start3A_717 : memref<1x128xi32, #tpu.memory_space<vmem>> -> memref<128xi32, #tpu.memory_space<vmem>>
    %dma_start3A_719 = arith.constant 0 : i32
    %dma_start3A_720 = arith.constant 0 : i32
    %dma_start3A_721 = tpu.memref_slice %arg11[%dma_start3A_719, %dma_start3A_720] : memref<1024x128xf32, #tpu.memory_space<vmem_shared>> -> memref<1024x128xf32, #tpu.memory_space<vmem_shared>>
    tpu.enqueue_indirect_dma source(%dma_start3A_721 : memref<1024x128xf32, #tpu.memory_space<vmem_shared>>) target(%dma_start3A_715 : memref<128x128xf32, #tpu.memory_space<vmem>>) offsets(%dma_start3A_718 : memref<128xi32, #tpu.memory_space<vmem>>) semaphore(%arg13 : memref<!tpu.dma_semaphore, #tpu.memory_space<semaphore_mem>>)
    %dma_wait3A_722 = arith.constant 1 : i32
    %dma_wait3A_723 = arith.constant 3 : i32
    %dma_wait3A_724 = arith.constant 0 : i32
    %dma_wait3A_725 = arith.constant 0 : i32
    %dma_wait3A_726 = tpu.memref_slice %arg7[%dma_wait3A_722, %dma_wait3A_724, %dma_wait3A_725] : memref<2x128x128xf32, #tpu.memory_space<vmem>> -> memref<1x128x128xf32, #tpu.memory_space<vmem>>
    %dma_wait3A_727 = tpu.memref_squeeze %dma_wait3A_726 : memref<1x128x128xf32, #tpu.memory_space<vmem>> -> memref<128x128xf32, #tpu.memory_space<vmem>>
    %dma_wait3A_728 = arith.constant 0 : i32
    %dma_wait3A_729 = tpu.memref_slice %arg8[%dma_wait3A_723, %dma_wait3A_728] : memref<9x128xi32, #tpu.memory_space<vmem>> -> memref<1x128xi32, #tpu.memory_space<vmem>>
    %dma_wait3A_730 = tpu.memref_squeeze %dma_wait3A_729 : memref<1x128xi32, #tpu.memory_space<vmem>> -> memref<128xi32, #tpu.memory_space<vmem>>
    %dma_wait3A_731 = arith.constant 0 : i32
    %dma_wait3A_732 = arith.constant 0 : i32
    %dma_wait3A_733 = tpu.memref_slice %arg10[%dma_wait3A_731, %dma_wait3A_732] : memref<1024x128xf32, #tpu.memory_space<vmem_shared>> -> memref<1024x128xf32, #tpu.memory_space<vmem_shared>>
    tpu.wait_indirect_dma semaphore(%arg15 : memref<!tpu.dma_semaphore, #tpu.memory_space<semaphore_mem>>) src(%dma_wait3A_727 : memref<128x128xf32, #tpu.memory_space<vmem>>) dst(%dma_wait3A_733 : memref<1024x128xf32, #tpu.memory_space<vmem_shared>>)
    %add3A_734 = arith.constant 160 : i32
    %add3A_735 = arith.addi %add3A, %add3A_734 : i32
    %mul3A_736 = arith.constant 128 : i32
    %mul3A_737 = arith.muli %add3A_735, %mul3A_736 : i32
    %dma_start3A_738 = arith.constant 1 : i32
    %dma_start3A_739 = arith.constant 0 : i32
    %dma_start3A_740 = arith.constant 0 : i32
    %dma_start3A_741 = tpu.memref_slice %arg7[%dma_start3A_738, %dma_start3A_739, %dma_start3A_740] : memref<2x128x128xf32, #tpu.memory_space<vmem>> -> memref<1x128x128xf32, #tpu.memory_space<vmem>>
    %dma_start3A_742 = tpu.memref_squeeze %dma_start3A_741 : memref<1x128x128xf32, #tpu.memory_space<vmem>> -> memref<128x128xf32, #tpu.memory_space<vmem>>
    %dma_start3A_743 = arith.constant 0 : i32
    %dma_start3A_744 = tpu.memref_slice %arg3[%mul3A_737, %dma_start3A_743] : memref<36864x128xf32, #tpu.memory_space<hbm>> -> memref<128x128xf32, #tpu.memory_space<hbm>>
    %dma_start3A_745 = arith.constant 0 : i32
    %dma_start3A_746 = arith.constant 0 : i32
    %dma_start3A_747 = tpu.memref_slice %arg7[%dma_start3A_738, %dma_start3A_745, %dma_start3A_746] : memref<2x128x128xf32, #tpu.memory_space<vmem>> -> memref<1x128x128xf32, #tpu.memory_space<vmem>>
    %dma_start3A_748 = tpu.memref_squeeze %dma_start3A_747 : memref<1x128x128xf32, #tpu.memory_space<vmem>> -> memref<128x128xf32, #tpu.memory_space<vmem>>
    %dma_start3A_749 = arith.constant 0 : i32
    %dma_start3A_750 = tpu.memref_slice %arg3[%mul3A_737, %dma_start3A_749] : memref<36864x128xf32, #tpu.memory_space<hbm>> -> memref<128x128xf32, #tpu.memory_space<hbm>>
    tpu.enqueue_dma source(%dma_start3A_750 : memref<128x128xf32, #tpu.memory_space<hbm>>) target(%dma_start3A_748 : memref<128x128xf32, #tpu.memory_space<vmem>>) target_semaphore(%arg12 : memref<!tpu.dma_semaphore, #tpu.memory_space<semaphore_mem>>)
    %dma_wait3A_751 = arith.constant 4 : i32
    %dma_wait3A_752 = arith.constant 0 : i32
    %dma_wait3A_753 = arith.constant 0 : i32
    %dma_wait3A_754 = arith.constant 0 : i32
    %dma_wait3A_755 = tpu.memref_slice %arg9[%dma_wait3A_752, %dma_wait3A_753, %dma_wait3A_754] : memref<4x128x128xf32, #tpu.memory_space<vmem>> -> memref<1x128x128xf32, #tpu.memory_space<vmem>>
    %dma_wait3A_756 = tpu.memref_squeeze %dma_wait3A_755 : memref<1x128x128xf32, #tpu.memory_space<vmem>> -> memref<128x128xf32, #tpu.memory_space<vmem>>
    %dma_wait3A_757 = arith.constant 0 : i32
    %dma_wait3A_758 = tpu.memref_slice %arg8[%dma_wait3A_751, %dma_wait3A_757] : memref<9x128xi32, #tpu.memory_space<vmem>> -> memref<1x128xi32, #tpu.memory_space<vmem>>
    %dma_wait3A_759 = tpu.memref_squeeze %dma_wait3A_758 : memref<1x128xi32, #tpu.memory_space<vmem>> -> memref<128xi32, #tpu.memory_space<vmem>>
    %dma_wait3A_760 = arith.constant 0 : i32
    %dma_wait3A_761 = arith.constant 0 : i32
    %dma_wait3A_762 = tpu.memref_slice %arg11[%dma_wait3A_760, %dma_wait3A_761] : memref<1024x128xf32, #tpu.memory_space<vmem_shared>> -> memref<1024x128xf32, #tpu.memory_space<vmem_shared>>
    tpu.wait_indirect_dma semaphore(%arg13 : memref<!tpu.dma_semaphore, #tpu.memory_space<semaphore_mem>>) src(%dma_wait3A_762 : memref<1024x128xf32, #tpu.memory_space<vmem_shared>>) dst(%dma_wait3A_756 : memref<128x128xf32, #tpu.memory_space<vmem>>)
    %add3A_763 = arith.constant 128 : i32
    %add3A_764 = arith.addi %add3A, %add3A_763 : i32
    %mul3A_765 = arith.constant 128 : i32
    %mul3A_766 = arith.muli %add3A_764, %mul3A_765 : i32
    %dma_start3A_767 = arith.constant 0 : i32
    %dma_start3A_768 = arith.constant 0 : i32
    %dma_start3A_769 = arith.constant 0 : i32
    %dma_start3A_770 = tpu.memref_slice %arg9[%dma_start3A_767, %dma_start3A_768, %dma_start3A_769] : memref<4x128x128xf32, #tpu.memory_space<vmem>> -> memref<1x128x128xf32, #tpu.memory_space<vmem>>
    %dma_start3A_771 = tpu.memref_squeeze %dma_start3A_770 : memref<1x128x128xf32, #tpu.memory_space<vmem>> -> memref<128x128xf32, #tpu.memory_space<vmem>>
    %dma_start3A_772 = arith.constant 0 : i32
    %dma_start3A_773 = tpu.memref_slice %arg5[%mul3A_766, %dma_start3A_772] : memref<36864x128xf32, #tpu.memory_space<hbm>> -> memref<128x128xf32, #tpu.memory_space<hbm>>
    %dma_start3A_774 = arith.constant 0 : i32
    %dma_start3A_775 = tpu.memref_slice %arg5[%mul3A_766, %dma_start3A_774] : memref<36864x128xf32, #tpu.memory_space<hbm>> -> memref<128x128xf32, #tpu.memory_space<hbm>>
    %dma_start3A_776 = arith.constant 0 : i32
    %dma_start3A_777 = arith.constant 0 : i32
    %dma_start3A_778 = tpu.memref_slice %arg9[%dma_start3A_767, %dma_start3A_776, %dma_start3A_777] : memref<4x128x128xf32, #tpu.memory_space<vmem>> -> memref<1x128x128xf32, #tpu.memory_space<vmem>>
    %dma_start3A_779 = tpu.memref_squeeze %dma_start3A_778 : memref<1x128x128xf32, #tpu.memory_space<vmem>> -> memref<128x128xf32, #tpu.memory_space<vmem>>
    tpu.enqueue_dma source(%dma_start3A_779 : memref<128x128xf32, #tpu.memory_space<vmem>>) target(%dma_start3A_775 : memref<128x128xf32, #tpu.memory_space<hbm>>) target_semaphore(%arg14 : memref<!tpu.dma_semaphore, #tpu.memory_space<semaphore_mem>>)
    %dma_wait3A_780 = arith.constant 0 : i32
    %dma_wait3A_781 = arith.constant 0 : i32
    %dma_wait3A_782 = arith.constant 0 : i32
    %dma_wait3A_783 = tpu.memref_slice %arg7[%dma_wait3A_780, %dma_wait3A_781, %dma_wait3A_782] : memref<2x128x128xf32, #tpu.memory_space<vmem>> -> memref<1x128x128xf32, #tpu.memory_space<vmem>>
    %dma_wait3A_784 = tpu.memref_squeeze %dma_wait3A_783 : memref<1x128x128xf32, #tpu.memory_space<vmem>> -> memref<128x128xf32, #tpu.memory_space<vmem>>
    %dma_wait3A_785 = arith.constant 0 : i32
    %dma_wait3A_786 = tpu.memref_slice %arg3[%mul3A_629, %dma_wait3A_785] : memref<36864x128xf32, #tpu.memory_space<hbm>> -> memref<128x128xf32, #tpu.memory_space<hbm>>
    %dma_wait3A_787 = arith.constant 0 : i32
    %dma_wait3A_788 = arith.constant 0 : i32
    %dma_wait3A_789 = tpu.memref_slice %arg7[%dma_wait3A_780, %dma_wait3A_787, %dma_wait3A_788] : memref<2x128x128xf32, #tpu.memory_space<vmem>> -> memref<1x128x128xf32, #tpu.memory_space<vmem>>
    %dma_wait3A_790 = tpu.memref_squeeze %dma_wait3A_789 : memref<1x128x128xf32, #tpu.memory_space<vmem>> -> memref<128x128xf32, #tpu.memory_space<vmem>>
    %dma_wait3A_791 = arith.constant 0 : i32
    %dma_wait3A_792 = tpu.memref_slice %arg3[%mul3A_629, %dma_wait3A_791] : memref<36864x128xf32, #tpu.memory_space<hbm>> -> memref<128x128xf32, #tpu.memory_space<hbm>>
    tpu.wait_dma2 semaphore(%arg12 : memref<!tpu.dma_semaphore, #tpu.memory_space<semaphore_mem>>) src(%dma_wait3A_792 : memref<128x128xf32, #tpu.memory_space<hbm>>) dst(%dma_wait3A_790 : memref<128x128xf32, #tpu.memory_space<vmem>>)
    %dma_start3A_793 = arith.constant 0 : i32
    %dma_start3A_794 = arith.constant 4 : i32
    %dma_start3A_795 = arith.constant 0 : i32
    %dma_start3A_796 = arith.constant 0 : i32
    %dma_start3A_797 = tpu.memref_slice %arg7[%dma_start3A_793, %dma_start3A_795, %dma_start3A_796] : memref<2x128x128xf32, #tpu.memory_space<vmem>> -> memref<1x128x128xf32, #tpu.memory_space<vmem>>
    %dma_start3A_798 = tpu.memref_squeeze %dma_start3A_797 : memref<1x128x128xf32, #tpu.memory_space<vmem>> -> memref<128x128xf32, #tpu.memory_space<vmem>>
    %dma_start3A_799 = arith.constant 0 : i32
    %dma_start3A_800 = tpu.memref_slice %arg8[%dma_start3A_794, %dma_start3A_799] : memref<9x128xi32, #tpu.memory_space<vmem>> -> memref<1x128xi32, #tpu.memory_space<vmem>>
    %dma_start3A_801 = tpu.memref_squeeze %dma_start3A_800 : memref<1x128xi32, #tpu.memory_space<vmem>> -> memref<128xi32, #tpu.memory_space<vmem>>
    %dma_start3A_802 = arith.constant 0 : i32
    %dma_start3A_803 = arith.constant 0 : i32
    %dma_start3A_804 = tpu.memref_slice %arg10[%dma_start3A_802, %dma_start3A_803] : memref<1024x128xf32, #tpu.memory_space<vmem_shared>> -> memref<1024x128xf32, #tpu.memory_space<vmem_shared>>
    tpu.enqueue_indirect_dma source(%dma_start3A_798 : memref<128x128xf32, #tpu.memory_space<vmem>>) target(%dma_start3A_804 : memref<1024x128xf32, #tpu.memory_space<vmem_shared>>) offsets(%dma_start3A_801 : memref<128xi32, #tpu.memory_space<vmem>>) semaphore(%arg15 : memref<!tpu.dma_semaphore, #tpu.memory_space<semaphore_mem>>) {add = true}
    %dma_wait3A_805 = arith.constant 3 : i32
    %dma_wait3A_806 = arith.constant 0 : i32
    %dma_wait3A_807 = arith.constant 0 : i32
    %dma_wait3A_808 = tpu.memref_slice %arg9[%dma_wait3A_805, %dma_wait3A_806, %dma_wait3A_807] : memref<4x128x128xf32, #tpu.memory_space<vmem>> -> memref<1x128x128xf32, #tpu.memory_space<vmem>>
    %dma_wait3A_809 = tpu.memref_squeeze %dma_wait3A_808 : memref<1x128x128xf32, #tpu.memory_space<vmem>> -> memref<128x128xf32, #tpu.memory_space<vmem>>
    %dma_wait3A_810 = arith.constant 0 : i32
    %dma_wait3A_811 = tpu.memref_slice %arg5[%mul3A_658, %dma_wait3A_810] : memref<36864x128xf32, #tpu.memory_space<hbm>> -> memref<128x128xf32, #tpu.memory_space<hbm>>
    %dma_wait3A_812 = arith.constant 0 : i32
    %dma_wait3A_813 = tpu.memref_slice %arg5[%mul3A_658, %dma_wait3A_812] : memref<36864x128xf32, #tpu.memory_space<hbm>> -> memref<128x128xf32, #tpu.memory_space<hbm>>
    %dma_wait3A_814 = arith.constant 0 : i32
    %dma_wait3A_815 = arith.constant 0 : i32
    %dma_wait3A_816 = tpu.memref_slice %arg9[%dma_wait3A_805, %dma_wait3A_814, %dma_wait3A_815] : memref<4x128x128xf32, #tpu.memory_space<vmem>> -> memref<1x128x128xf32, #tpu.memory_space<vmem>>
    %dma_wait3A_817 = tpu.memref_squeeze %dma_wait3A_816 : memref<1x128x128xf32, #tpu.memory_space<vmem>> -> memref<128x128xf32, #tpu.memory_space<vmem>>
    tpu.wait_dma2 semaphore(%arg14 : memref<!tpu.dma_semaphore, #tpu.memory_space<semaphore_mem>>) src(%dma_wait3A_817 : memref<128x128xf32, #tpu.memory_space<vmem>>) dst(%dma_wait3A_813 : memref<128x128xf32, #tpu.memory_space<hbm>>)
    %dma_start3A_818 = arith.constant 7 : i32
    %dma_start3A_819 = arith.constant 3 : i32
    %dma_start3A_820 = arith.constant 0 : i32
    %dma_start3A_821 = arith.constant 0 : i32
    %dma_start3A_822 = tpu.memref_slice %arg9[%dma_start3A_819, %dma_start3A_820, %dma_start3A_821] : memref<4x128x128xf32, #tpu.memory_space<vmem>> -> memref<1x128x128xf32, #tpu.memory_space<vmem>>
    %dma_start3A_823 = tpu.memref_squeeze %dma_start3A_822 : memref<1x128x128xf32, #tpu.memory_space<vmem>> -> memref<128x128xf32, #tpu.memory_space<vmem>>
    %dma_start3A_824 = arith.constant 0 : i32
    %dma_start3A_825 = tpu.memref_slice %arg8[%dma_start3A_818, %dma_start3A_824] : memref<9x128xi32, #tpu.memory_space<vmem>> -> memref<1x128xi32, #tpu.memory_space<vmem>>
    %dma_start3A_826 = tpu.memref_squeeze %dma_start3A_825 : memref<1x128xi32, #tpu.memory_space<vmem>> -> memref<128xi32, #tpu.memory_space<vmem>>
    %dma_start3A_827 = arith.constant 0 : i32
    %dma_start3A_828 = arith.constant 0 : i32
    %dma_start3A_829 = tpu.memref_slice %arg11[%dma_start3A_827, %dma_start3A_828] : memref<1024x128xf32, #tpu.memory_space<vmem_shared>> -> memref<1024x128xf32, #tpu.memory_space<vmem_shared>>
    tpu.enqueue_indirect_dma source(%dma_start3A_829 : memref<1024x128xf32, #tpu.memory_space<vmem_shared>>) target(%dma_start3A_823 : memref<128x128xf32, #tpu.memory_space<vmem>>) offsets(%dma_start3A_826 : memref<128xi32, #tpu.memory_space<vmem>>) semaphore(%arg13 : memref<!tpu.dma_semaphore, #tpu.memory_space<semaphore_mem>>)
    %dma_wait3A_830 = arith.constant 0 : i32
    %dma_wait3A_831 = arith.constant 4 : i32
    %dma_wait3A_832 = arith.constant 0 : i32
    %dma_wait3A_833 = arith.constant 0 : i32
    %dma_wait3A_834 = tpu.memref_slice %arg7[%dma_wait3A_830, %dma_wait3A_832, %dma_wait3A_833] : memref<2x128x128xf32, #tpu.memory_space<vmem>> -> memref<1x128x128xf32, #tpu.memory_space<vmem>>
    %dma_wait3A_835 = tpu.memref_squeeze %dma_wait3A_834 : memref<1x128x128xf32, #tpu.memory_space<vmem>> -> memref<128x128xf32, #tpu.memory_space<vmem>>
    %dma_wait3A_836 = arith.constant 0 : i32
    %dma_wait3A_837 = tpu.memref_slice %arg8[%dma_wait3A_831, %dma_wait3A_836] : memref<9x128xi32, #tpu.memory_space<vmem>> -> memref<1x128xi32, #tpu.memory_space<vmem>>
    %dma_wait3A_838 = tpu.memref_squeeze %dma_wait3A_837 : memref<1x128xi32, #tpu.memory_space<vmem>> -> memref<128xi32, #tpu.memory_space<vmem>>
    %dma_wait3A_839 = arith.constant 0 : i32
    %dma_wait3A_840 = arith.constant 0 : i32
    %dma_wait3A_841 = tpu.memref_slice %arg10[%dma_wait3A_839, %dma_wait3A_840] : memref<1024x128xf32, #tpu.memory_space<vmem_shared>> -> memref<1024x128xf32, #tpu.memory_space<vmem_shared>>
    tpu.wait_indirect_dma semaphore(%arg15 : memref<!tpu.dma_semaphore, #tpu.memory_space<semaphore_mem>>) src(%dma_wait3A_835 : memref<128x128xf32, #tpu.memory_space<vmem>>) dst(%dma_wait3A_841 : memref<1024x128xf32, #tpu.memory_space<vmem_shared>>)
    %add3A_842 = arith.constant 192 : i32
    %add3A_843 = arith.addi %add3A, %add3A_842 : i32
    %mul3A_844 = arith.constant 128 : i32
    %mul3A_845 = arith.muli %add3A_843, %mul3A_844 : i32
    %dma_start3A_846 = arith.constant 0 : i32
    %dma_start3A_847 = arith.constant 0 : i32
    %dma_start3A_848 = arith.constant 0 : i32
    %dma_start3A_849 = tpu.memref_slice %arg7[%dma_start3A_846, %dma_start3A_847, %dma_start3A_848] : memref<2x128x128xf32, #tpu.memory_space<vmem>> -> memref<1x128x128xf32, #tpu.memory_space<vmem>>
    %dma_start3A_850 = tpu.memref_squeeze %dma_start3A_849 : memref<1x128x128xf32, #tpu.memory_space<vmem>> -> memref<128x128xf32, #tpu.memory_space<vmem>>
    %dma_start3A_851 = arith.constant 0 : i32
    %dma_start3A_852 = tpu.memref_slice %arg3[%mul3A_845, %dma_start3A_851] : memref<36864x128xf32, #tpu.memory_space<hbm>> -> memref<128x128xf32, #tpu.memory_space<hbm>>
    %dma_start3A_853 = arith.constant 0 : i32
    %dma_start3A_854 = arith.constant 0 : i32
    %dma_start3A_855 = tpu.memref_slice %arg7[%dma_start3A_846, %dma_start3A_853, %dma_start3A_854] : memref<2x128x128xf32, #tpu.memory_space<vmem>> -> memref<1x128x128xf32, #tpu.memory_space<vmem>>
    %dma_start3A_856 = tpu.memref_squeeze %dma_start3A_855 : memref<1x128x128xf32, #tpu.memory_space<vmem>> -> memref<128x128xf32, #tpu.memory_space<vmem>>
    %dma_start3A_857 = arith.constant 0 : i32
    %dma_start3A_858 = tpu.memref_slice %arg3[%mul3A_845, %dma_start3A_857] : memref<36864x128xf32, #tpu.memory_space<hbm>> -> memref<128x128xf32, #tpu.memory_space<hbm>>
    tpu.enqueue_dma source(%dma_start3A_858 : memref<128x128xf32, #tpu.memory_space<hbm>>) target(%dma_start3A_856 : memref<128x128xf32, #tpu.memory_space<vmem>>) target_semaphore(%arg12 : memref<!tpu.dma_semaphore, #tpu.memory_space<semaphore_mem>>)
    %dma_wait3A_859 = arith.constant 5 : i32
    %dma_wait3A_860 = arith.constant 1 : i32
    %dma_wait3A_861 = arith.constant 0 : i32
    %dma_wait3A_862 = arith.constant 0 : i32
    %dma_wait3A_863 = tpu.memref_slice %arg9[%dma_wait3A_860, %dma_wait3A_861, %dma_wait3A_862] : memref<4x128x128xf32, #tpu.memory_space<vmem>> -> memref<1x128x128xf32, #tpu.memory_space<vmem>>
    %dma_wait3A_864 = tpu.memref_squeeze %dma_wait3A_863 : memref<1x128x128xf32, #tpu.memory_space<vmem>> -> memref<128x128xf32, #tpu.memory_space<vmem>>
    %dma_wait3A_865 = arith.constant 0 : i32
    %dma_wait3A_866 = tpu.memref_slice %arg8[%dma_wait3A_859, %dma_wait3A_865] : memref<9x128xi32, #tpu.memory_space<vmem>> -> memref<1x128xi32, #tpu.memory_space<vmem>>
    %dma_wait3A_867 = tpu.memref_squeeze %dma_wait3A_866 : memref<1x128xi32, #tpu.memory_space<vmem>> -> memref<128xi32, #tpu.memory_space<vmem>>
    %dma_wait3A_868 = arith.constant 0 : i32
    %dma_wait3A_869 = arith.constant 0 : i32
    %dma_wait3A_870 = tpu.memref_slice %arg11[%dma_wait3A_868, %dma_wait3A_869] : memref<1024x128xf32, #tpu.memory_space<vmem_shared>> -> memref<1024x128xf32, #tpu.memory_space<vmem_shared>>
    tpu.wait_indirect_dma semaphore(%arg13 : memref<!tpu.dma_semaphore, #tpu.memory_space<semaphore_mem>>) src(%dma_wait3A_870 : memref<1024x128xf32, #tpu.memory_space<vmem_shared>>) dst(%dma_wait3A_864 : memref<128x128xf32, #tpu.memory_space<vmem>>)
    %add3A_871 = arith.constant 160 : i32
    %add3A_872 = arith.addi %add3A, %add3A_871 : i32
    %mul3A_873 = arith.constant 128 : i32
    %mul3A_874 = arith.muli %add3A_872, %mul3A_873 : i32
    %dma_start3A_875 = arith.constant 1 : i32
    %dma_start3A_876 = arith.constant 0 : i32
    %dma_start3A_877 = arith.constant 0 : i32
    %dma_start3A_878 = tpu.memref_slice %arg9[%dma_start3A_875, %dma_start3A_876, %dma_start3A_877] : memref<4x128x128xf32, #tpu.memory_space<vmem>> -> memref<1x128x128xf32, #tpu.memory_space<vmem>>
    %dma_start3A_879 = tpu.memref_squeeze %dma_start3A_878 : memref<1x128x128xf32, #tpu.memory_space<vmem>> -> memref<128x128xf32, #tpu.memory_space<vmem>>
    %dma_start3A_880 = arith.constant 0 : i32
    %dma_start3A_881 = tpu.memref_slice %arg5[%mul3A_874, %dma_start3A_880] : memref<36864x128xf32, #tpu.memory_space<hbm>> -> memref<128x128xf32, #tpu.memory_space<hbm>>
    %dma_start3A_882 = arith.constant 0 : i32
    %dma_start3A_883 = tpu.memref_slice %arg5[%mul3A_874, %dma_start3A_882] : memref<36864x128xf32, #tpu.memory_space<hbm>> -> memref<128x128xf32, #tpu.memory_space<hbm>>
    %dma_start3A_884 = arith.constant 0 : i32
    %dma_start3A_885 = arith.constant 0 : i32
    %dma_start3A_886 = tpu.memref_slice %arg9[%dma_start3A_875, %dma_start3A_884, %dma_start3A_885] : memref<4x128x128xf32, #tpu.memory_space<vmem>> -> memref<1x128x128xf32, #tpu.memory_space<vmem>>
    %dma_start3A_887 = tpu.memref_squeeze %dma_start3A_886 : memref<1x128x128xf32, #tpu.memory_space<vmem>> -> memref<128x128xf32, #tpu.memory_space<vmem>>
    tpu.enqueue_dma source(%dma_start3A_887 : memref<128x128xf32, #tpu.memory_space<vmem>>) target(%dma_start3A_883 : memref<128x128xf32, #tpu.memory_space<hbm>>) target_semaphore(%arg14 : memref<!tpu.dma_semaphore, #tpu.memory_space<semaphore_mem>>)
    %dma_wait3A_888 = arith.constant 1 : i32
    %dma_wait3A_889 = arith.constant 0 : i32
    %dma_wait3A_890 = arith.constant 0 : i32
    %dma_wait3A_891 = tpu.memref_slice %arg7[%dma_wait3A_888, %dma_wait3A_889, %dma_wait3A_890] : memref<2x128x128xf32, #tpu.memory_space<vmem>> -> memref<1x128x128xf32, #tpu.memory_space<vmem>>
    %dma_wait3A_892 = tpu.memref_squeeze %dma_wait3A_891 : memref<1x128x128xf32, #tpu.memory_space<vmem>> -> memref<128x128xf32, #tpu.memory_space<vmem>>
    %dma_wait3A_893 = arith.constant 0 : i32
    %dma_wait3A_894 = tpu.memref_slice %arg3[%mul3A_737, %dma_wait3A_893] : memref<36864x128xf32, #tpu.memory_space<hbm>> -> memref<128x128xf32, #tpu.memory_space<hbm>>
    %dma_wait3A_895 = arith.constant 0 : i32
    %dma_wait3A_896 = arith.constant 0 : i32
    %dma_wait3A_897 = tpu.memref_slice %arg7[%dma_wait3A_888, %dma_wait3A_895, %dma_wait3A_896] : memref<2x128x128xf32, #tpu.memory_space<vmem>> -> memref<1x128x128xf32, #tpu.memory_space<vmem>>
    %dma_wait3A_898 = tpu.memref_squeeze %dma_wait3A_897 : memref<1x128x128xf32, #tpu.memory_space<vmem>> -> memref<128x128xf32, #tpu.memory_space<vmem>>
    %dma_wait3A_899 = arith.constant 0 : i32
    %dma_wait3A_900 = tpu.memref_slice %arg3[%mul3A_737, %dma_wait3A_899] : memref<36864x128xf32, #tpu.memory_space<hbm>> -> memref<128x128xf32, #tpu.memory_space<hbm>>
    tpu.wait_dma2 semaphore(%arg12 : memref<!tpu.dma_semaphore, #tpu.memory_space<semaphore_mem>>) src(%dma_wait3A_900 : memref<128x128xf32, #tpu.memory_space<hbm>>) dst(%dma_wait3A_898 : memref<128x128xf32, #tpu.memory_space<vmem>>)
    %dma_start3A_901 = arith.constant 1 : i32
    %dma_start3A_902 = arith.constant 5 : i32
    %dma_start3A_903 = arith.constant 0 : i32
    %dma_start3A_904 = arith.constant 0 : i32
    %dma_start3A_905 = tpu.memref_slice %arg7[%dma_start3A_901, %dma_start3A_903, %dma_start3A_904] : memref<2x128x128xf32, #tpu.memory_space<vmem>> -> memref<1x128x128xf32, #tpu.memory_space<vmem>>
    %dma_start3A_906 = tpu.memref_squeeze %dma_start3A_905 : memref<1x128x128xf32, #tpu.memory_space<vmem>> -> memref<128x128xf32, #tpu.memory_space<vmem>>
    %dma_start3A_907 = arith.constant 0 : i32
    %dma_start3A_908 = tpu.memref_slice %arg8[%dma_start3A_902, %dma_start3A_907] : memref<9x128xi32, #tpu.memory_space<vmem>> -> memref<1x128xi32, #tpu.memory_space<vmem>>
    %dma_start3A_909 = tpu.memref_squeeze %dma_start3A_908 : memref<1x128xi32, #tpu.memory_space<vmem>> -> memref<128xi32, #tpu.memory_space<vmem>>
    %dma_start3A_910 = arith.constant 0 : i32
    %dma_start3A_911 = arith.constant 0 : i32
    %dma_start3A_912 = tpu.memref_slice %arg10[%dma_start3A_910, %dma_start3A_911] : memref<1024x128xf32, #tpu.memory_space<vmem_shared>> -> memref<1024x128xf32, #tpu.memory_space<vmem_shared>>
    tpu.enqueue_indirect_dma source(%dma_start3A_906 : memref<128x128xf32, #tpu.memory_space<vmem>>) target(%dma_start3A_912 : memref<1024x128xf32, #tpu.memory_space<vmem_shared>>) offsets(%dma_start3A_909 : memref<128xi32, #tpu.memory_space<vmem>>) semaphore(%arg15 : memref<!tpu.dma_semaphore, #tpu.memory_space<semaphore_mem>>) {add = true}
    %dma_wait3A_913 = arith.constant 0 : i32
    %dma_wait3A_914 = arith.constant 0 : i32
    %dma_wait3A_915 = arith.constant 0 : i32
    %dma_wait3A_916 = tpu.memref_slice %arg9[%dma_wait3A_913, %dma_wait3A_914, %dma_wait3A_915] : memref<4x128x128xf32, #tpu.memory_space<vmem>> -> memref<1x128x128xf32, #tpu.memory_space<vmem>>
    %dma_wait3A_917 = tpu.memref_squeeze %dma_wait3A_916 : memref<1x128x128xf32, #tpu.memory_space<vmem>> -> memref<128x128xf32, #tpu.memory_space<vmem>>
    %dma_wait3A_918 = arith.constant 0 : i32
    %dma_wait3A_919 = tpu.memref_slice %arg5[%mul3A_766, %dma_wait3A_918] : memref<36864x128xf32, #tpu.memory_space<hbm>> -> memref<128x128xf32, #tpu.memory_space<hbm>>
    %dma_wait3A_920 = arith.constant 0 : i32
    %dma_wait3A_921 = tpu.memref_slice %arg5[%mul3A_766, %dma_wait3A_920] : memref<36864x128xf32, #tpu.memory_space<hbm>> -> memref<128x128xf32, #tpu.memory_space<hbm>>
    %dma_wait3A_922 = arith.constant 0 : i32
    %dma_wait3A_923 = arith.constant 0 : i32
    %dma_wait3A_924 = tpu.memref_slice %arg9[%dma_wait3A_913, %dma_wait3A_922, %dma_wait3A_923] : memref<4x128x128xf32, #tpu.memory_space<vmem>> -> memref<1x128x128xf32, #tpu.memory_space<vmem>>
    %dma_wait3A_925 = tpu.memref_squeeze %dma_wait3A_924 : memref<1x128x128xf32, #tpu.memory_space<vmem>> -> memref<128x128xf32, #tpu.memory_space<vmem>>
    tpu.wait_dma2 semaphore(%arg14 : memref<!tpu.dma_semaphore, #tpu.memory_space<semaphore_mem>>) src(%dma_wait3A_925 : memref<128x128xf32, #tpu.memory_space<vmem>>) dst(%dma_wait3A_921 : memref<128x128xf32, #tpu.memory_space<hbm>>)
    %dma_start3A_926 = arith.constant 8 : i32
    %dma_start3A_927 = arith.constant 0 : i32
    %dma_start3A_928 = arith.constant 0 : i32
    %dma_start3A_929 = arith.constant 0 : i32
    %dma_start3A_930 = tpu.memref_slice %arg9[%dma_start3A_927, %dma_start3A_928, %dma_start3A_929] : memref<4x128x128xf32, #tpu.memory_space<vmem>> -> memref<1x128x128xf32, #tpu.memory_space<vmem>>
    %dma_start3A_931 = tpu.memref_squeeze %dma_start3A_930 : memref<1x128x128xf32, #tpu.memory_space<vmem>> -> memref<128x128xf32, #tpu.memory_space<vmem>>
    %dma_start3A_932 = arith.constant 0 : i32
    %dma_start3A_933 = tpu.memref_slice %arg8[%dma_start3A_926, %dma_start3A_932] : memref<9x128xi32, #tpu.memory_space<vmem>> -> memref<1x128xi32, #tpu.memory_space<vmem>>
    %dma_start3A_934 = tpu.memref_squeeze %dma_start3A_933 : memref<1x128xi32, #tpu.memory_space<vmem>> -> memref<128xi32, #tpu.memory_space<vmem>>
    %dma_start3A_935 = arith.constant 0 : i32
    %dma_start3A_936 = arith.constant 0 : i32
    %dma_start3A_937 = tpu.memref_slice %arg11[%dma_start3A_935, %dma_start3A_936] : memref<1024x128xf32, #tpu.memory_space<vmem_shared>> -> memref<1024x128xf32, #tpu.memory_space<vmem_shared>>
    tpu.enqueue_indirect_dma source(%dma_start3A_937 : memref<1024x128xf32, #tpu.memory_space<vmem_shared>>) target(%dma_start3A_931 : memref<128x128xf32, #tpu.memory_space<vmem>>) offsets(%dma_start3A_934 : memref<128xi32, #tpu.memory_space<vmem>>) semaphore(%arg13 : memref<!tpu.dma_semaphore, #tpu.memory_space<semaphore_mem>>)
    %dma_wait3A_938 = arith.constant 1 : i32
    %dma_wait3A_939 = arith.constant 5 : i32
    %dma_wait3A_940 = arith.constant 0 : i32
    %dma_wait3A_941 = arith.constant 0 : i32
    %dma_wait3A_942 = tpu.memref_slice %arg7[%dma_wait3A_938, %dma_wait3A_940, %dma_wait3A_941] : memref<2x128x128xf32, #tpu.memory_space<vmem>> -> memref<1x128x128xf32, #tpu.memory_space<vmem>>
    %dma_wait3A_943 = tpu.memref_squeeze %dma_wait3A_942 : memref<1x128x128xf32, #tpu.memory_space<vmem>> -> memref<128x128xf32, #tpu.memory_space<vmem>>
    %dma_wait3A_944 = arith.constant 0 : i32
    %dma_wait3A_945 = tpu.memref_slice %arg8[%dma_wait3A_939, %dma_wait3A_944] : memref<9x128xi32, #tpu.memory_space<vmem>> -> memref<1x128xi32, #tpu.memory_space<vmem>>
    %dma_wait3A_946 = tpu.memref_squeeze %dma_wait3A_945 : memref<1x128xi32, #tpu.memory_space<vmem>> -> memref<128xi32, #tpu.memory_space<vmem>>
    %dma_wait3A_947 = arith.constant 0 : i32
    %dma_wait3A_948 = arith.constant 0 : i32
    %dma_wait3A_949 = tpu.memref_slice %arg10[%dma_wait3A_947, %dma_wait3A_948] : memref<1024x128xf32, #tpu.memory_space<vmem_shared>> -> memref<1024x128xf32, #tpu.memory_space<vmem_shared>>
    tpu.wait_indirect_dma semaphore(%arg15 : memref<!tpu.dma_semaphore, #tpu.memory_space<semaphore_mem>>) src(%dma_wait3A_943 : memref<128x128xf32, #tpu.memory_space<vmem>>) dst(%dma_wait3A_949 : memref<1024x128xf32, #tpu.memory_space<vmem_shared>>)
    %add3A_950 = arith.constant 224 : i32
    %add3A_951 = arith.addi %add3A, %add3A_950 : i32
    %mul3A_952 = arith.constant 128 : i32
    %mul3A_953 = arith.muli %add3A_951, %mul3A_952 : i32
    %dma_start3A_954 = arith.constant 1 : i32
    %dma_start3A_955 = arith.constant 0 : i32
    %dma_start3A_956 = arith.constant 0 : i32
    %dma_start3A_957 = tpu.memref_slice %arg7[%dma_start3A_954, %dma_start3A_955, %dma_start3A_956] : memref<2x128x128xf32, #tpu.memory_space<vmem>> -> memref<1x128x128xf32, #tpu.memory_space<vmem>>
    %dma_start3A_958 = tpu.memref_squeeze %dma_start3A_957 : memref<1x128x128xf32, #tpu.memory_space<vmem>> -> memref<128x128xf32, #tpu.memory_space<vmem>>
    %dma_start3A_959 = arith.constant 0 : i32
    %dma_start3A_960 = tpu.memref_slice %arg3[%mul3A_953, %dma_start3A_959] : memref<36864x128xf32, #tpu.memory_space<hbm>> -> memref<128x128xf32, #tpu.memory_space<hbm>>
    %dma_start3A_961 = arith.constant 0 : i32
    %dma_start3A_962 = arith.constant 0 : i32
    %dma_start3A_963 = tpu.memref_slice %arg7[%dma_start3A_954, %dma_start3A_961, %dma_start3A_962] : memref<2x128x128xf32, #tpu.memory_space<vmem>> -> memref<1x128x128xf32, #tpu.memory_space<vmem>>
    %dma_start3A_964 = tpu.memref_squeeze %dma_start3A_963 : memref<1x128x128xf32, #tpu.memory_space<vmem>> -> memref<128x128xf32, #tpu.memory_space<vmem>>
    %dma_start3A_965 = arith.constant 0 : i32
    %dma_start3A_966 = tpu.memref_slice %arg3[%mul3A_953, %dma_start3A_965] : memref<36864x128xf32, #tpu.memory_space<hbm>> -> memref<128x128xf32, #tpu.memory_space<hbm>>
    tpu.enqueue_dma source(%dma_start3A_966 : memref<128x128xf32, #tpu.memory_space<hbm>>) target(%dma_start3A_964 : memref<128x128xf32, #tpu.memory_space<vmem>>) target_semaphore(%arg12 : memref<!tpu.dma_semaphore, #tpu.memory_space<semaphore_mem>>)
    %dma_wait3A_967 = arith.constant 6 : i32
    %dma_wait3A_968 = arith.constant 2 : i32
    %dma_wait3A_969 = arith.constant 0 : i32
    %dma_wait3A_970 = arith.constant 0 : i32
    %dma_wait3A_971 = tpu.memref_slice %arg9[%dma_wait3A_968, %dma_wait3A_969, %dma_wait3A_970] : memref<4x128x128xf32, #tpu.memory_space<vmem>> -> memref<1x128x128xf32, #tpu.memory_space<vmem>>
    %dma_wait3A_972 = tpu.memref_squeeze %dma_wait3A_971 : memref<1x128x128xf32, #tpu.memory_space<vmem>> -> memref<128x128xf32, #tpu.memory_space<vmem>>
    %dma_wait3A_973 = arith.constant 0 : i32
    %dma_wait3A_974 = tpu.memref_slice %arg8[%dma_wait3A_967, %dma_wait3A_973] : memref<9x128xi32, #tpu.memory_space<vmem>> -> memref<1x128xi32, #tpu.memory_space<vmem>>
    %dma_wait3A_975 = tpu.memref_squeeze %dma_wait3A_974 : memref<1x128xi32, #tpu.memory_space<vmem>> -> memref<128xi32, #tpu.memory_space<vmem>>
    %dma_wait3A_976 = arith.constant 0 : i32
    %dma_wait3A_977 = arith.constant 0 : i32
    %dma_wait3A_978 = tpu.memref_slice %arg11[%dma_wait3A_976, %dma_wait3A_977] : memref<1024x128xf32, #tpu.memory_space<vmem_shared>> -> memref<1024x128xf32, #tpu.memory_space<vmem_shared>>
    tpu.wait_indirect_dma semaphore(%arg13 : memref<!tpu.dma_semaphore, #tpu.memory_space<semaphore_mem>>) src(%dma_wait3A_978 : memref<1024x128xf32, #tpu.memory_space<vmem_shared>>) dst(%dma_wait3A_972 : memref<128x128xf32, #tpu.memory_space<vmem>>)
    %add3A_979 = arith.constant 192 : i32
    %add3A_980 = arith.addi %add3A, %add3A_979 : i32
    %mul3A_981 = arith.constant 128 : i32
    %mul3A_982 = arith.muli %add3A_980, %mul3A_981 : i32
    %dma_start3A_983 = arith.constant 2 : i32
    %dma_start3A_984 = arith.constant 0 : i32
    %dma_start3A_985 = arith.constant 0 : i32
    %dma_start3A_986 = tpu.memref_slice %arg9[%dma_start3A_983, %dma_start3A_984, %dma_start3A_985] : memref<4x128x128xf32, #tpu.memory_space<vmem>> -> memref<1x128x128xf32, #tpu.memory_space<vmem>>
    %dma_start3A_987 = tpu.memref_squeeze %dma_start3A_986 : memref<1x128x128xf32, #tpu.memory_space<vmem>> -> memref<128x128xf32, #tpu.memory_space<vmem>>
    %dma_start3A_988 = arith.constant 0 : i32
    %dma_start3A_989 = tpu.memref_slice %arg5[%mul3A_982, %dma_start3A_988] : memref<36864x128xf32, #tpu.memory_space<hbm>> -> memref<128x128xf32, #tpu.memory_space<hbm>>
    %dma_start3A_990 = arith.constant 0 : i32
    %dma_start3A_991 = tpu.memref_slice %arg5[%mul3A_982, %dma_start3A_990] : memref<36864x128xf32, #tpu.memory_space<hbm>> -> memref<128x128xf32, #tpu.memory_space<hbm>>
    %dma_start3A_992 = arith.constant 0 : i32
    %dma_start3A_993 = arith.constant 0 : i32
    %dma_start3A_994 = tpu.memref_slice %arg9[%dma_start3A_983, %dma_start3A_992, %dma_start3A_993] : memref<4x128x128xf32, #tpu.memory_space<vmem>> -> memref<1x128x128xf32, #tpu.memory_space<vmem>>
    %dma_start3A_995 = tpu.memref_squeeze %dma_start3A_994 : memref<1x128x128xf32, #tpu.memory_space<vmem>> -> memref<128x128xf32, #tpu.memory_space<vmem>>
    tpu.enqueue_dma source(%dma_start3A_995 : memref<128x128xf32, #tpu.memory_space<vmem>>) target(%dma_start3A_991 : memref<128x128xf32, #tpu.memory_space<hbm>>) target_semaphore(%arg14 : memref<!tpu.dma_semaphore, #tpu.memory_space<semaphore_mem>>)
    %dma_wait3A_996 = arith.constant 0 : i32
    %dma_wait3A_997 = arith.constant 0 : i32
    %dma_wait3A_998 = arith.constant 0 : i32
    %dma_wait3A_999 = tpu.memref_slice %arg7[%dma_wait3A_996, %dma_wait3A_997, %dma_wait3A_998] : memref<2x128x128xf32, #tpu.memory_space<vmem>> -> memref<1x128x128xf32, #tpu.memory_space<vmem>>
    %dma_wait3A_1000 = tpu.memref_squeeze %dma_wait3A_999 : memref<1x128x128xf32, #tpu.memory_space<vmem>> -> memref<128x128xf32, #tpu.memory_space<vmem>>
    %dma_wait3A_1001 = arith.constant 0 : i32
    %dma_wait3A_1002 = tpu.memref_slice %arg3[%mul3A_845, %dma_wait3A_1001] : memref<36864x128xf32, #tpu.memory_space<hbm>> -> memref<128x128xf32, #tpu.memory_space<hbm>>
    %dma_wait3A_1003 = arith.constant 0 : i32
    %dma_wait3A_1004 = arith.constant 0 : i32
    %dma_wait3A_1005 = tpu.memref_slice %arg7[%dma_wait3A_996, %dma_wait3A_1003, %dma_wait3A_1004] : memref<2x128x128xf32, #tpu.memory_space<vmem>> -> memref<1x128x128xf32, #tpu.memory_space<vmem>>
    %dma_wait3A_1006 = tpu.memref_squeeze %dma_wait3A_1005 : memref<1x128x128xf32, #tpu.memory_space<vmem>> -> memref<128x128xf32, #tpu.memory_space<vmem>>
    %dma_wait3A_1007 = arith.constant 0 : i32
    %dma_wait3A_1008 = tpu.memref_slice %arg3[%mul3A_845, %dma_wait3A_1007] : memref<36864x128xf32, #tpu.memory_space<hbm>> -> memref<128x128xf32, #tpu.memory_space<hbm>>
    tpu.wait_dma2 semaphore(%arg12 : memref<!tpu.dma_semaphore, #tpu.memory_space<semaphore_mem>>) src(%dma_wait3A_1008 : memref<128x128xf32, #tpu.memory_space<hbm>>) dst(%dma_wait3A_1006 : memref<128x128xf32, #tpu.memory_space<vmem>>)
    %dma_start3A_1009 = arith.constant 0 : i32
    %dma_start3A_1010 = arith.constant 6 : i32
    %dma_start3A_1011 = arith.constant 0 : i32
    %dma_start3A_1012 = arith.constant 0 : i32
    %dma_start3A_1013 = tpu.memref_slice %arg7[%dma_start3A_1009, %dma_start3A_1011, %dma_start3A_1012] : memref<2x128x128xf32, #tpu.memory_space<vmem>> -> memref<1x128x128xf32, #tpu.memory_space<vmem>>
    %dma_start3A_1014 = tpu.memref_squeeze %dma_start3A_1013 : memref<1x128x128xf32, #tpu.memory_space<vmem>> -> memref<128x128xf32, #tpu.memory_space<vmem>>
    %dma_start3A_1015 = arith.constant 0 : i32
    %dma_start3A_1016 = tpu.memref_slice %arg8[%dma_start3A_1010, %dma_start3A_1015] : memref<9x128xi32, #tpu.memory_space<vmem>> -> memref<1x128xi32, #tpu.memory_space<vmem>>
    %dma_start3A_1017 = tpu.memref_squeeze %dma_start3A_1016 : memref<1x128xi32, #tpu.memory_space<vmem>> -> memref<128xi32, #tpu.memory_space<vmem>>
    %dma_start3A_1018 = arith.constant 0 : i32
    %dma_start3A_1019 = arith.constant 0 : i32
    %dma_start3A_1020 = tpu.memref_slice %arg10[%dma_start3A_1018, %dma_start3A_1019] : memref<1024x128xf32, #tpu.memory_space<vmem_shared>> -> memref<1024x128xf32, #tpu.memory_space<vmem_shared>>
    tpu.enqueue_indirect_dma source(%dma_start3A_1014 : memref<128x128xf32, #tpu.memory_space<vmem>>) target(%dma_start3A_1020 : memref<1024x128xf32, #tpu.memory_space<vmem_shared>>) offsets(%dma_start3A_1017 : memref<128xi32, #tpu.memory_space<vmem>>) semaphore(%arg15 : memref<!tpu.dma_semaphore, #tpu.memory_space<semaphore_mem>>) {add = true}
    %dma_wait3A_1021 = arith.constant 0 : i32
    %dma_wait3A_1022 = arith.constant 6 : i32
    %dma_wait3A_1023 = arith.constant 0 : i32
    %dma_wait3A_1024 = arith.constant 0 : i32
    %dma_wait3A_1025 = tpu.memref_slice %arg7[%dma_wait3A_1021, %dma_wait3A_1023, %dma_wait3A_1024] : memref<2x128x128xf32, #tpu.memory_space<vmem>> -> memref<1x128x128xf32, #tpu.memory_space<vmem>>
    %dma_wait3A_1026 = tpu.memref_squeeze %dma_wait3A_1025 : memref<1x128x128xf32, #tpu.memory_space<vmem>> -> memref<128x128xf32, #tpu.memory_space<vmem>>
    %dma_wait3A_1027 = arith.constant 0 : i32
    %dma_wait3A_1028 = tpu.memref_slice %arg8[%dma_wait3A_1022, %dma_wait3A_1027] : memref<9x128xi32, #tpu.memory_space<vmem>> -> memref<1x128xi32, #tpu.memory_space<vmem>>
    %dma_wait3A_1029 = tpu.memref_squeeze %dma_wait3A_1028 : memref<1x128xi32, #tpu.memory_space<vmem>> -> memref<128xi32, #tpu.memory_space<vmem>>
    %dma_wait3A_1030 = arith.constant 0 : i32
    %dma_wait3A_1031 = arith.constant 0 : i32
    %dma_wait3A_1032 = tpu.memref_slice %arg10[%dma_wait3A_1030, %dma_wait3A_1031] : memref<1024x128xf32, #tpu.memory_space<vmem_shared>> -> memref<1024x128xf32, #tpu.memory_space<vmem_shared>>
    tpu.wait_indirect_dma semaphore(%arg15 : memref<!tpu.dma_semaphore, #tpu.memory_space<semaphore_mem>>) src(%dma_wait3A_1026 : memref<128x128xf32, #tpu.memory_space<vmem>>) dst(%dma_wait3A_1032 : memref<1024x128xf32, #tpu.memory_space<vmem_shared>>)
    %add3A_1033 = arith.constant 256 : i32
    %add3A_1034 = arith.addi %add3A, %add3A_1033 : i32
    %mul3A_1035 = arith.constant 128 : i32
    %mul3A_1036 = arith.muli %add3A_1034, %mul3A_1035 : i32
    %dma_start3A_1037 = arith.constant 0 : i32
    %dma_start3A_1038 = arith.constant 0 : i32
    %dma_start3A_1039 = arith.constant 0 : i32
    %dma_start3A_1040 = tpu.memref_slice %arg7[%dma_start3A_1037, %dma_start3A_1038, %dma_start3A_1039] : memref<2x128x128xf32, #tpu.memory_space<vmem>> -> memref<1x128x128xf32, #tpu.memory_space<vmem>>
    %dma_start3A_1041 = tpu.memref_squeeze %dma_start3A_1040 : memref<1x128x128xf32, #tpu.memory_space<vmem>> -> memref<128x128xf32, #tpu.memory_space<vmem>>
    %dma_start3A_1042 = arith.constant 0 : i32
    %dma_start3A_1043 = tpu.memref_slice %arg3[%mul3A_1036, %dma_start3A_1042] : memref<36864x128xf32, #tpu.memory_space<hbm>> -> memref<128x128xf32, #tpu.memory_space<hbm>>
    %dma_start3A_1044 = arith.constant 0 : i32
    %dma_start3A_1045 = arith.constant 0 : i32
    %dma_start3A_1046 = tpu.memref_slice %arg7[%dma_start3A_1037, %dma_start3A_1044, %dma_start3A_1045] : memref<2x128x128xf32, #tpu.memory_space<vmem>> -> memref<1x128x128xf32, #tpu.memory_space<vmem>>
    %dma_start3A_1047 = tpu.memref_squeeze %dma_start3A_1046 : memref<1x128x128xf32, #tpu.memory_space<vmem>> -> memref<128x128xf32, #tpu.memory_space<vmem>>
    %dma_start3A_1048 = arith.constant 0 : i32
    %dma_start3A_1049 = tpu.memref_slice %arg3[%mul3A_1036, %dma_start3A_1048] : memref<36864x128xf32, #tpu.memory_space<hbm>> -> memref<128x128xf32, #tpu.memory_space<hbm>>
    tpu.enqueue_dma source(%dma_start3A_1049 : memref<128x128xf32, #tpu.memory_space<hbm>>) target(%dma_start3A_1047 : memref<128x128xf32, #tpu.memory_space<vmem>>) target_semaphore(%arg12 : memref<!tpu.dma_semaphore, #tpu.memory_space<semaphore_mem>>)
    %dma_wait3A_1050 = arith.constant 7 : i32
    %dma_wait3A_1051 = arith.constant 3 : i32
    %dma_wait3A_1052 = arith.constant 0 : i32
    %dma_wait3A_1053 = arith.constant 0 : i32
    %dma_wait3A_1054 = tpu.memref_slice %arg9[%dma_wait3A_1051, %dma_wait3A_1052, %dma_wait3A_1053] : memref<4x128x128xf32, #tpu.memory_space<vmem>> -> memref<1x128x128xf32, #tpu.memory_space<vmem>>
    %dma_wait3A_1055 = tpu.memref_squeeze %dma_wait3A_1054 : memref<1x128x128xf32, #tpu.memory_space<vmem>> -> memref<128x128xf32, #tpu.memory_space<vmem>>
    %dma_wait3A_1056 = arith.constant 0 : i32
    %dma_wait3A_1057 = tpu.memref_slice %arg8[%dma_wait3A_1050, %dma_wait3A_1056] : memref<9x128xi32, #tpu.memory_space<vmem>> -> memref<1x128xi32, #tpu.memory_space<vmem>>
    %dma_wait3A_1058 = tpu.memref_squeeze %dma_wait3A_1057 : memref<1x128xi32, #tpu.memory_space<vmem>> -> memref<128xi32, #tpu.memory_space<vmem>>
    %dma_wait3A_1059 = arith.constant 0 : i32
    %dma_wait3A_1060 = arith.constant 0 : i32
    %dma_wait3A_1061 = tpu.memref_slice %arg11[%dma_wait3A_1059, %dma_wait3A_1060] : memref<1024x128xf32, #tpu.memory_space<vmem_shared>> -> memref<1024x128xf32, #tpu.memory_space<vmem_shared>>
    tpu.wait_indirect_dma semaphore(%arg13 : memref<!tpu.dma_semaphore, #tpu.memory_space<semaphore_mem>>) src(%dma_wait3A_1061 : memref<1024x128xf32, #tpu.memory_space<vmem_shared>>) dst(%dma_wait3A_1055 : memref<128x128xf32, #tpu.memory_space<vmem>>)
    %add3A_1062 = arith.constant 224 : i32
    %add3A_1063 = arith.addi %add3A, %add3A_1062 : i32
    %mul3A_1064 = arith.constant 128 : i32
    %mul3A_1065 = arith.muli %add3A_1063, %mul3A_1064 : i32
    %dma_start3A_1066 = arith.constant 3 : i32
    %dma_start3A_1067 = arith.constant 0 : i32
    %dma_start3A_1068 = arith.constant 0 : i32
    %dma_start3A_1069 = tpu.memref_slice %arg9[%dma_start3A_1066, %dma_start3A_1067, %dma_start3A_1068] : memref<4x128x128xf32, #tpu.memory_space<vmem>> -> memref<1x128x128xf32, #tpu.memory_space<vmem>>
    %dma_start3A_1070 = tpu.memref_squeeze %dma_start3A_1069 : memref<1x128x128xf32, #tpu.memory_space<vmem>> -> memref<128x128xf32, #tpu.memory_space<vmem>>
    %dma_start3A_1071 = arith.constant 0 : i32
    %dma_start3A_1072 = tpu.memref_slice %arg5[%mul3A_1065, %dma_start3A_1071] : memref<36864x128xf32, #tpu.memory_space<hbm>> -> memref<128x128xf32, #tpu.memory_space<hbm>>
    %dma_start3A_1073 = arith.constant 0 : i32
    %dma_start3A_1074 = tpu.memref_slice %arg5[%mul3A_1065, %dma_start3A_1073] : memref<36864x128xf32, #tpu.memory_space<hbm>> -> memref<128x128xf32, #tpu.memory_space<hbm>>
    %dma_start3A_1075 = arith.constant 0 : i32
    %dma_start3A_1076 = arith.constant 0 : i32
    %dma_start3A_1077 = tpu.memref_slice %arg9[%dma_start3A_1066, %dma_start3A_1075, %dma_start3A_1076] : memref<4x128x128xf32, #tpu.memory_space<vmem>> -> memref<1x128x128xf32, #tpu.memory_space<vmem>>
    %dma_start3A_1078 = tpu.memref_squeeze %dma_start3A_1077 : memref<1x128x128xf32, #tpu.memory_space<vmem>> -> memref<128x128xf32, #tpu.memory_space<vmem>>
    tpu.enqueue_dma source(%dma_start3A_1078 : memref<128x128xf32, #tpu.memory_space<vmem>>) target(%dma_start3A_1074 : memref<128x128xf32, #tpu.memory_space<hbm>>) target_semaphore(%arg14 : memref<!tpu.dma_semaphore, #tpu.memory_space<semaphore_mem>>)
    %dma_wait3A_1079 = arith.constant 1 : i32
    %dma_wait3A_1080 = arith.constant 0 : i32
    %dma_wait3A_1081 = arith.constant 0 : i32
    %dma_wait3A_1082 = tpu.memref_slice %arg7[%dma_wait3A_1079, %dma_wait3A_1080, %dma_wait3A_1081] : memref<2x128x128xf32, #tpu.memory_space<vmem>> -> memref<1x128x128xf32, #tpu.memory_space<vmem>>
    %dma_wait3A_1083 = tpu.memref_squeeze %dma_wait3A_1082 : memref<1x128x128xf32, #tpu.memory_space<vmem>> -> memref<128x128xf32, #tpu.memory_space<vmem>>
    %dma_wait3A_1084 = arith.constant 0 : i32
    %dma_wait3A_1085 = tpu.memref_slice %arg3[%mul3A_953, %dma_wait3A_1084] : memref<36864x128xf32, #tpu.memory_space<hbm>> -> memref<128x128xf32, #tpu.memory_space<hbm>>
    %dma_wait3A_1086 = arith.constant 0 : i32
    %dma_wait3A_1087 = arith.constant 0 : i32
    %dma_wait3A_1088 = tpu.memref_slice %arg7[%dma_wait3A_1079, %dma_wait3A_1086, %dma_wait3A_1087] : memref<2x128x128xf32, #tpu.memory_space<vmem>> -> memref<1x128x128xf32, #tpu.memory_space<vmem>>
    %dma_wait3A_1089 = tpu.memref_squeeze %dma_wait3A_1088 : memref<1x128x128xf32, #tpu.memory_space<vmem>> -> memref<128x128xf32, #tpu.memory_space<vmem>>
    %dma_wait3A_1090 = arith.constant 0 : i32
    %dma_wait3A_1091 = tpu.memref_slice %arg3[%mul3A_953, %dma_wait3A_1090] : memref<36864x128xf32, #tpu.memory_space<hbm>> -> memref<128x128xf32, #tpu.memory_space<hbm>>
    tpu.wait_dma2 semaphore(%arg12 : memref<!tpu.dma_semaphore, #tpu.memory_space<semaphore_mem>>) src(%dma_wait3A_1091 : memref<128x128xf32, #tpu.memory_space<hbm>>) dst(%dma_wait3A_1089 : memref<128x128xf32, #tpu.memory_space<vmem>>)
    %dma_start3A_1092 = arith.constant 1 : i32
    %dma_start3A_1093 = arith.constant 7 : i32
    %dma_start3A_1094 = arith.constant 0 : i32
    %dma_start3A_1095 = arith.constant 0 : i32
    %dma_start3A_1096 = tpu.memref_slice %arg7[%dma_start3A_1092, %dma_start3A_1094, %dma_start3A_1095] : memref<2x128x128xf32, #tpu.memory_space<vmem>> -> memref<1x128x128xf32, #tpu.memory_space<vmem>>
    %dma_start3A_1097 = tpu.memref_squeeze %dma_start3A_1096 : memref<1x128x128xf32, #tpu.memory_space<vmem>> -> memref<128x128xf32, #tpu.memory_space<vmem>>
    %dma_start3A_1098 = arith.constant 0 : i32
    %dma_start3A_1099 = tpu.memref_slice %arg8[%dma_start3A_1093, %dma_start3A_1098] : memref<9x128xi32, #tpu.memory_space<vmem>> -> memref<1x128xi32, #tpu.memory_space<vmem>>
    %dma_start3A_1100 = tpu.memref_squeeze %dma_start3A_1099 : memref<1x128xi32, #tpu.memory_space<vmem>> -> memref<128xi32, #tpu.memory_space<vmem>>
    %dma_start3A_1101 = arith.constant 0 : i32
    %dma_start3A_1102 = arith.constant 0 : i32
    %dma_start3A_1103 = tpu.memref_slice %arg10[%dma_start3A_1101, %dma_start3A_1102] : memref<1024x128xf32, #tpu.memory_space<vmem_shared>> -> memref<1024x128xf32, #tpu.memory_space<vmem_shared>>
    tpu.enqueue_indirect_dma source(%dma_start3A_1097 : memref<128x128xf32, #tpu.memory_space<vmem>>) target(%dma_start3A_1103 : memref<1024x128xf32, #tpu.memory_space<vmem_shared>>) offsets(%dma_start3A_1100 : memref<128xi32, #tpu.memory_space<vmem>>) semaphore(%arg15 : memref<!tpu.dma_semaphore, #tpu.memory_space<semaphore_mem>>) {add = true}
    %dma_wait3A_1104 = arith.constant 8 : i32
    %dma_wait3A_1105 = arith.constant 0 : i32
    %dma_wait3A_1106 = arith.constant 0 : i32
    %dma_wait3A_1107 = arith.constant 0 : i32
    %dma_wait3A_1108 = tpu.memref_slice %arg9[%dma_wait3A_1105, %dma_wait3A_1106, %dma_wait3A_1107] : memref<4x128x128xf32, #tpu.memory_space<vmem>> -> memref<1x128x128xf32, #tpu.memory_space<vmem>>
    %dma_wait3A_1109 = tpu.memref_squeeze %dma_wait3A_1108 : memref<1x128x128xf32, #tpu.memory_space<vmem>> -> memref<128x128xf32, #tpu.memory_space<vmem>>
    %dma_wait3A_1110 = arith.constant 0 : i32
    %dma_wait3A_1111 = tpu.memref_slice %arg8[%dma_wait3A_1104, %dma_wait3A_1110] : memref<9x128xi32, #tpu.memory_space<vmem>> -> memref<1x128xi32, #tpu.memory_space<vmem>>
    %dma_wait3A_1112 = tpu.memref_squeeze %dma_wait3A_1111 : memref<1x128xi32, #tpu.memory_space<vmem>> -> memref<128xi32, #tpu.memory_space<vmem>>
    %dma_wait3A_1113 = arith.constant 0 : i32
    %dma_wait3A_1114 = arith.constant 0 : i32
    %dma_wait3A_1115 = tpu.memref_slice %arg11[%dma_wait3A_1113, %dma_wait3A_1114] : memref<1024x128xf32, #tpu.memory_space<vmem_shared>> -> memref<1024x128xf32, #tpu.memory_space<vmem_shared>>
    tpu.wait_indirect_dma semaphore(%arg13 : memref<!tpu.dma_semaphore, #tpu.memory_space<semaphore_mem>>) src(%dma_wait3A_1115 : memref<1024x128xf32, #tpu.memory_space<vmem_shared>>) dst(%dma_wait3A_1109 : memref<128x128xf32, #tpu.memory_space<vmem>>)
    %add3A_1116 = arith.constant 256 : i32
    %add3A_1117 = arith.addi %add3A, %add3A_1116 : i32
    %mul3A_1118 = arith.constant 128 : i32
    %mul3A_1119 = arith.muli %add3A_1117, %mul3A_1118 : i32
    %dma_start3A_1120 = arith.constant 0 : i32
    %dma_start3A_1121 = arith.constant 0 : i32
    %dma_start3A_1122 = arith.constant 0 : i32
    %dma_start3A_1123 = tpu.memref_slice %arg9[%dma_start3A_1120, %dma_start3A_1121, %dma_start3A_1122] : memref<4x128x128xf32, #tpu.memory_space<vmem>> -> memref<1x128x128xf32, #tpu.memory_space<vmem>>
    %dma_start3A_1124 = tpu.memref_squeeze %dma_start3A_1123 : memref<1x128x128xf32, #tpu.memory_space<vmem>> -> memref<128x128xf32, #tpu.memory_space<vmem>>
    %dma_start3A_1125 = arith.constant 0 : i32
    %dma_start3A_1126 = tpu.memref_slice %arg5[%mul3A_1119, %dma_start3A_1125] : memref<36864x128xf32, #tpu.memory_space<hbm>> -> memref<128x128xf32, #tpu.memory_space<hbm>>
    %dma_start3A_1127 = arith.constant 0 : i32
    %dma_start3A_1128 = tpu.memref_slice %arg5[%mul3A_1119, %dma_start3A_1127] : memref<36864x128xf32, #tpu.memory_space<hbm>> -> memref<128x128xf32, #tpu.memory_space<hbm>>
    %dma_start3A_1129 = arith.constant 0 : i32
    %dma_start3A_1130 = arith.constant 0 : i32
    %dma_start3A_1131 = tpu.memref_slice %arg9[%dma_start3A_1120, %dma_start3A_1129, %dma_start3A_1130] : memref<4x128x128xf32, #tpu.memory_space<vmem>> -> memref<1x128x128xf32, #tpu.memory_space<vmem>>
    %dma_start3A_1132 = tpu.memref_squeeze %dma_start3A_1131 : memref<1x128x128xf32, #tpu.memory_space<vmem>> -> memref<128x128xf32, #tpu.memory_space<vmem>>
    tpu.enqueue_dma source(%dma_start3A_1132 : memref<128x128xf32, #tpu.memory_space<vmem>>) target(%dma_start3A_1128 : memref<128x128xf32, #tpu.memory_space<hbm>>) target_semaphore(%arg14 : memref<!tpu.dma_semaphore, #tpu.memory_space<semaphore_mem>>)
    %dma_wait3A_1133 = arith.constant 0 : i32
    %dma_wait3A_1134 = arith.constant 0 : i32
    %dma_wait3A_1135 = arith.constant 0 : i32
    %dma_wait3A_1136 = tpu.memref_slice %arg7[%dma_wait3A_1133, %dma_wait3A_1134, %dma_wait3A_1135] : memref<2x128x128xf32, #tpu.memory_space<vmem>> -> memref<1x128x128xf32, #tpu.memory_space<vmem>>
    %dma_wait3A_1137 = tpu.memref_squeeze %dma_wait3A_1136 : memref<1x128x128xf32, #tpu.memory_space<vmem>> -> memref<128x128xf32, #tpu.memory_space<vmem>>
    %dma_wait3A_1138 = arith.constant 0 : i32
    %dma_wait3A_1139 = tpu.memref_slice %arg3[%mul3A_1036, %dma_wait3A_1138] : memref<36864x128xf32, #tpu.memory_space<hbm>> -> memref<128x128xf32, #tpu.memory_space<hbm>>
    %dma_wait3A_1140 = arith.constant 0 : i32
    %dma_wait3A_1141 = arith.constant 0 : i32
    %dma_wait3A_1142 = tpu.memref_slice %arg7[%dma_wait3A_1133, %dma_wait3A_1140, %dma_wait3A_1141] : memref<2x128x128xf32, #tpu.memory_space<vmem>> -> memref<1x128x128xf32, #tpu.memory_space<vmem>>
    %dma_wait3A_1143 = tpu.memref_squeeze %dma_wait3A_1142 : memref<1x128x128xf32, #tpu.memory_space<vmem>> -> memref<128x128xf32, #tpu.memory_space<vmem>>
    %dma_wait3A_1144 = arith.constant 0 : i32
    %dma_wait3A_1145 = tpu.memref_slice %arg3[%mul3A_1036, %dma_wait3A_1144] : memref<36864x128xf32, #tpu.memory_space<hbm>> -> memref<128x128xf32, #tpu.memory_space<hbm>>
    tpu.wait_dma2 semaphore(%arg12 : memref<!tpu.dma_semaphore, #tpu.memory_space<semaphore_mem>>) src(%dma_wait3A_1145 : memref<128x128xf32, #tpu.memory_space<hbm>>) dst(%dma_wait3A_1143 : memref<128x128xf32, #tpu.memory_space<vmem>>)
    %dma_start3A_1146 = arith.constant 0 : i32
    %dma_start3A_1147 = arith.constant 8 : i32
    %dma_start3A_1148 = arith.constant 0 : i32
    %dma_start3A_1149 = arith.constant 0 : i32
    %dma_start3A_1150 = tpu.memref_slice %arg7[%dma_start3A_1146, %dma_start3A_1148, %dma_start3A_1149] : memref<2x128x128xf32, #tpu.memory_space<vmem>> -> memref<1x128x128xf32, #tpu.memory_space<vmem>>
    %dma_start3A_1151 = tpu.memref_squeeze %dma_start3A_1150 : memref<1x128x128xf32, #tpu.memory_space<vmem>> -> memref<128x128xf32, #tpu.memory_space<vmem>>
    %dma_start3A_1152 = arith.constant 0 : i32
    %dma_start3A_1153 = tpu.memref_slice %arg8[%dma_start3A_1147, %dma_start3A_1152] : memref<9x128xi32, #tpu.memory_space<vmem>> -> memref<1x128xi32, #tpu.memory_space<vmem>>
    %dma_start3A_1154 = tpu.memref_squeeze %dma_start3A_1153 : memref<1x128xi32, #tpu.memory_space<vmem>> -> memref<128xi32, #tpu.memory_space<vmem>>
    %dma_start3A_1155 = arith.constant 0 : i32
    %dma_start3A_1156 = arith.constant 0 : i32
    %dma_start3A_1157 = tpu.memref_slice %arg10[%dma_start3A_1155, %dma_start3A_1156] : memref<1024x128xf32, #tpu.memory_space<vmem_shared>> -> memref<1024x128xf32, #tpu.memory_space<vmem_shared>>
    tpu.enqueue_indirect_dma source(%dma_start3A_1151 : memref<128x128xf32, #tpu.memory_space<vmem>>) target(%dma_start3A_1157 : memref<1024x128xf32, #tpu.memory_space<vmem_shared>>) offsets(%dma_start3A_1154 : memref<128xi32, #tpu.memory_space<vmem>>) semaphore(%arg15 : memref<!tpu.dma_semaphore, #tpu.memory_space<semaphore_mem>>) {add = true}
    %dma_wait3A_1158 = arith.constant 3 : i32
    %dma_wait3A_1159 = arith.constant 0 : i32
    %dma_wait3A_1160 = arith.constant 0 : i32
    %dma_wait3A_1161 = tpu.memref_slice %arg9[%dma_wait3A_1158, %dma_wait3A_1159, %dma_wait3A_1160] : memref<4x128x128xf32, #tpu.memory_space<vmem>> -> memref<1x128x128xf32, #tpu.memory_space<vmem>>
    %dma_wait3A_1162 = tpu.memref_squeeze %dma_wait3A_1161 : memref<1x128x128xf32, #tpu.memory_space<vmem>> -> memref<128x128xf32, #tpu.memory_space<vmem>>
    %dma_wait3A_1163 = arith.constant 0 : i32
    %dma_wait3A_1164 = tpu.memref_slice %arg5[%mul3A_1065, %dma_wait3A_1163] : memref<36864x128xf32, #tpu.memory_space<hbm>> -> memref<128x128xf32, #tpu.memory_space<hbm>>
    %dma_wait3A_1165 = arith.constant 0 : i32
    %dma_wait3A_1166 = tpu.memref_slice %arg5[%mul3A_1065, %dma_wait3A_1165] : memref<36864x128xf32, #tpu.memory_space<hbm>> -> memref<128x128xf32, #tpu.memory_space<hbm>>
    %dma_wait3A_1167 = arith.constant 0 : i32
    %dma_wait3A_1168 = arith.constant 0 : i32
    %dma_wait3A_1169 = tpu.memref_slice %arg9[%dma_wait3A_1158, %dma_wait3A_1167, %dma_wait3A_1168] : memref<4x128x128xf32, #tpu.memory_space<vmem>> -> memref<1x128x128xf32, #tpu.memory_space<vmem>>
    %dma_wait3A_1170 = tpu.memref_squeeze %dma_wait3A_1169 : memref<1x128x128xf32, #tpu.memory_space<vmem>> -> memref<128x128xf32, #tpu.memory_space<vmem>>
    tpu.wait_dma2 semaphore(%arg14 : memref<!tpu.dma_semaphore, #tpu.memory_space<semaphore_mem>>) src(%dma_wait3A_1170 : memref<128x128xf32, #tpu.memory_space<vmem>>) dst(%dma_wait3A_1166 : memref<128x128xf32, #tpu.memory_space<hbm>>)
    %dma_wait3A_1171 = arith.constant 1 : i32
    %dma_wait3A_1172 = arith.constant 7 : i32
    %dma_wait3A_1173 = arith.constant 0 : i32
    %dma_wait3A_1174 = arith.constant 0 : i32
    %dma_wait3A_1175 = tpu.memref_slice %arg7[%dma_wait3A_1171, %dma_wait3A_1173, %dma_wait3A_1174] : memref<2x128x128xf32, #tpu.memory_space<vmem>> -> memref<1x128x128xf32, #tpu.memory_space<vmem>>
    %dma_wait3A_1176 = tpu.memref_squeeze %dma_wait3A_1175 : memref<1x128x128xf32, #tpu.memory_space<vmem>> -> memref<128x128xf32, #tpu.memory_space<vmem>>
    %dma_wait3A_1177 = arith.constant 0 : i32
    %dma_wait3A_1178 = tpu.memref_slice %arg8[%dma_wait3A_1172, %dma_wait3A_1177] : memref<9x128xi32, #tpu.memory_space<vmem>> -> memref<1x128xi32, #tpu.memory_space<vmem>>
    %dma_wait3A_1179 = tpu.memref_squeeze %dma_wait3A_1178 : memref<1x128xi32, #tpu.memory_space<vmem>> -> memref<128xi32, #tpu.memory_space<vmem>>
    %dma_wait3A_1180 = arith.constant 0 : i32
    %dma_wait3A_1181 = arith.constant 0 : i32
    %dma_wait3A_1182 = tpu.memref_slice %arg10[%dma_wait3A_1180, %dma_wait3A_1181] : memref<1024x128xf32, #tpu.memory_space<vmem_shared>> -> memref<1024x128xf32, #tpu.memory_space<vmem_shared>>
    tpu.wait_indirect_dma semaphore(%arg15 : memref<!tpu.dma_semaphore, #tpu.memory_space<semaphore_mem>>) src(%dma_wait3A_1176 : memref<128x128xf32, #tpu.memory_space<vmem>>) dst(%dma_wait3A_1182 : memref<1024x128xf32, #tpu.memory_space<vmem_shared>>)
    %dma_wait3A_1183 = arith.constant 0 : i32
    %dma_wait3A_1184 = arith.constant 0 : i32
    %dma_wait3A_1185 = arith.constant 0 : i32
    %dma_wait3A_1186 = tpu.memref_slice %arg9[%dma_wait3A_1183, %dma_wait3A_1184, %dma_wait3A_1185] : memref<4x128x128xf32, #tpu.memory_space<vmem>> -> memref<1x128x128xf32, #tpu.memory_space<vmem>>
    %dma_wait3A_1187 = tpu.memref_squeeze %dma_wait3A_1186 : memref<1x128x128xf32, #tpu.memory_space<vmem>> -> memref<128x128xf32, #tpu.memory_space<vmem>>
    %dma_wait3A_1188 = arith.constant 0 : i32
    %dma_wait3A_1189 = tpu.memref_slice %arg5[%mul3A_1119, %dma_wait3A_1188] : memref<36864x128xf32, #tpu.memory_space<hbm>> -> memref<128x128xf32, #tpu.memory_space<hbm>>
    %dma_wait3A_1190 = arith.constant 0 : i32
    %dma_wait3A_1191 = tpu.memref_slice %arg5[%mul3A_1119, %dma_wait3A_1190] : memref<36864x128xf32, #tpu.memory_space<hbm>> -> memref<128x128xf32, #tpu.memory_space<hbm>>
    %dma_wait3A_1192 = arith.constant 0 : i32
    %dma_wait3A_1193 = arith.constant 0 : i32
    %dma_wait3A_1194 = tpu.memref_slice %arg9[%dma_wait3A_1183, %dma_wait3A_1192, %dma_wait3A_1193] : memref<4x128x128xf32, #tpu.memory_space<vmem>> -> memref<1x128x128xf32, #tpu.memory_space<vmem>>
    %dma_wait3A_1195 = tpu.memref_squeeze %dma_wait3A_1194 : memref<1x128x128xf32, #tpu.memory_space<vmem>> -> memref<128x128xf32, #tpu.memory_space<vmem>>
    tpu.wait_dma2 semaphore(%arg14 : memref<!tpu.dma_semaphore, #tpu.memory_space<semaphore_mem>>) src(%dma_wait3A_1195 : memref<128x128xf32, #tpu.memory_space<vmem>>) dst(%dma_wait3A_1191 : memref<128x128xf32, #tpu.memory_space<hbm>>)
    %dma_wait3A_1196 = arith.constant 0 : i32
    %dma_wait3A_1197 = arith.constant 8 : i32
    %dma_wait3A_1198 = arith.constant 0 : i32
    %dma_wait3A_1199 = arith.constant 0 : i32
    %dma_wait3A_1200 = tpu.memref_slice %arg7[%dma_wait3A_1196, %dma_wait3A_1198, %dma_wait3A_1199] : memref<2x128x128xf32, #tpu.memory_space<vmem>> -> memref<1x128x128xf32, #tpu.memory_space<vmem>>
    %dma_wait3A_1201 = tpu.memref_squeeze %dma_wait3A_1200 : memref<1x128x128xf32, #tpu.memory_space<vmem>> -> memref<128x128xf32, #tpu.memory_space<vmem>>
    %dma_wait3A_1202 = arith.constant 0 : i32
    %dma_wait3A_1203 = tpu.memref_slice %arg8[%dma_wait3A_1197, %dma_wait3A_1202] : memref<9x128xi32, #tpu.memory_space<vmem>> -> memref<1x128xi32, #tpu.memory_space<vmem>>
    %dma_wait3A_1204 = tpu.memref_squeeze %dma_wait3A_1203 : memref<1x128xi32, #tpu.memory_space<vmem>> -> memref<128xi32, #tpu.memory_space<vmem>>
    %dma_wait3A_1205 = arith.constant 0 : i32
    %dma_wait3A_1206 = arith.constant 0 : i32
    %dma_wait3A_1207 = tpu.memref_slice %arg10[%dma_wait3A_1205, %dma_wait3A_1206] : memref<1024x128xf32, #tpu.memory_space<vmem_shared>> -> memref<1024x128xf32, #tpu.memory_space<vmem_shared>>
    tpu.wait_indirect_dma semaphore(%arg15 : memref<!tpu.dma_semaphore, #tpu.memory_space<semaphore_mem>>) src(%dma_wait3A_1201 : memref<128x128xf32, #tpu.memory_space<vmem>>) dst(%dma_wait3A_1207 : memref<1024x128xf32, #tpu.memory_space<vmem_shared>>)
    %barrier3A_1208 = arith.constant 0 : index
    tpu.barrier barrier_id(%barrier3A_1208)
    %eq3A = arith.constant 0 : i32
    %eq3A_1209 = arith.cmpi eq, %arg1, %eq3A : i32
    %convert_element_type3A = arith.extui %eq3A_1209 : i1 to i32
    %cond3A = arith.constant 0 : i32
    %cond3A_1210 = arith.cmpi ne, %convert_element_type3A, %cond3A : i32
    scf.if %cond3A_1210 {
      "tpu.region"() ({
        %run_scoped3A_1211 = tpu.sem_alloc : memref<!tpu.dma_semaphore, #tpu.memory_space<semaphore_mem>>
        %dma_start3A_1212 = arith.constant 0 : i32
        %dma_start3A_1213 = arith.constant 0 : i32
        %dma_start3A_1214 = tpu.memref_slice %arg6[%arg0, %dma_start3A_1212, %dma_start3A_1213] : memref<2x1024x128xf32, #tpu.memory_space<hbm>> -> memref<1x1024x128xf32, #tpu.memory_space<hbm>>
        %dma_start3A_1215 = tpu.memref_squeeze %dma_start3A_1214 : memref<1x1024x128xf32, #tpu.memory_space<hbm>> -> memref<1024x128xf32, #tpu.memory_space<hbm>>
        tpu.enqueue_dma source(%arg10 : memref<1024x128xf32, #tpu.memory_space<vmem_shared>>) target(%dma_start3A_1215 : memref<1024x128xf32, #tpu.memory_space<hbm>>) target_semaphore(%run_scoped3A_1211 : memref<!tpu.dma_semaphore, #tpu.memory_space<semaphore_mem>>)
        %dma_wait3A_1216 = arith.constant 0 : i32
        %dma_wait3A_1217 = arith.constant 0 : i32
        %dma_wait3A_1218 = tpu.memref_slice %arg6[%arg0, %dma_wait3A_1216, %dma_wait3A_1217] : memref<2x1024x128xf32, #tpu.memory_space<hbm>> -> memref<1x1024x128xf32, #tpu.memory_space<hbm>>
        %dma_wait3A_1219 = tpu.memref_squeeze %dma_wait3A_1218 : memref<1x1024x128xf32, #tpu.memory_space<hbm>> -> memref<1024x128xf32, #tpu.memory_space<hbm>>
        tpu.wait_dma2 semaphore(%run_scoped3A_1211 : memref<!tpu.dma_semaphore, #tpu.memory_space<semaphore_mem>>) src(%arg10 : memref<1024x128xf32, #tpu.memory_space<vmem_shared>>) dst(%dma_wait3A_1219 : memref<1024x128xf32, #tpu.memory_space<hbm>>)
        tpu.yield
      }) : () -> ()
    } else {
    }
    return
  }
}

module attributes {stable_mosaic.version = 14 : i64} {
  func.func @_finish_body(%arg0: memref<2x1024x128xf32, #tpu.memory_space<vmem>>, %arg1: memref<1024x64xf32, #tpu.memory_space<vmem>>, %arg2: memref<288x128xf32, #tpu.memory_space<vmem>>, %arg3: memref<1x1xf32, #tpu.memory_space<vmem>>) attributes {dimension_semantics = [], scalar_prefetch = 0 : i64, scratch_operands = 0 : i64, tpu.core_type = #tpu.core_type<tc>} {
    %get3A = arith.constant 0 : index
    %get3A_0 = arith.constant 0 : index
    %get3A_1 = arith.constant 0 : index
    %get3A_2 = vector.load %arg0[%get3A, %get3A_0, %get3A_1] : memref<2x1024x128xf32, #tpu.memory_space<vmem>>, vector<1x1024x128xf32>
    %get3A_3 = vector.shape_cast %get3A_2 : vector<1x1024x128xf32> to vector<1024x128xf32>
    %get3A_4 = arith.constant 1 : index
    %get3A_5 = arith.constant 0 : index
    %get3A_6 = arith.constant 0 : index
    %get3A_7 = vector.load %arg0[%get3A_4, %get3A_5, %get3A_6] : memref<2x1024x128xf32, #tpu.memory_space<vmem>>, vector<1x1024x128xf32>
    %get3A_8 = vector.shape_cast %get3A_7 : vector<1x1024x128xf32> to vector<1024x128xf32>
    %add3A = arith.addf %get3A_3, %get3A_8 : vector<1024x128xf32>
    %slice3A = vector.extract_strided_slice %add3A {offsets = [0, 0], sizes = [1024, 64], strides = [1, 1]} : vector<1024x128xf32> to vector<1024x64xf32>
    %slice3A_9 = vector.extract_strided_slice %add3A {offsets = [0, 64], sizes = [1024, 1], strides = [1, 1]} : vector<1024x128xf32> to vector<1024x1xf32>
    %max3A = arith.constant 1.000000e+00 : f32
    %max3A_10 = vector.broadcast %max3A : f32 to vector<1024x1xf32>
    %max3A_11 = arith.maximumf %slice3A_9, %max3A_10 : vector<1024x1xf32>
    %div3A = vector.broadcast %max3A_11 : vector<1024x1xf32> to vector<1024x64xf32>
    %div3A_12 = arith.divf %slice3A, %div3A : vector<1024x64xf32>
    %get3A_13 = arith.constant 0 : index
    %get3A_14 = arith.constant 0 : index
    %get3A_15 = vector.load %arg1[%get3A_13, %get3A_14] : memref<1024x64xf32, #tpu.memory_space<vmem>>, vector<1024x64xf32>
    %sub3A = arith.subf %get3A_15, %div3A_12 : vector<1024x64xf32>
    %mul3A = arith.mulf %sub3A, %sub3A : vector<1024x64xf32>
    %reduce_sum3A = arith.constant dense<0.000000e+00> : vector<1024xf32>
    %reduce_sum3A_16 = vector.multi_reduction <add>, %mul3A, %reduce_sum3A [1] : vector<1024x64xf32> to vector<1024xf32>
    %broadcast_in_dim3A = vector.shape_cast %reduce_sum3A_16 : vector<1024xf32> to vector<1024x1xf32>
    %gt3A = arith.constant 0.000000e+00 : f32
    %gt3A_17 = vector.broadcast %gt3A : f32 to vector<1024x1xf32>
    %gt3A_18 = arith.cmpf ogt, %slice3A_9, %gt3A_17 : vector<1024x1xf32>
    %convert_element_type3A = arith.extui %gt3A_18 : vector<1024x1xi1> to vector<1024x1xi32>
    %convert_element_type3A_19 = arith.sitofp %convert_element_type3A : vector<1024x1xi32> to vector<1024x1xf32>
    %add3A_20 = arith.constant 9.99999996E-13 : f32
    %add3A_21 = vector.broadcast %add3A_20 : f32 to vector<1024x1xf32>
    %add3A_22 = arith.addf %broadcast_in_dim3A, %add3A_21 : vector<1024x1xf32>
    %sqrt3A = math.sqrt %add3A_22 : vector<1024x1xf32>
    %mul3A_23 = arith.mulf %sqrt3A, %convert_element_type3A_19 : vector<1024x1xf32>
    %reduce_sum3A_24 = vector.shape_cast %mul3A_23 : vector<1024x1xf32> to vector<1x1024x1xf32>
    %reduce_sum3A_25 = arith.constant dense<0.000000e+00> : vector<1xf32>
    %reduce_sum3A_26 = vector.multi_reduction <add>, %reduce_sum3A_24, %reduce_sum3A_25 [1, 2] : vector<1x1024x1xf32> to vector<1xf32>
    %reduce_sum3A_27 = vector.shape_cast %reduce_sum3A_26 : vector<1xf32> to vector<1x1x1xf32>
    %reduce_sum3A_28 = vector.extract %reduce_sum3A_27[0, 0, 0] : f32 from vector<1x1x1xf32>
    %reduce_sum3A_29 = vector.shape_cast %convert_element_type3A_19 : vector<1024x1xf32> to vector<1x1024x1xf32>
    %reduce_sum3A_30 = arith.constant dense<0.000000e+00> : vector<1xf32>
    %reduce_sum3A_31 = vector.multi_reduction <add>, %reduce_sum3A_29, %reduce_sum3A_30 [1, 2] : vector<1x1024x1xf32> to vector<1xf32>
    %reduce_sum3A_32 = vector.shape_cast %reduce_sum3A_31 : vector<1xf32> to vector<1x1x1xf32>
    %reduce_sum3A_33 = vector.extract %reduce_sum3A_32[0, 0, 0] : f32 from vector<1x1x1xf32>
    %max3A_34 = arith.constant 1.000000e+00 : f32
    %max3A_35 = arith.maximumf %reduce_sum3A_33, %max3A_34 : f32
    %div3A_36 = arith.divf %reduce_sum3A_28, %max3A_35 : f32
    %get3A_37 = arith.constant 0 : index
    %get3A_38 = arith.constant 0 : index
    %get3A_39 = vector.load %arg2[%get3A_37, %get3A_38] : memref<288x128xf32, #tpu.memory_space<vmem>>, vector<288x128xf32>
    %reduce_sum3A_40 = vector.shape_cast %get3A_39 : vector<288x128xf32> to vector<1x288x128xf32>
    %reduce_sum3A_41 = arith.constant dense<0.000000e+00> : vector<1xf32>
    %reduce_sum3A_42 = vector.multi_reduction <add>, %reduce_sum3A_40, %reduce_sum3A_41 [1, 2] : vector<1x288x128xf32> to vector<1xf32>
    %reduce_sum3A_43 = vector.shape_cast %reduce_sum3A_42 : vector<1xf32> to vector<1x1x1xf32>
    %reduce_sum3A_44 = vector.extract %reduce_sum3A_43[0, 0, 0] : f32 from vector<1x1x1xf32>
    %div3A_45 = arith.constant 3.686400e+04 : f32
    %div3A_46 = arith.divf %reduce_sum3A_44, %div3A_45 : f32
    %add3A_47 = arith.addf %div3A_36, %div3A_46 : f32
    %reshape3A = vector.broadcast %add3A_47 : f32 to vector<1x1xf32>
    %swap3A = arith.constant 0 : index
    %swap3A_48 = arith.constant 0 : index
    %swap3A_49 = vector.load %arg3[%swap3A, %swap3A_48] : memref<1x1xf32, #tpu.memory_space<vmem>>, vector<1x1xf32>
    tpu.vector_store %arg3[%swap3A, %swap3A_48], %reshape3A {strides = array<i32>} : memref<1x1xf32, #tpu.memory_space<vmem>>, vector<1x1xf32>,
    return
  }
}

module attributes {stable_mosaic.version = 14 : i64} {
  func.func @_assign_body(%arg0: i32, %arg1: memref<2048x64xf32, #tpu.memory_space<vmem>>, %arg2: memref<1024x64xf32, #tpu.memory_space<vmem>>, %arg3: memref<1x1024xf32, #tpu.memory_space<vmem>>, %arg4: memref<1x1024xf32, #tpu.memory_space<vmem>>, %arg5: memref<16x128xi32, #tpu.memory_space<vmem>>, %arg6: memref<16x128xf32, #tpu.memory_space<vmem>>, %arg7: memref<2048x128xf32, #tpu.memory_space<vmem>>) attributes {dimension_semantics = [#tpu.dimension_semantics<parallel>], iteration_bounds = array<i64: 18>, scalar_prefetch = 0 : i64, scratch_operands = 0 : i64, tpu.core_type = #tpu.core_type<tc>, window_params = [{transform_indices = @transform_0, window_bounds = array<i64: 2048, 64>}, {pipeline_mode = #tpu.pipeline_mode<synchronous>, transform_indices = @transform_1, window_bounds = array<i64: 1024, 64>}, {pipeline_mode = #tpu.pipeline_mode<synchronous>, transform_indices = @transform_2, window_bounds = array<i64: 1, 1024>}, {pipeline_mode = #tpu.pipeline_mode<synchronous>, transform_indices = @transform_3, window_bounds = array<i64: 1, 1024>}, {transform_indices = @transform_4, window_bounds = array<i64: 16, 128>}, {transform_indices = @transform_5, window_bounds = array<i64: 16, 128>}, {transform_indices = @transform_6, window_bounds = array<i64: 2048, 128>}]} {
    %get3A = arith.constant 0 : index
    %get3A_0 = arith.constant 0 : index
    %get3A_1 = vector.load %arg1[%get3A, %get3A_0] : memref<2048x64xf32, #tpu.memory_space<vmem>>, vector<2048x64xf32>
    %get3A_2 = arith.constant 0 : index
    %get3A_3 = arith.constant 0 : index
    %get3A_4 = vector.load %arg2[%get3A_2, %get3A_3] : memref<1024x64xf32, #tpu.memory_space<vmem>>, vector<1024x64xf32>
    %dot_general3A = arith.constant dense<0.000000e+00> : vector<2048x1024xf32>
    %dot_general3A_5 = tpu.matmul %get3A_1, %get3A_4, %dot_general3A {dimension_numbers = #tpu.dot_dimension_numbers<[1], [1], [0], [0], [0, 0, 1, 0], [], []>, transpose_lhs_hint = false} : vector<2048x64xf32>, vector<1024x64xf32>, vector<2048x1024xf32> -> vector<2048x1024xf32>
    %mul3A = arith.mulf %get3A_1, %get3A_1 : vector<2048x64xf32>
    %reduce_sum3A = arith.constant dense<0.000000e+00> : vector<2048xf32>
    %reduce_sum3A_6 = vector.multi_reduction <add>, %mul3A, %reduce_sum3A [1] : vector<2048x64xf32> to vector<2048xf32>
    %broadcast_in_dim3A = vector.shape_cast %reduce_sum3A_6 : vector<2048xf32> to vector<2048x1xf32>
    %sub3A = vector.broadcast %broadcast_in_dim3A : vector<2048x1xf32> to vector<2048x1024xf32>
    %sub3A_7 = arith.subf %sub3A, %dot_general3A_5 : vector<2048x1024xf32>
    %get3A_8 = arith.constant 0 : index
    %get3A_9 = arith.constant 0 : index
    %get3A_10 = vector.load %arg3[%get3A_8, %get3A_9] : memref<1x1024xf32, #tpu.memory_space<vmem>>, vector<1x1024xf32>
    %add3A = vector.broadcast %get3A_10 : vector<1x1024xf32> to vector<2048x1024xf32>
    %add3A_11 = arith.addf %sub3A_7, %add3A : vector<2048x1024xf32>
    %reduce_min3A = arith.constant dense<0x7F800000> : vector<2048xf32>
    %reduce_min3A_12 = vector.multi_reduction <minimumf>, %add3A_11, %reduce_min3A [1] : vector<2048x1024xf32> to vector<2048xf32>
    %broadcast_in_dim3A_13 = vector.shape_cast %reduce_min3A_12 : vector<2048xf32> to vector<2048x1xf32>
    %eq3A = vector.broadcast %broadcast_in_dim3A_13 : vector<2048x1xf32> to vector<2048x1024xf32>
    %eq3A_14 = arith.cmpf oeq, %add3A_11, %eq3A : vector<2048x1024xf32>
    %get3A_15 = arith.constant 0 : index
    %get3A_16 = arith.constant 0 : index
    %get3A_17 = vector.load %arg4[%get3A_15, %get3A_16] : memref<1x1024xf32, #tpu.memory_space<vmem>>, vector<1x1024xf32>
    %jit3A = arith.constant 1.024000e+03 : f32
    %broadcast_in_dim3A_18 = vector.shape_cast %get3A_17 : vector<1x1024xf32> to vector<1x1024xf32>
    %broadcast_in_dim3A_19 = vector.broadcast %broadcast_in_dim3A_18 : vector<1x1024xf32> to vector<2048x1024xf32>
    %broadcast_in_dim3A_20 = vector.broadcast %jit3A : f32 to vector<2048x1024xf32>
    %select_n3A = arith.select %eq3A_14, %broadcast_in_dim3A_19, %broadcast_in_dim3A_20 : vector<2048x1024xi1>, vector<2048x1024xf32>
    %reduce_min3A_21 = arith.constant dense<0x7F800000> : vector<2048xf32>
    %reduce_min3A_22 = vector.multi_reduction <minimumf>, %select_n3A, %reduce_min3A_21 [1] : vector<2048x1024xf32> to vector<2048xf32>
    %broadcast_in_dim3A_23 = vector.shape_cast %reduce_min3A_22 : vector<2048xf32> to vector<2048x1xf32>
    %convert_element_type3A = arith.fptosi %broadcast_in_dim3A_23 : vector<2048x1xf32> to vector<2048x1xi32>
    %reshape3A = vector.shape_cast %convert_element_type3A : vector<2048x1xi32> to vector<16x128xi32>
    %swap3A = arith.constant 0 : index
    %swap3A_24 = arith.constant 0 : index
    %swap3A_25 = vector.load %arg5[%swap3A, %swap3A_24] : memref<16x128xi32, #tpu.memory_space<vmem>>, vector<16x128xi32>
    tpu.vector_store %arg5[%swap3A, %swap3A_24], %reshape3A {strides = array<i32>} : memref<16x128xi32, #tpu.memory_space<vmem>>, vector<16x128xi32>,
    %broadcast_in_dim3A_26 = arith.constant 1.000000e+00 : f32
    %broadcast_in_dim3A_27 = vector.broadcast %broadcast_in_dim3A_26 : f32 to vector<2048x1xf32>
    %broadcast_in_dim3A_28 = arith.constant 0.000000e+00 : f32
    %broadcast_in_dim3A_29 = vector.broadcast %broadcast_in_dim3A_28 : f32 to vector<2048x63xf32>
    %concatenate3A = tpu.concatenate %broadcast_in_dim3A_27, %broadcast_in_dim3A_29 in 1 : vector<2048x1xf32>, vector<2048x63xf32> -> vector<2048x64xf32>
    %concatenate3A_30 = tpu.concatenate %get3A_1, %concatenate3A in 1 : vector<2048x64xf32>, vector<2048x64xf32> -> vector<2048x128xf32>
    %swap3A_31 = arith.constant 0 : index
    %swap3A_32 = arith.constant 0 : index
    %swap3A_33 = vector.load %arg7[%swap3A_31, %swap3A_32] : memref<2048x128xf32, #tpu.memory_space<vmem>>, vector<2048x128xf32>
    tpu.vector_store %arg7[%swap3A_31, %swap3A_32], %concatenate3A_30 {strides = array<i32>} : memref<2048x128xf32, #tpu.memory_space<vmem>>, vector<2048x128xf32>,
    %add3A_34 = arith.constant 9.99999996E-13 : f32
    %add3A_35 = vector.broadcast %add3A_34 : f32 to vector<2048x1xf32>
    %add3A_36 = arith.addf %broadcast_in_dim3A_13, %add3A_35 : vector<2048x1xf32>
    %sqrt3A = math.sqrt %add3A_36 : vector<2048x1xf32>
    %reshape3A_37 = vector.shape_cast %sqrt3A : vector<2048x1xf32> to vector<16x128xf32>
    %swap3A_38 = arith.constant 0 : index
    %swap3A_39 = arith.constant 0 : index
    %swap3A_40 = vector.load %arg6[%swap3A_38, %swap3A_39] : memref<16x128xf32, #tpu.memory_space<vmem>>, vector<16x128xf32>
    tpu.vector_store %arg6[%swap3A_38, %swap3A_39], %reshape3A_37 {strides = array<i32>} : memref<16x128xf32, #tpu.memory_space<vmem>>, vector<16x128xf32>,
    return
  }
  func.func @transform_0(%arg0: i32) -> (i32, i32) {
    %c0_i32 = arith.constant 0 : i32
    %c0_i32_0 = arith.constant 0 : i32
    return %arg0, %c0_i32 : i32, i32
  }
  func.func @transform_1(%arg0: i32) -> (i32, i32) {
    %c0_i32 = arith.constant 0 : i32
    %c0_i32_0 = arith.constant 0 : i32
    %c0_i32_1 = arith.constant 0 : i32
    return %c0_i32, %c0_i32_0 : i32, i32
  }
  func.func @transform_2(%arg0: i32) -> (i32, i32) {
    %c0_i32 = arith.constant 0 : i32
    %c0_i32_0 = arith.constant 0 : i32
    %c0_i32_1 = arith.constant 0 : i32
    return %c0_i32, %c0_i32_0 : i32, i32
  }
  func.func @transform_3(%arg0: i32) -> (i32, i32) {
    %c0_i32 = arith.constant 0 : i32
    %c0_i32_0 = arith.constant 0 : i32
    %c0_i32_1 = arith.constant 0 : i32
    return %c0_i32, %c0_i32_0 : i32, i32
  }
  func.func @transform_4(%arg0: i32) -> (i32, i32) {
    %c0_i32 = arith.constant 0 : i32
    %c0_i32_0 = arith.constant 0 : i32
    return %arg0, %c0_i32 : i32, i32
  }
  func.func @transform_5(%arg0: i32) -> (i32, i32) {
    %c0_i32 = arith.constant 0 : i32
    %c0_i32_0 = arith.constant 0 : i32
    return %arg0, %c0_i32 : i32, i32
  }
  func.func @transform_6(%arg0: i32) -> (i32, i32) {
    %c0_i32 = arith.constant 0 : i32
    %c0_i32_0 = arith.constant 0 : i32
    return %arg0, %c0_i32 : i32, i32
  }
}

</mosaic_0001>

<sc_bundles>
// kernel: kernel.5.cloned.1.call-start
scs
__scs_entry_jumppad:
0x0: {  	(pc) =	sbr.rel $0x88, $3  }
0x1: {  	(tag) =	ssettag $0x0;
	lr =	simm.s32 $0x1  }
0x2: {  	[smem:$0x3F9F] =	sst lr;
	_ =	strace $0xD0000000  }
0x3: {  	_ = 	snop  }
0x4: {  	_ = 	snop  }
0x5: {  	_ = 	snop  }
0x6: {  	_ = 	snop  }
0x7: {  	_ = 	snop  }
__scs_overlays_trampoline_lowered:
0x8: {  	[smem:$0x3FAE] =	sst s0  }
0x9: {  	[smem:$0x3FAF] =	sst s1  }
0xa: {  	[smem:$0x3FB0] =	sst s2  }
0xb: {  	[smem:$0x3FB1] =	sst s3  }
0xc: {  	[smem:$0x3FB2] =	sst s4  }
0xd: {  	[smem:$0x3FB3] =	sst s5  }
0xe: {  	[smem:$0x3FB4] =	sst s6  }
0xf: {  	[smem:$0x3FB5] =	sst s7  }
0x10: {  	[smem:$0x3FB6] =	sst s8  }
0x11: {  	[smem:$0x3FB7] =	sst s9;
	s0 =	simm.s32 @!p0 $0x0  }
0x12: {  	s1 =	sld [smem:$0x3F9D];
	s0 =	simm.s32 @p0 $0x1  }
0x13: {  	[smem:$0x3FB8] =	sst s0;
	s0 =	simm.s32 @!p1 $0x0  }
0x14: {  	s2 =	sld [smem:$0x3F9C];
	s0 =	simm.s32 @p1 $0x1  }
0x15: {  	[smem:$0x3FB9] =	sst s0;
	s0 =	simm.s32 @!p2 $0x0  }
0x16: {  	s3 =	sld [smem:$0x3FDB];
	s0 =	simm.s32 @p2 $0x1  }
0x17: {  	s4 =	simm.s32 $0x1BF5;
	[smem:$0x3FBB] =	sst s0  }
0x18: {  	s0 =	sld [smem:$0x3F9E];
	_ =	swait.ge [sflag:s4], $0x0  }
0x19: {  	s7 =	sld [smem:$0x3F9F]  }
0x1a: {  	s8 =	sadd.s32 $0xFFFFE003, lr  }
0x1b: {  	s9 =	sadd.s32 $0xFFFFFEF7, lr;
	s5 =	simm.s32 $0xFFFFFFFF;
	p2 =	slt.u32 s8, $0xFFFFF086  }
0x1c: {  	p1 =	slt.u32 s9, $0xF7A;
	s5 =	simm.s32 @!p2 $0x0  }
0x1d: {  	s5 =	simm.s32 @p1 $0x1;
	p0 =	seq.s32 s7, s2  }
0x1e: {  	s7 =	smul.u32 @!p0 $0xF7A, s2;
	p2 =	seq.s32 @!p0 s5, $0x0  }
0x1f: {  	s9 =	smul.u32 $0xF7A, s1;
	s8 =	simm.s32 @!p0 $0x1BF5;
	p2 =	por !p2, p0  }
0x20: {  	[sflag:s8] =	ssyncset.s32 @!p0 $0xFFFFF086;
	s6 =	sadd.s32 @!p0 s3, s7;
	s7 =	simm.s32 @!p0 $0x108  }
0x21: {  	s3 =	sadd.s32 s3, s9;
	s6 =	sadd.s32 @!p0 $0x88, s6;
	s7 =	simm.s32 @p2 $0x1082  }
0x22: {  	[simem:s7], [sflag:s8] =	dma.local @!p0 [hbm:s6], $0xF7A  }
0x23: {  	s9 =	sor.u32 $0xD0000000, s2;
	s6 =	simm.s32 $0x108;
	_ =	swait.ge @!p0 [sflag:s8], $0x0  }
0x24: {  	s3 =	sadd.s32 $0x88, s3;
	s6 =	simm.s32 @!p1 $0x1082;
	[sflag:s4] =	ssyncset.s32 $0xFFFFF086  }
0x25: {  	[simem:s6], [sflag:s4] =	dma.local [hbm:s3], $0xF7A  }
0x26: {  	[smem:$0x3F9F] =	sst s1;
	(tag) =	ssettag s2;
	_ =	strace s9  }
0x27: {  	s1 =	sld [smem:$0x3FAF]  }
0x28: {  	s2 =	sld [smem:$0x3FB0]  }
0x29: {  	s4 =	sld [smem:$0x3FB2]  }
0x2a: {  	p0 =	seq.s32 s5, $0x0;
	s5 =	sld [smem:$0x3FB3]  }
0x2b: {  	s6 =	sld [smem:$0x3FB4]  }
0x2c: {  	s7 =	sld [smem:$0x3FB5]  }
0x2d: {  	s3 =	simm.s32 $0x108;
	s8 =	sld [smem:$0x3FB6]  }
0x2e: {  	s3 =	simm.s32 @!p0 $0x1082;
	s9 =	sld [smem:$0x3FB7]  }
0x2f: {  	lr =	sadd.s32 s0, s3;
	s0 =	sld [smem:$0x3FAE]  }
0x30: {  	s3 =	sld [smem:$0x3FB1]  }
0x31: {  	[smem:$0x3FBA] =	sst s10  }
0x32: {  	s10 =	sld [smem:$0x3FB8];
	_ =	sdelay $0x3  }
0x33: {  	p0 =	seq.s32 s10, $0x1;
	s10 =	sld [smem:$0x3FBA];
	_ =	sdelay $0x3  }
0x34: {  	[smem:$0x3FBA] =	sst s10  }
0x35: {  	s10 =	sld [smem:$0x3FB9];
	_ =	sdelay $0x3  }
0x36: {  	p1 =	seq.s32 s10, $0x1;
	s10 =	sld [smem:$0x3FBA];
	_ =	sdelay $0x3  }
0x37: {  	[smem:$0x3FBA] =	sst s10  }
0x38: {  	s10 =	sld [smem:$0x3FBB]  }
0x39: {  	_ = 	snop;
	(pc) =	sbr.ind lr, $3  }
0x3a: {  	_ = 	snop  }
0x3b: {  	_ = 	snop  }
0x3c: {  	p2 =	seq.s32 s10, $0x1;
	s10 =	sld [smem:$0x3FBA]  }
0x3d: {  	_ =	shalt  }
0x3e: {  	_ =	shalt  }
0x3f: {  	_ =	shalt  }
0x40: {  	_ =	shalt  }
0x41: {  	_ =	shalt  }
0x42: {  	_ =	shalt  }
0x43: {  	_ =	shalt  }
0x44: {  	_ =	shalt  }
0x45: {  	_ =	shalt  }
0x46: {  	_ =	shalt  }
0x47: {  	_ =	shalt  }
0x48: {  	_ =	shalt  }
0x49: {  	_ =	shalt  }
0x4a: {  	_ =	shalt  }
0x4b: {  	_ =	shalt  }
0x4c: {  	_ =	shalt  }
0x4d: {  	_ =	shalt  }
0x4e: {  	_ =	shalt  }
0x4f: {  	_ =	shalt  }
0x50: {  	_ =	shalt  }
0x51: {  	_ =	shalt  }
0x52: {  	_ =	shalt  }
0x53: {  	_ =	shalt  }
0x54: {  	_ =	shalt  }
0x55: {  	_ =	shalt  }
0x56: {  	_ =	shalt  }
0x57: {  	_ =	shalt  }
0x58: {  	_ =	shalt  }
0x59: {  	_ =	shalt  }
0x5a: {  	_ =	shalt  }
0x5b: {  	_ =	shalt  }
0x5c: {  	_ =	shalt  }
0x5d: {  	_ =	shalt  }
0x5e: {  	_ =	shalt  }
0x5f: {  	_ =	shalt  }
0x60: {  	_ =	shalt  }
0x61: {  	_ =	shalt  }
0x62: {  	_ =	shalt  }
0x63: {  	_ =	shalt  }
0x64: {  	_ =	shalt  }
0x65: {  	_ =	shalt  }
0x66: {  	_ =	shalt  }
0x67: {  	_ =	shalt  }
0x68: {  	_ =	shalt  }
0x69: {  	_ =	shalt  }
0x6a: {  	_ =	shalt  }
0x6b: {  	_ =	shalt  }
0x6c: {  	_ =	shalt  }
0x6d: {  	_ =	shalt  }
0x6e: {  	_ =	shalt  }
0x6f: {  	_ =	shalt  }
0x70: {  	_ =	shalt  }
0x71: {  	_ =	shalt  }
0x72: {  	_ =	shalt  }
0x73: {  	_ =	shalt  }
0x74: {  	_ =	shalt  }
0x75: {  	_ =	shalt  }
0x76: {  	_ =	shalt  }
0x77: {  	_ =	shalt  }
0x78: {  	_ =	shalt  }
0x79: {  	_ =	shalt  }
0x7a: {  	_ =	shalt  }
0x7b: {  	_ =	shalt  }
0x7c: {  	_ =	shalt  }
0x7d: {  	_ =	shalt  }
0x7e: {  	_ =	shalt  }
0x7f: {  	_ =	shalt  }
0x80: {  	_ =	shalt  }
0x81: {  	_ =	shalt  }
0x82: {  	_ =	shalt  }
0x83: {  	_ =	shalt  }
0x84: {  	_ =	shalt  }
0x85: {  	_ =	shalt  }
0x86: {  	_ =	shalt  }
0x87: {  	_ =	shalt  }
.Lfunc_end0:
.L_simem_size_0:
called_computation_lowered:
.L_overlay_start_0:
0x88: {  	s2 =	sld [smem:$0x3FD9]  }
0x89: {  	s3 =	sld [smem:$0x3FFE];
	_ =	sdelay $0x1  }
0x8a: {  	s1 =	srdreg.scid  }
0x8b: {  	s0 =	sand.u32 $0x1, s1  }
0x8c: {  	s14 =	sshll.u32 s0, $0xA;
	s2 =	sadd.s32 s3, s2  }
0x8d: {  	s2 =	sadd.s32 s2, s14  }
0x8e: {  	[smem:$0x3FC6] =	sst s2  }
0x8f: {  	_ = 	snop  }
0x90: {  	s2 =	sld [smem:$0x3FD0];
	_ =	sdelay $0x2  }
0x91: {  	s15 =	simm.s32 $0xA;
	s4 =	simm.s32 $0x10  }
0x92: {  	[smem:s4], [sflag:s15] =	dma.local [hbm:s2], $0x1  }
0x93: {  	_ =	swait.eq [sflag:s15], $0x1  }
0x94: {  	[sflag:s15] =	ssyncset.done $0x0  }
0x95: {  	s16 =	sld [smem:$0x11];
	[sflag:s15] =	ssyncadd.s32 $0xFFFFFFFF  }
0x96: {  	s17 =	sld [smem:$0x12];
	(tm) =	ssettm $0x1  }
0x97: {  	s18 =	sld [smem:$0x3FFB];
	_ =	sdelay $0x3  }
0x98: {  	_ =	strace s18  }
0x99: {  	s4 =	sld [smem:$0x3FFC];
	_ =	sdelay $0x3  }
0x9a: {  	_ =	strace s4  }
0x9b: {  	s4 =	sld [smem:$0x3FFD];
	_ =	sdelay $0x3  }
0x9c: {  	_ =	strace s4  }
0x9d: {  	_ =	strace $0x8FFFFFFF  }
0x9e: {  	s19 =	sld [smem:$0x3FDB];
	_ =	sdelay $0x1  }
0x9f: {  	s5 =	simm.s32 $_scs_section_size  }
0xa0: {  	s6 =	simm.s32 $_size__tile_overlayer_lowered;
	s7 =	simm.s32 $_tile_overlayer_lowered  }
0xa1: {  	s22 =	simm.s32 $0x1BFF;
	s21 =	sshll.u32 s7, $0x1;
	s4 =	sadd.s32 s5, s19  }
0xa2: {  	s8 =	simm.s32 $0x0;
	s20 =	sshll.u32 s6, $0x1;
	s6 =	sadd.s32 s21, s4  }
0xa3: {  	[timem:s8], [sflag:s22] =	dma.local [hbm:s6], s20  }
0xa4: {  	_ =	swait.ge [sflag:s22], s20  }
0xa5: {  	s5 =	ssub.s32 $0x0, s20;
	[sflag:s22] =	ssyncset.done $0x0  }
0xa6: {  	[sflag:s22] =	ssyncadd.s32 s5;
	_ =	sdelay $0x1  }
0xa7: {  	s23 =	simm.s32 $0x1B8B  }
0xa8: {  	_ =	swait.ge [sflag:s23], $0x1  }
0xa9: {  	[sflag:s23] =	ssyncset.done $0x0  }
0xaa: {  	s25 =	simm.s32 $0x1B8E;
	s24 =	sld [smem:$0x3FFE];
	[sflag:s23] =	ssyncadd.s32 $0xFFFFFFFF  }
0xab: {  	s26 =	simm.s32 $execute0_lowered;
	[smem:$0x3FD2] =	sst s25  }
0xac: {  	s6 =	sshll.u32 s26, $0x1;
	_ =	strace $0x80000046;
	[dreg:$0x1] =	wrdreg $0xFFFFFFFF  }
0xad: {  	s28 =	simm.s32 $_size_execute0_lowered;
	s4 =	sadd.s32 s4, s6;
	[dreg:$0x0] =	wrdreg $0x0  }
0xae: {  	s6 =	sshll.u32 s28, $0x1;
	[dreg:$0x2] =	wrdreg s4  }
0xaf: {  	[dreg:$0x3] =	wrdreg s6  }
0xb0: {  	[dreg:$0x4] =	wrdreg $0xC0  }
0xb1: {  	_ =	task [dreg:s8], $0x5FFFF  }
0xb2: {  	[dreg:$0x1] =	wrdreg $0xFFFFFFFF  }
0xb3: {  	[dreg:$0x0] =	wrdreg $0x60  }
0xb4: {  	[dreg:$0x2] =	wrdreg s16  }
0xb5: {  	[dreg:$0x3] =	wrdreg s24  }
0xb6: {  	[dreg:$0x4] =	wrdreg s17  }
0xb7: {  	[dreg:$0x5] =	wrdreg $0x188000  }
0xb8: {  	[dreg:$0x6] =	wrdreg $0x1A8000  }
0xb9: {  	[dreg:$0x7] =	wrdreg $0x9  }
0xba: {  	_ =	task.clear_ibuf [dreg:s8], $0x8FFFF;
	_ =	strace $0x90000046  }
0xbb: {  	s29 =	simm.s32 $0x9;
	_ =	strace $0x80000048  }
0xbc: {  	_ =	swait.ge [sflag:s29], $0x1  }
0xbd: {  	[sflag:s29] =	ssyncadd.s32 $0xFFFFFFFF  }
0xbe: {  	_ =	strace $0x90000048  }
0xbf: {  	_ =	sfence  }
0xc0: {  	s30 =	sld [smem:$0x0];
	_ =	sdelay $0x2  }
0xc1: {  	s31 =	sshll.u32 s1, $0xD;
	s1 =	sshrl.u32 s1, $0x2  }
0xc2: {  	s3 =	sand.u32 $0x4000, s31;
	s1 =	sadd.s32 s1, s30  }
0xc3: {  	s0 =	sor.u32 s3, s0;
	s1 =	sshll.u32 s1, $0x11  }
0xc4: {  	s0 =	sor.u32 s1, s0  }
0xc5: {  	s0 =	sadd.s32 $0x8F2B, s0  }
0xc6: {  	[sflag:s0] =	ssyncadd.remote.s32 $0x1  }
0xc7: {  	_ =	sfence.sel $0xFFFF  }
0xc8: {  	[dreg:$0x0] =	wrdreg $0xFFFFFFFF;
	(pc) =	sbr.abs _section_cstart, $3  }
0xc9: {  	[dreg:$0x1] =	wrdreg $0xFFFFFFFF  }
0xca: {  	_ =	task.clear_ibuf [dreg:s8], $0x2FFFF;
	_ =	strace $0x9FFFFFFF  }
0xcb: {  	(tm) =	ssettm $0x7FFFFFFF  }
tec
execute0_lowered:
.L_overlay_start_1:
0x0: {  	(tag) =	ssettag $0x1  }
0x1: {  	s3 =	rddreg [dreg:$0x0]  }
0x2: {  	s5 =	rddreg [dreg:$0x1]  }
0x3: {  	s2 =	rddreg [dreg:$0x2]  }
0x4: {  	s0 =	simm.s32 $0x0;
	s1 =	srdreg.scid;
	s29 =	rddreg [dreg:$0x4]  }
0x5: {  	s24 =	stileid.u32;
	s30 =	simm.s32 $0x0;
	[smem:$0x7FF] =	sst s0  }
0x6: {  	s6 =	sand.u32 $0x1, s1;
	s1 =	sadd.s32 $0xA00, s5;
	s9 =	sshll.u32 s24, $0x1  }
0x7: {  	s28 =	sshll.u32 s24, $0xA;
	p0 =	sne.s32 s24, $0x0;
	s4 =	ssub.s32 $0x2, s6  }
0x8: {  	s7 =	sshll.u32 s6, $0xE;
	s6 =	sor.u32 s6, s9;
	s3 =	sadd.s32 s3, s28  }
0x9: {  	s8 =	sshrl.u32 s4, $0x1;
	[dreg:$0x6] =	wrdreg s3;
	s3 =	sor.u32 $0x20, s6  }
0xa: {  	s9 =	sshll.u32 s6, $0x7;
	s12 =	sor.u32 $0x60, s6;
	s14 =	sor.u32 $0x80, s6  }
0xb: {  	s15 =	sor.u32 $0xA0, s6;
	s18 =	sor.u32 $0xC0, s6;
	s20 =	sor.u32 $0xE0, s6  }
0xc: {  	s21 =	sor.u32 $0x100, s6;
	s31 =	sshll.u32 s6, $0x4;
	s7 =	sadd.s32 s7, s5  }
0xd: {  	s5 =	sadd.s32 $0x90A00, s5;
	s4 =	ssub.s32 s4, s8;
	s8 =	sor.u32 $0x40, s6  }
0xe: {  	s10 =	sshll.u32 s3, $0x7;
	s9 =	sand.u32 $0x380, s9;
	s13 =	sshll.u32 s12, $0x7  }
0xf: {  	s16 =	sshll.u32 s14, $0x7;
	s17 =	sshll.u32 s15, $0x7;
	s19 =	sshll.u32 s18, $0x7  }
0x10: {  	s22 =	sshll.u32 s20, $0x7;
	s23 =	sshll.u32 s21, $0x7;
	s6 =	sshll.u32 s6, $0xB  }
0x11: {  	s15 =	sshll.u32 s15, $0xB;
	s11 =	sshll.u32 s8, $0x7;
	s10 =	sand.u32 $0x1C00, s10  }
0x12: {  	s13 =	sand.u32 $0x3C00, s13;
	s16 =	sand.u32 $0x4C00, s16;
	s17 =	sand.u32 $0x5C00, s17  }
0x13: {  	s19 =	sand.u32 $0x6C00, s19;
	s22 =	sand.u32 $0x7C00, s22;
	s23 =	sand.u32 $0x8C00, s23  }
0x14: {  	s28 =	sadd.s32 s1, s6;
	s6 =	sadd.s32 s5, s6;
	s4 =	smax.u32 s4, $0x1  }
0x15: {  	s11 =	sand.u32 $0x2C00, s11;
	s10 =	sor.u32 s9, s10;
	s13 =	sor.u32 s9, s13  }
0x16: {  	s16 =	sor.u32 s9, s16;
	s17 =	sor.u32 s9, s17;
	[dreg:$0x10] =	wrdreg s28  }
0x17: {  	s19 =	sor.u32 s9, s19;
	s22 =	sor.u32 s9, s22;
	[dreg:$0x11] =	wrdreg s6  }
0x18: {  	s28 =	sshll.u32 s24, $0xD;
	s6 =	simm.s32 $0x5;
	s24 =	simm.s32 $0x4  }
0x19: {  	s11 =	sor.u32 s9, s11;
	s9 =	sor.u32 s9, s23;
	s23 =	sadd.s32 s2, s31  }
0x1a: {  	s10 =	sshrl.u32 s10, $0x3;
	s13 =	sshrl.u32 s13, $0x3;
	s16 =	sshrl.u32 s16, $0x3  }
0x1b: {  	s17 =	sshrl.u32 s17, $0x3;
	s19 =	sshrl.u32 s19, $0x3;
	s26 =	sshrl.u32 s22, $0x3  }
0x1c: {  	s31 =	sshll.u32 s3, $0xB;
	[dreg:$0x7] =	wrdreg s23;
	s10 =	sadd.s32 s2, s10  }
0x1d: {  	s22 =	sshll.u32 s21, $0xB;
	s13 =	sadd.s32 s2, s13;
	[dreg:$0x8] =	wrdreg s10  }
0x1e: {  	s21 =	simm.s32 $0x4000;
	s23 =	sadd.s32 s2, s17;
	[dreg:$0xa] =	wrdreg s13  }
0x1f: {  	s11 =	sshrl.u32 s11, $0x3;
	s25 =	sadd.s32 s2, s19;
	[dreg:$0xc] =	wrdreg s23  }
0x20: {  	s17 =	sshll.u32 s18, $0xB;
	s18 =	sadd.s32 s1, s15;
	[dreg:$0xd] =	wrdreg s25  }
0x21: {  	s9 =	sshrl.u32 s9, $0x3;
	s11 =	sadd.s32 s2, s11;
	[dreg:$0x1a] =	wrdreg s18  }
0x22: {  	s19 =	sshll.u32 s20, $0xB;
	s10 =	sadd.s32 s2, s16;
	[dreg:$0x9] =	wrdreg s11  }
0x23: {  	s13 =	sshll.u32 s14, $0xB;
	s20 =	sadd.s32 s1, s17;
	[dreg:$0xb] =	wrdreg s10  }
0x24: {  	s23 =	sadd.s32 s1, s19;
	s25 =	sadd.s32 s5, s19;
	[dreg:$0x1c] =	wrdreg s20  }
0x25: {  	s18 =	simm.s32 $0x8800;
	s10 =	sadd.s32 s2, s26;
	s26 =	rddreg [dreg:$0x3]  }
0x26: {  	s19 =	simm.s32 $0xC800;
	s2 =	sadd.s32 s2, s9;
	[dreg:$0x1e] =	wrdreg s23  }
0x27: {  	s9 =	sshll.u32 s8, $0xB;
	s11 =	sshll.u32 s12, $0xB;
	[smem:$0x7FD] =	sst s25  }
0x28: {  	s16 =	sadd.s32 s1, s13;
	s8 =	simm.s32 $0x8080;
	[dreg:$0xe] =	wrdreg s10  }
0x29: {  	s20 =	simm.s32 $0x10800;
	s23 =	simm.s32 $0x14800;
	[dreg:$0xf] =	wrdreg s2  }
0x2a: {  	s25 =	simm.s32 $0x3;
	s10 =	sadd.s32 s1, s31;
	[dreg:$0x18] =	wrdreg s16  }
0x2b: {  	s2 =	sadd.s32 s5, s31;
	s12 =	sadd.s32 s1, s9;
	[dreg:$0x12] =	wrdreg s10  }
0x2c: {  	s3 =	sadd.s32 s5, s9;
	s14 =	sadd.s32 s1, s11;
	[dreg:$0x13] =	wrdreg s2  }
0x2d: {  	s1 =	sadd.s32 s1, s22;
	s31 =	sadd.s32 s28, s29;
	[dreg:$0x14] =	wrdreg s12  }
0x2e: {  	s9 =	simm.s32 $0x8100;
	s16 =	simm.s32 $0x1;
	[dreg:$0x15] =	wrdreg s3  }
0x2f: {  	[dreg:$0x16] =	wrdreg s14;
	s2 =	sadd.s32 s5, s11;
	s3 =	sadd.s32 s5, s13  }
0x30: {  	[dreg:$0x1f] =	wrdreg s1;
	s1 =	sadd.s32 s5, s22;
	s10 =	simm.s32 $0x8180  }
0x31: {  	s11 =	simm.s32 $0x8200;
	s12 =	simm.s32 $0x8280;
	s13 =	simm.s32 $0x8300  }
0x32: {  	s14 =	simm.s32 $0x8380;
	s22 =	simm.s32 $0x2;
	[dreg:$0x17] =	wrdreg s2  }
0x33: {  	[dreg:$0x19] =	wrdreg s3;
	s2 =	sadd.s32 s5, s15;
	s3 =	sadd.s32 s5, s17  }
0x34: {  	s5 =	sshrl.u32 s31, $0x3;
	s15 =	simm.s32 $0x8400;
	[dreg:$0x1b] =	wrdreg s2  }
0x35: {  	s17 =	simm.s32 $0x80;
	[dreg:$0x1d] =	wrdreg s3;
	s2 =	sadd.s32 s28, s26  }
0x36: {  	v0 =	vimm.f32 $0.0e+00;
	s3 =	sadd.s32 $0x120A00, s7;
	s7 =	simm.s32 $0x8000;
	_ =	strace $0x80000047  }
.LBB2_1:
0x37: {  	s31 =	simm.s32 $0x0;
	s28 =	simm.s32 $0x200  }
.LBB2_2:
0x38: {  	p1 =	sne.s32 s28, $0x7E00;
	[tilespmem:s31+$0x70] =	vst v0  }
0x39: {  	[tilespmem:s31+$0x0] =	vst v0  }
0x3a: {  	[tilespmem:s31+$0x10] =	vst v0  }
.Ltmp0:
0x3b: {  	[tilespmem:s31+$0x20] =	vst v0;
	(pc) =	sbr.rel @p1 .LBB2_2-.Ltmp0, $4  }
0x3c: {  	[tilespmem:s31+$0x30] =	vst v0  }
0x3d: {  	[tilespmem:s31+$0x40] =	vst v0  }
0x3e: {  	[tilespmem:s31+$0x50] =	vst v0  }
0x3f: {  	[tilespmem:s31+$0x60] =	vst v0;
	s31 =	sshra.s32 s28, $0x2;
	s28 =	sadd.s32 $0x200, s28  }
0x40: {  	[tilespmem:s31+$0x70] =	vst v0  }
0x41: {  	[tilespmem:s31+$0x0] =	vst v0  }
0x42: {  	[tilespmem:s31+$0x10] =	vst v0  }
0x43: {  	[tilespmem:s31+$0x20] =	vst v0  }
0x44: {  	[tilespmem:s31+$0x30] =	vst v0  }
0x45: {  	[tilespmem:s31+$0x40] =	vst v0  }
0x46: {  	[tilespmem:s31+$0x50] =	vst v0  }
0x47: {  	[tilespmem:s31+$0x60] =	vst v0  }
0x48: {  	[spmem:s2] =	stream.linear.scatter [tilespmem:s0], [sflag:$0x5], $0x2000, $0x38;
	[tilespmem:$0x1C800] =	vst v63  }
0x49: {  	s28 =	stileid.u32;
	_ =	swait.ge [sflag:s6], $0x2000  }
0x4a: {  	s28 =	sshll.u32 s28, $0x6;
	[sflag:s6] =	ssyncset.done $0x0  }
0x4b: {  	s31 =	sor.u32 $0x1C05, s28;
	s28 =	rddreg [dreg:$0x6];
	[sflag:s6] =	ssyncadd.s32 $0xFFFFE000  }
0x4c: {  	[spmem:s5], [sflag:s31] =	dma.local [hbm:s28], $0x400  }
0x4d: {  	_ =	swait.ge [sflag:s6], $0x400  }
0x4e: {  	[sflag:s6] =	ssyncset.done $0x0  }
0x4f: {  	s28 =	rddreg [dreg:$0x7];
	[sflag:s6] =	ssyncadd.s32 $0xFFFFFC00  }
0x50: {  	[tilespmem:s7], [sflag:$0x1] =	stream.linear.gather [hbm4b:s28+s0], $0x80, $0x38;
	[tilespmem:$0x1C800] =	vst v63  }
0x51: {  	s28 =	rddreg [dreg:$0x8]  }
0x52: {  	[tilespmem:s8], [sflag:$0x1] =	stream.linear.gather [hbm4b:s28+s0], $0x80, $0x38;
	[tilespmem:$0x1C800] =	vst v63  }
0x53: {  	s28 =	rddreg [dreg:$0x9]  }
0x54: {  	[tilespmem:s9], [sflag:$0x1] =	stream.linear.gather [hbm4b:s28+s0], $0x80, $0x38;
	[tilespmem:$0x1C800] =	vst v63  }
0x55: {  	s28 =	rddreg [dreg:$0xa]  }
0x56: {  	[tilespmem:s10], [sflag:$0x1] =	stream.linear.gather [hbm4b:s28+s0], $0x80, $0x38;
	[tilespmem:$0x1C800] =	vst v63  }
0x57: {  	s28 =	rddreg [dreg:$0xb]  }
0x58: {  	[tilespmem:s11], [sflag:$0x1] =	stream.linear.gather [hbm4b:s28+s0], $0x80, $0x38;
	[tilespmem:$0x1C800] =	vst v63  }
0x59: {  	s28 =	rddreg [dreg:$0xc]  }
0x5a: {  	[tilespmem:s12], [sflag:$0x1] =	stream.linear.gather [hbm4b:s28+s0], $0x80, $0x38;
	[tilespmem:$0x1C800] =	vst v63  }
0x5b: {  	s28 =	rddreg [dreg:$0xd]  }
0x5c: {  	[tilespmem:s13], [sflag:$0x1] =	stream.linear.gather [hbm4b:s28+s0], $0x80, $0x38;
	[tilespmem:$0x1C800] =	vst v63  }
0x5d: {  	s28 =	rddreg [dreg:$0xe]  }
0x5e: {  	[tilespmem:s14], [sflag:$0x1] =	stream.linear.gather [hbm4b:s28+s0], $0x80, $0x38;
	[tilespmem:$0x1C800] =	vst v63  }
0x5f: {  	s28 =	rddreg [dreg:$0xf]  }
0x60: {  	[tilespmem:s15], [sflag:$0x1] =	stream.linear.gather [hbm4b:s28+s0], $0x80, $0x38;
	[tilespmem:$0x1C800] =	vst v63  }
0x61: {  	_ =	swait.ge [sflag:s16], $0x80  }
0x62: {  	[sflag:s16] =	ssyncset.done $0x0  }
0x63: {  	[sflag:s16] =	ssyncadd.s32 $0xFFFFFF80  }
0x64: {  	_ =	swait.ge [sflag:s16], $0x80  }
0x65: {  	[sflag:s16] =	ssyncset.done $0x0  }
0x66: {  	[sflag:s16] =	ssyncadd.s32 $0xFFFFFF80  }
0x67: {  	_ =	swait.ge [sflag:s16], $0x80  }
0x68: {  	[sflag:s16] =	ssyncset.done $0x0  }
0x69: {  	[sflag:s16] =	ssyncadd.s32 $0xFFFFFF80  }
0x6a: {  	_ =	swait.ge [sflag:s16], $0x80  }
0x6b: {  	[sflag:s16] =	ssyncset.done $0x0  }
0x6c: {  	[sflag:s16] =	ssyncadd.s32 $0xFFFFFF80  }
0x6d: {  	_ =	swait.ge [sflag:s16], $0x80  }
0x6e: {  	[sflag:s16] =	ssyncset.done $0x0  }
0x6f: {  	[sflag:s16] =	ssyncadd.s32 $0xFFFFFF80  }
0x70: {  	_ =	swait.ge [sflag:s16], $0x80  }
0x71: {  	[sflag:s16] =	ssyncset.done $0x0  }
0x72: {  	[sflag:s16] =	ssyncadd.s32 $0xFFFFFF80  }
0x73: {  	_ =	swait.ge [sflag:s16], $0x80  }
0x74: {  	[sflag:s16] =	ssyncset.done $0x0  }
0x75: {  	[sflag:s16] =	ssyncadd.s32 $0xFFFFFF80  }
0x76: {  	_ =	swait.ge [sflag:s16], $0x80  }
0x77: {  	[sflag:s16] =	ssyncset.done $0x0  }
0x78: {  	[sflag:s16] =	ssyncadd.s32 $0xFFFFFF80  }
0x79: {  	_ =	swait.ge [sflag:s16], $0x80  }
0x7a: {  	[sflag:s16] =	ssyncset.done $0x0  }
0x7b: {  	[sflag:s16] =	ssyncadd.s32 $0xFFFFFF80  }
0x7c: {  	[bflag:$0x0] =	sbarrier.arrive $0xFFFF  }
0x7d: {  	[tilespmem:s18], [sflag:$0x2] =	stream.indirect.gather [spmem:s29], $0x80, s7, s17, $0xb8;
	[tilespmem:$0x1C800] =	vst v63  }
0x7e: {  	_ = 	snop  }
0x7f: {  	[tilespmem:s19], [sflag:$0x2] =	stream.indirect.gather [spmem:s29], $0x80, s8, s17, $0xb8;
	[tilespmem:$0x1C800] =	vst v63  }
0x80: {  	s28 =	rddreg [dreg:$0x10]  }
0x81: {  	[tilespmem:s0], [sflag:$0x1] =	stream.linear.gather [hbm4b:s28+s0], $0x4000, $0x38;
	[tilespmem:$0x1C800] =	vst v63  }
0x82: {  	_ = 	snop  }
0x83: {  	[tilespmem:s20], [sflag:$0x2] =	stream.indirect.gather [spmem:s29], $0x80, s9, s17, $0xb8;
	[tilespmem:$0x1C800] =	vst v63  }
0x84: {  	s28 =	rddreg [dreg:$0x12]  }
0x85: {  	[tilespmem:s21], [sflag:$0x1] =	stream.linear.gather [hbm4b:s28+s0], $0x4000, $0x38;
	[tilespmem:$0x1C800] =	vst v63  }
0x86: {  	_ =	swait.ge [sflag:s22], $0x4000  }
0x87: {  	[sflag:s22] =	ssyncset.done $0x0  }
0x88: {  	s28 =	rddreg [dreg:$0x11];
	[sflag:s22] =	ssyncadd.s32 $0xFFFFC000  }
0x89: {  	[hbm4b:s28+s0] =	stream.linear.scatter [tilespmem:s18], [sflag:$0x3], $0x4000, $0x38;
	[tilespmem:$0x1C800] =	vst v63  }
0x8a: {  	_ =	swait.ge [sflag:s16], $0x4000  }
0x8b: {  	[sflag:s16] =	ssyncset.done $0x0  }
0x8c: {  	[sflag:s16] =	ssyncadd.s32 $0xFFFFC000  }
0x8d: {  	[spmem:s26] =	stream.indirect.scatter.add.f32 [tilespmem:s0], [sflag:$0x4], $0x80, s7, s17, $0xb8;
	[tilespmem:$0x1C800] =	vst v63  }
0x8e: {  	_ = 	snop  }
0x8f: {  	[tilespmem:s23], [sflag:$0x2] =	stream.indirect.gather [spmem:s29], $0x80, s10, s17, $0xb8;
	[tilespmem:$0x1C800] =	vst v63  }
0x90: {  	_ =	swait.ge [sflag:s24], $0x4000  }
0x91: {  	[sflag:s24] =	ssyncset.done $0x0  }
0x92: {  	s28 =	rddreg [dreg:$0x14];
	[sflag:s24] =	ssyncadd.s32 $0xFFFFC000  }
0x93: {  	[tilespmem:s0], [sflag:$0x1] =	stream.linear.gather [hbm4b:s28+s0], $0x4000, $0x38;
	[tilespmem:$0x1C800] =	vst v63  }
0x94: {  	_ =	swait.ge [sflag:s22], $0x4000  }
0x95: {  	[sflag:s22] =	ssyncset.done $0x0  }
0x96: {  	s28 =	rddreg [dreg:$0x13];
	[sflag:s22] =	ssyncadd.s32 $0xFFFFC000  }
0x97: {  	[hbm4b:s28+s0] =	stream.linear.scatter [tilespmem:s19], [sflag:$0x3], $0x4000, $0x38;
	[tilespmem:$0x1C800] =	vst v63  }
0x98: {  	_ =	swait.ge [sflag:s16], $0x4000  }
0x99: {  	[sflag:s16] =	ssyncset.done $0x0  }
0x9a: {  	[sflag:s16] =	ssyncadd.s32 $0xFFFFC000  }
0x9b: {  	[spmem:s26] =	stream.indirect.scatter.add.f32 [tilespmem:s21], [sflag:$0x4], $0x80, s8, s17, $0xb8;
	[tilespmem:$0x1C800] =	vst v63  }
0x9c: {  	_ =	swait.ge [sflag:s25], $0x4000  }
0x9d: {  	[sflag:s25] =	ssyncset.done $0x0  }
0x9e: {  	[sflag:s25] =	ssyncadd.s32 $0xFFFFC000  }
0x9f: {  	[tilespmem:s18], [sflag:$0x2] =	stream.indirect.gather [spmem:s29], $0x80, s11, s17, $0xb8;
	[tilespmem:$0x1C800] =	vst v63  }
0xa0: {  	_ =	swait.ge [sflag:s24], $0x4000  }
0xa1: {  	[sflag:s24] =	ssyncset.done $0x0  }
0xa2: {  	s28 =	rddreg [dreg:$0x16];
	[sflag:s24] =	ssyncadd.s32 $0xFFFFC000  }
0xa3: {  	[tilespmem:s21], [sflag:$0x1] =	stream.linear.gather [hbm4b:s28+s0], $0x4000, $0x38;
	[tilespmem:$0x1C800] =	vst v63  }
0xa4: {  	_ =	swait.ge [sflag:s22], $0x4000  }
0xa5: {  	[sflag:s22] =	ssyncset.done $0x0  }
0xa6: {  	s28 =	rddreg [dreg:$0x15];
	[sflag:s22] =	ssyncadd.s32 $0xFFFFC000  }
0xa7: {  	[hbm4b:s28+s0] =	stream.linear.scatter [tilespmem:s20], [sflag:$0x3], $0x4000, $0x38;
	[tilespmem:$0x1C800] =	vst v63  }
0xa8: {  	_ =	swait.ge [sflag:s16], $0x4000  }
0xa9: {  	[sflag:s16] =	ssyncset.done $0x0  }
0xaa: {  	[sflag:s16] =	ssyncadd.s32 $0xFFFFC000  }
0xab: {  	[spmem:s26] =	stream.indirect.scatter.add.f32 [tilespmem:s0], [sflag:$0x4], $0x80, s9, s17, $0xb8;
	[tilespmem:$0x1C800] =	vst v63  }
0xac: {  	_ =	swait.ge [sflag:s25], $0x4000  }
0xad: {  	[sflag:s25] =	ssyncset.done $0x0  }
0xae: {  	[sflag:s25] =	ssyncadd.s32 $0xFFFFC000  }
0xaf: {  	[tilespmem:s19], [sflag:$0x2] =	stream.indirect.gather [spmem:s29], $0x80, s12, s17, $0xb8;
	[tilespmem:$0x1C800] =	vst v63  }
0xb0: {  	_ =	swait.ge [sflag:s24], $0x4000  }
0xb1: {  	[sflag:s24] =	ssyncset.done $0x0  }
0xb2: {  	s28 =	rddreg [dreg:$0x18];
	[sflag:s24] =	ssyncadd.s32 $0xFFFFC000  }
0xb3: {  	[tilespmem:s0], [sflag:$0x1] =	stream.linear.gather [hbm4b:s28+s0], $0x4000, $0x38;
	[tilespmem:$0x1C800] =	vst v63  }
0xb4: {  	_ =	swait.ge [sflag:s22], $0x4000  }
0xb5: {  	[sflag:s22] =	ssyncset.done $0x0  }
0xb6: {  	s28 =	rddreg [dreg:$0x17];
	[sflag:s22] =	ssyncadd.s32 $0xFFFFC000  }
0xb7: {  	[hbm4b:s28+s0] =	stream.linear.scatter [tilespmem:s23], [sflag:$0x3], $0x4000, $0x38;
	[tilespmem:$0x1C800] =	vst v63  }
0xb8: {  	_ =	swait.ge [sflag:s16], $0x4000  }
0xb9: {  	[sflag:s16] =	ssyncset.done $0x0  }
0xba: {  	[sflag:s16] =	ssyncadd.s32 $0xFFFFC000  }
0xbb: {  	[spmem:s26] =	stream.indirect.scatter.add.f32 [tilespmem:s21], [sflag:$0x4], $0x80, s10, s17, $0xb8;
	[tilespmem:$0x1C800] =	vst v63  }
0xbc: {  	_ =	swait.ge [sflag:s25], $0x4000  }
0xbd: {  	[sflag:s25] =	ssyncset.done $0x0  }
0xbe: {  	[sflag:s25] =	ssyncadd.s32 $0xFFFFC000  }
0xbf: {  	[tilespmem:s20], [sflag:$0x2] =	stream.indirect.gather [spmem:s29], $0x80, s13, s17, $0xb8;
	[tilespmem:$0x1C800] =	vst v63  }
0xc0: {  	_ =	swait.ge [sflag:s24], $0x4000  }
0xc1: {  	[sflag:s24] =	ssyncset.done $0x0  }
0xc2: {  	s28 =	rddreg [dreg:$0x1a];
	[sflag:s24] =	ssyncadd.s32 $0xFFFFC000  }
0xc3: {  	[tilespmem:s21], [sflag:$0x1] =	stream.linear.gather [hbm4b:s28+s0], $0x4000, $0x38;
	[tilespmem:$0x1C800] =	vst v63  }
0xc4: {  	_ =	swait.ge [sflag:s22], $0x4000  }
0xc5: {  	[sflag:s22] =	ssyncset.done $0x0  }
0xc6: {  	s28 =	rddreg [dreg:$0x19];
	[sflag:s22] =	ssyncadd.s32 $0xFFFFC000  }
0xc7: {  	[hbm4b:s28+s0] =	stream.linear.scatter [tilespmem:s18], [sflag:$0x3], $0x4000, $0x38;
	[tilespmem:$0x1C800] =	vst v63  }
0xc8: {  	_ =	swait.ge [sflag:s16], $0x4000  }
0xc9: {  	[sflag:s16] =	ssyncset.done $0x0  }
0xca: {  	[sflag:s16] =	ssyncadd.s32 $0xFFFFC000  }
0xcb: {  	[spmem:s26] =	stream.indirect.scatter.add.f32 [tilespmem:s0], [sflag:$0x4], $0x80, s11, s17, $0xb8;
	[tilespmem:$0x1C800] =	vst v63  }
0xcc: {  	_ =	swait.ge [sflag:s25], $0x4000  }
0xcd: {  	[sflag:s25] =	ssyncset.done $0x0  }
0xce: {  	[sflag:s25] =	ssyncadd.s32 $0xFFFFC000  }
0xcf: {  	[tilespmem:s23], [sflag:$0x2] =	stream.indirect.gather [spmem:s29], $0x80, s14, s17, $0xb8;
	[tilespmem:$0x1C800] =	vst v63  }
0xd0: {  	_ =	swait.ge [sflag:s24], $0x4000  }
0xd1: {  	[sflag:s24] =	ssyncset.done $0x0  }
0xd2: {  	s28 =	rddreg [dreg:$0x1c];
	[sflag:s24] =	ssyncadd.s32 $0xFFFFC000  }
0xd3: {  	[tilespmem:s0], [sflag:$0x1] =	stream.linear.gather [hbm4b:s28+s0], $0x4000, $0x38;
	[tilespmem:$0x1C800] =	vst v63  }
0xd4: {  	_ =	swait.ge [sflag:s22], $0x4000  }
0xd5: {  	[sflag:s22] =	ssyncset.done $0x0  }
0xd6: {  	s28 =	rddreg [dreg:$0x1b];
	[sflag:s22] =	ssyncadd.s32 $0xFFFFC000  }
0xd7: {  	[hbm4b:s28+s0] =	stream.linear.scatter [tilespmem:s19], [sflag:$0x3], $0x4000, $0x38;
	[tilespmem:$0x1C800] =	vst v63  }
0xd8: {  	_ =	swait.ge [sflag:s16], $0x4000  }
0xd9: {  	[sflag:s16] =	ssyncset.done $0x0  }
0xda: {  	[sflag:s16] =	ssyncadd.s32 $0xFFFFC000  }
0xdb: {  	[spmem:s26] =	stream.indirect.scatter.add.f32 [tilespmem:s21], [sflag:$0x4], $0x80, s12, s17, $0xb8;
	[tilespmem:$0x1C800] =	vst v63  }
0xdc: {  	_ =	swait.ge [sflag:s25], $0x4000  }
0xdd: {  	[sflag:s25] =	ssyncset.done $0x0  }
0xde: {  	[sflag:s25] =	ssyncadd.s32 $0xFFFFC000  }
0xdf: {  	[tilespmem:s18], [sflag:$0x2] =	stream.indirect.gather [spmem:s29], $0x80, s15, s17, $0xb8;
	[tilespmem:$0x1C800] =	vst v63  }
0xe0: {  	_ =	swait.ge [sflag:s24], $0x4000  }
0xe1: {  	[sflag:s24] =	ssyncset.done $0x0  }
0xe2: {  	s28 =	rddreg [dreg:$0x1e];
	[sflag:s24] =	ssyncadd.s32 $0xFFFFC000  }
0xe3: {  	[tilespmem:s21], [sflag:$0x1] =	stream.linear.gather [hbm4b:s28+s0], $0x4000, $0x38;
	[tilespmem:$0x1C800] =	vst v63  }
0xe4: {  	_ =	swait.ge [sflag:s22], $0x4000  }
0xe5: {  	[sflag:s22] =	ssyncset.done $0x0  }
0xe6: {  	s28 =	rddreg [dreg:$0x1d];
	[sflag:s22] =	ssyncadd.s32 $0xFFFFC000  }
0xe7: {  	[hbm4b:s28+s0] =	stream.linear.scatter [tilespmem:s20], [sflag:$0x3], $0x4000, $0x38;
	[tilespmem:$0x1C800] =	vst v63  }
0xe8: {  	_ =	swait.ge [sflag:s16], $0x4000  }
0xe9: {  	[sflag:s16] =	ssyncset.done $0x0  }
0xea: {  	[sflag:s16] =	ssyncadd.s32 $0xFFFFC000  }
0xeb: {  	[spmem:s26] =	stream.indirect.scatter.add.f32 [tilespmem:s0], [sflag:$0x4], $0x80, s13, s17, $0xb8;
	[tilespmem:$0x1C800] =	vst v63  }
0xec: {  	_ =	swait.ge [sflag:s24], $0x4000  }
0xed: {  	[sflag:s24] =	ssyncset.done $0x0  }
0xee: {  	s28 =	rddreg [dreg:$0x1f];
	[sflag:s24] =	ssyncadd.s32 $0xFFFFC000  }
0xef: {  	[tilespmem:s0], [sflag:$0x1] =	stream.linear.gather [hbm4b:s28+s0], $0x4000, $0x38;
	[tilespmem:$0x1C800] =	vst v63  }
0xf0: {  	_ =	swait.ge [sflag:s22], $0x4000  }
0xf1: {  	s28 =	sld [smem:$0x7FD]  }
0xf2: {  	[sflag:s22] =	ssyncset.done $0x0  }
0xf3: {  	[sflag:s22] =	ssyncadd.s32 $0xFFFFC000  }
0xf4: {  	[hbm4b:s28+s0] =	stream.linear.scatter [tilespmem:s23], [sflag:$0x3], $0x4000, $0x38;
	[tilespmem:$0x1C800] =	vst v63  }
0xf5: {  	_ =	swait.ge [sflag:s16], $0x4000  }
0xf6: {  	[sflag:s16] =	ssyncset.done $0x0  }
0xf7: {  	[sflag:s16] =	ssyncadd.s32 $0xFFFFC000  }
0xf8: {  	[spmem:s26] =	stream.indirect.scatter.add.f32 [tilespmem:s21], [sflag:$0x4], $0x80, s14, s17, $0xb8;
	[tilespmem:$0x1C800] =	vst v63  }
0xf9: {  	_ =	swait.ge [sflag:s22], $0x4000  }
0xfa: {  	[sflag:s22] =	ssyncset.done $0x0  }
0xfb: {  	[sflag:s22] =	ssyncadd.s32 $0xFFFFC000  }
0xfc: {  	[hbm4b:s1+s0] =	stream.linear.scatter [tilespmem:s18], [sflag:$0x3], $0x4000, $0x38;
	[tilespmem:$0x1C800] =	vst v63  }
0xfd: {  	_ =	swait.ge [sflag:s16], $0x4000  }
0xfe: {  	[sflag:s16] =	ssyncset.done $0x0  }
0xff: {  	[sflag:s16] =	ssyncadd.s32 $0xFFFFC000  }
0x100: {  	[spmem:s26] =	stream.indirect.scatter.add.f32 [tilespmem:s0], [sflag:$0x4], $0x80, s15, s17, $0xb8;
	[tilespmem:$0x1C800] =	vst v63  }
0x101: {  	_ =	swait.ge [sflag:s25], $0x4000  }
0x102: {  	[sflag:s25] =	ssyncset.done $0x0  }
0x103: {  	[sflag:s25] =	ssyncadd.s32 $0xFFFFC000  }
0x104: {  	_ =	swait.ge [sflag:s24], $0x4000  }
0x105: {  	[sflag:s24] =	ssyncset.done $0x0  }
0x106: {  	[sflag:s24] =	ssyncadd.s32 $0xFFFFC000  }
0x107: {  	_ =	swait.ge [sflag:s25], $0x4000  }
0x108: {  	[sflag:s25] =	ssyncset.done $0x0  }
0x109: {  	[sflag:s25] =	ssyncadd.s32 $0xFFFFC000  }
0x10a: {  	_ =	swait.ge [sflag:s24], $0x4000  }
0x10b: {  	[sflag:s24] =	ssyncset.done $0x0  }
0x10c: {  	s30 =	sadd.s32 $0x1, s30;
	[sflag:s24] =	ssyncadd.s32 $0xFFFFC000  }
0x10d: {  	p1 =	sne.s32 s30, s4;
	s28 =	sshrl.u32 @!p0 s26, $0x3;
	[bflag:$0x0] =	sbarrier.arrive $0xFFFF  }
0x10e: {  	[hbm:s3], [sflag:s31] =	dma.local @!p0 [spmem:s28], $0x4000  }
.Ltmp1:
0x10f: {  	_ = 	snop;
	(pc) =	sbr.rel @p1 .LBB2_1-.Ltmp1, $4  }
0x110: {  	s28 =	simm.s32 @!p0 $0x5  }
0x111: {  	_ =	swait.ge @!p0 [sflag:s28], $0x4000  }
0x112: {  	[sflag:s28] =	ssyncset.done @!p0 $0x0  }
0x113: {  	[sflag:s28] =	ssyncadd.s32 @!p0 $0xFFFFC000  }
0x114: {  	_ =	sfence.sel $0x180000  }
0x115: {  	[bflag:$0x0] =	sbarrier.arrive $0xFFFF  }
0x116: {  	_ =	strace $0x90000047  }
0x117: {  	[bflag:$0x2] =	sbarrier.arrive $0xFFFF  }
0x118: {  	s0 =	rddreg [dreg:$0x5]  }
0x119: {  	s0 =	sadd.s32 @!p0 $0x100000, s0  }
0x11a: {  	[sflag:s0] =	ssyncadd.tile.s32 @!p0 $0x1;
	_ =	shalt  }
.Lfunc_end2:
_tile_overlayer_lowered:
.L_overlay_start_2:
0x11b: {  	(tag) =	ssettag $0x2  }
0x11c: {  	s0 =	rddreg [dreg:$0x0];
	s2 =	stileid.u32  }
0x11d: {  	s1 =	rddreg [dreg:$0x1];
	p0 =	sne.s32 s2, $0x0  }
0x11e: {  	s3 =	rddreg [dreg:$0x2];
	[bflag:$0x3] =	sbarrier.arrive $0xFFFF;
	s2 =	simm.s32 @!p0 $0x1C05  }
0x11f: {  	[timem:s3], [sflag:s2] =	dma.local @!p0 [hbm:s0], s1  }
0x120: {  	s0 =	simm.s32 @!p0 $0x5  }
0x121: {  	_ =	swait.ge @!p0 [sflag:s0], s1  }
0x122: {  	s1 =	ssub.s32 @!p0 $0x0, s1;
	[sflag:s0] =	ssyncset.done @!p0 $0x0  }
0x123: {  	[sflag:s0] =	ssyncadd.s32 @!p0 s1  }
0x124: {  	[bflag:$0x3] =	sbarrier.arrive $0xFFFF  }
0x125: {  	_ =	shalt  }

</sc_bundles>
